<compile_context>
chip_gen: v7x
topology: tpu7x:2x2x1
jax: 0.10.2.dev20260603
libtpu: 0.0.44.dev20260713+nightly
codegen_flags: <defaults>
</compile_context>

<pallas_src>
import functools

import jax
import jax.numpy as jnp
from jax import lax
from jax.experimental import pallas as pl
from jax.experimental.pallas import tpu as pltpu
from jax.experimental.pallas import tpu_sc as plsc

N = 10000
E = 320000
D = 128
NCLS = 256
NC = 2
NS = 16
NW = NC * NS
CH = 128
EPW = 10240
NCHUNK = EPW // CH
PAD = EPW - E // NW
ACC_ROWS = 10112
TRASH = N
RPT = ACC_ROWS // NS

_mesh = plsc.VectorSubcoreMesh(core_axis_name="c", subcore_axis_name="s")


def _zero_vmem_rows(buf, nrows, ncols):
    z = jnp.zeros((16,), jnp.float32)

    def body(k, _):
        i = k // (ncols // 16)
        j = k % (ncols // 16)
        buf[i, pl.ds(j * 16, 16)] = z
        return 0

    lax.fori_loop(0, nrows * (ncols // 16), body, 0)


@functools.partial(
    pl.kernel,
    out_type=jax.ShapeDtypeStruct((NC, ACC_ROWS, 16), jnp.float32),
    mesh=_mesh,
    scratch_types=[
        pltpu.VMEM((CH,), jnp.int32),
        pltpu.VMEM((CH, 16), jnp.float32),
        pltpu.VMEM_SHARED((ACC_ROWS, 16), jnp.float32),
    ],
)
def _sc_degree(dst_hbm, out_hbm, didx, obuf, hist):
    c = lax.axis_index("c")
    s = lax.axis_index("s")
    w = s * NC + c

    _zero_vmem_rows(obuf, CH, 16)
    r0 = s * RPT
    pltpu.sync_copy(obuf.at[pl.ds(0, CH)], hist.at[pl.ds(r0, CH)])
    pltpu.sync_copy(obuf.at[pl.ds(0, CH)], hist.at[pl.ds(r0 + CH, CH)])
    pltpu.sync_copy(obuf.at[pl.ds(0, CH)], hist.at[pl.ds(r0 + 2 * CH, CH)])
    pltpu.sync_copy(obuf.at[pl.ds(0, CH)], hist.at[pl.ds(r0 + 3 * CH, CH)])
    pltpu.sync_copy(obuf.at[pl.ds(0, RPT - 4 * CH)],
                    hist.at[pl.ds(r0 + 4 * CH, RPT - 4 * CH)])

    one = jnp.ones((16,), jnp.float32)

    def fill(i, _):
        obuf[i, pl.ds(0, 16)] = one
        return 0

    lax.fori_loop(0, CH, fill, 0)
    plsc.subcore_barrier()

    def chunk(j, _):
        base = w * EPW + j * CH
        pltpu.sync_copy(dst_hbm.at[pl.ds(base, CH)], didx)
        pltpu.sync_copy(obuf, hist.at[didx], add=True)
        return 0

    lax.fori_loop(0, NCHUNK, chunk, 0)
    plsc.subcore_barrier()

    pltpu.sync_copy(hist.at[pl.ds(r0, RPT)], out_hbm.at[c, pl.ds(r0, RPT)])


@functools.partial(
    pl.kernel,
    out_type=jax.ShapeDtypeStruct((NC, ACC_ROWS, D), jnp.float32),
    mesh=_mesh,
    scratch_types=[
        pltpu.VMEM((CH,), jnp.int32),
        pltpu.VMEM((CH,), jnp.int32),
        pltpu.VMEM((CH,), jnp.int32),
        pltpu.VMEM((CH,), jnp.int32),
        pltpu.VMEM((CH, D), jnp.float32),
        pltpu.VMEM((CH, D), jnp.float32),
        pltpu.VMEM_SHARED((ACC_ROWS, D), jnp.float32),
        pltpu.SemaphoreType.DMA,
        pltpu.SemaphoreType.DMA,
        pltpu.SemaphoreType.DMA,
        pltpu.SemaphoreType.DMA,
        pltpu.SemaphoreType.DMA,
        pltpu.SemaphoreType.DMA,
    ],
)
def _sc_scatter(g_hbm, src_hbm, dst_hbm, out_hbm, sidx0, sidx1, didx0, didx1,
                rows0, rows1, acc, gsem0, gsem1, ssem0, ssem1, dsem0, dsem1):
    c = lax.axis_index("c")
    s = lax.axis_index("s")
    w = s * NC + c

    _zero_vmem_rows(rows0, CH, D)
    r0 = s * RPT
    pltpu.sync_copy(rows0.at[pl.ds(0, CH)], acc.at[pl.ds(r0, CH)])
    pltpu.sync_copy(rows0.at[pl.ds(0, CH)], acc.at[pl.ds(r0 + CH, CH)])
    pltpu.sync_copy(rows0.at[pl.ds(0, CH)], acc.at[pl.ds(r0 + 2 * CH, CH)])
    pltpu.sync_copy(rows0.at[pl.ds(0, CH)], acc.at[pl.ds(r0 + 3 * CH, CH)])
    pltpu.sync_copy(rows0.at[pl.ds(0, RPT - 4 * CH)],
                    acc.at[pl.ds(r0 + 4 * CH, RPT - 4 * CH)])
    plsc.subcore_barrier()

    base = w * EPW

    pltpu.sync_copy(src_hbm.at[pl.ds(base, CH)], sidx0)
    pltpu.sync_copy(dst_hbm.at[pl.ds(base, CH)], didx0)
    pltpu.sync_copy(src_hbm.at[pl.ds(base + CH, CH)], sidx1)
    pltpu.sync_copy(dst_hbm.at[pl.ds(base + CH, CH)], didx1)
    pltpu.async_copy(g_hbm.at[sidx0], rows0, gsem0)
    pltpu.async_copy(g_hbm.at[sidx1], rows1, gsem1)
    nhalf = NCHUNK // 2

    def body(i, _):
        for p, (sidx, didx, rows, gsem, ssem, dsem) in enumerate(
                ((sidx0, didx0, rows0, gsem0, ssem0, dsem0),
                 (sidx1, didx1, rows1, gsem1, ssem1, dsem1))):
            j = 2 * i + p
            pltpu.make_async_copy(g_hbm.at[sidx], rows, gsem).wait()

            pltpu.sync_copy(rows, acc.at[didx], add=True)

            @pl.when(i < nhalf - 1)
            def _():
                pltpu.sync_copy(src_hbm.at[pl.ds(base + (j + 2) * CH, CH)],
                                sidx)
                pltpu.sync_copy(dst_hbm.at[pl.ds(base + (j + 2) * CH, CH)],
                                didx)
                pltpu.async_copy(g_hbm.at[sidx], rows, gsem)

        return 0

    lax.fori_loop(0, nhalf, body, 0)
    plsc.subcore_barrier()

    pltpu.sync_copy(acc.at[pl.ds(r0, RPT)], out_hbm.at[c, pl.ds(r0, RPT)])



_RB = 1000
_GRID = N // _RB


def _tc_first_body(x_ref, w_ref, d0_ref, d1_ref, g_ref, dinv_ref):
    deg = 1.0 + d0_ref[:, 0] + d1_ref[:, 0]
    dinv = lax.rsqrt(deg)[:, None]
    g_ref[...] = jnp.dot(x_ref[...], w_ref[...],
                         preferred_element_type=jnp.float32) * dinv
    dinv_ref[...] = jnp.broadcast_to(dinv, dinv_ref.shape)


def _tc_first(x, w0, d0, d1):
    return pl.pallas_call(
        _tc_first_body,
        grid=(_GRID,),
        in_specs=[
            pl.BlockSpec((_RB, D), lambda i: (i, 0)),
            pl.BlockSpec((D, D), lambda i: (0, 0)),
            pl.BlockSpec((_RB, 16), lambda i: (i, 0)),
            pl.BlockSpec((_RB, 16), lambda i: (i, 0)),
        ],
        out_specs=[
            pl.BlockSpec((_RB, D), lambda i: (i, 0)),
            pl.BlockSpec((_RB, D), lambda i: (i, 0)),
        ],
        out_shape=[
            jax.ShapeDtypeStruct((N, D), jnp.float32),
            jax.ShapeDtypeStruct((N, D), jnp.float32),
        ],
    )(x, w0, d0, d1)


def _tc_mid_body(acc_ref, g_ref, dinv_ref, b_ref, w_ref, out_ref):
    a = acc_ref[0] + acc_ref[1] + g_ref[...]
    h = jnp.maximum(a * dinv_ref[...] + b_ref[...], 0.0)
    out_ref[...] = jnp.dot(h, w_ref[...],
                           preferred_element_type=jnp.float32) * dinv_ref[...]


def _tc_mid(accp, g, dinvb, b, w):
    return pl.pallas_call(
        _tc_mid_body,
        grid=(_GRID,),
        in_specs=[
            pl.BlockSpec((NC, _RB, D), lambda i: (0, i, 0)),
            pl.BlockSpec((_RB, D), lambda i: (i, 0)),
            pl.BlockSpec((_RB, D), lambda i: (i, 0)),
            pl.BlockSpec((1, D), lambda i: (0, 0)),
            pl.BlockSpec((D, D), lambda i: (0, 0)),
        ],
        out_specs=pl.BlockSpec((_RB, D), lambda i: (i, 0)),
        out_shape=jax.ShapeDtypeStruct((N, D), jnp.float32),
    )(accp, g, dinvb, b, w)


def _tc_final_body(acc_ref, g_ref, dinv_ref, b_ref, wfc_ref, bfc_ref, out_ref):
    a = acc_ref[0] + acc_ref[1] + g_ref[...]
    h = jnp.maximum(a * dinv_ref[...] + b_ref[...], 0.0)
    out_ref[...] = jnp.dot(h, wfc_ref[...],
                           preferred_element_type=jnp.float32) + bfc_ref[...]


def _tc_final(accp, g, dinvb, b, wfc, bfc):
    return pl.pallas_call(
        _tc_final_body,
        grid=(_GRID,),
        in_specs=[
            pl.BlockSpec((NC, _RB, D), lambda i: (0, i, 0)),
            pl.BlockSpec((_RB, D), lambda i: (i, 0)),
            pl.BlockSpec((_RB, D), lambda i: (i, 0)),
            pl.BlockSpec((1, D), lambda i: (0, 0)),
            pl.BlockSpec((D, NCLS), lambda i: (0, 0)),
            pl.BlockSpec((1, NCLS), lambda i: (0, 0)),
        ],
        out_specs=pl.BlockSpec((_RB, NCLS), lambda i: (i, 0)),
        out_shape=jax.ShapeDtypeStruct((N, NCLS), jnp.float32),
    )(accp, g, dinvb, b, wfc, bfc)


def kernel(x, edge_index, W0, b0, W1, b1, W2, b2, Wfc, bfc):
    src = edge_index[0].astype(jnp.int32)
    dst = edge_index[1].astype(jnp.int32)

    src_w = src.reshape(NW, E // NW)
    dst_w = dst.reshape(NW, E // NW)
    pad_s = jnp.zeros((NW, PAD), jnp.int32)
    pad_d = jnp.full((NW, PAD), TRASH, jnp.int32)
    src_p = jnp.concatenate([src_w, pad_s], axis=1).reshape(-1)
    dst_p = jnp.concatenate([dst_w, pad_d], axis=1).reshape(-1)

    degp = _sc_degree(dst_p)
    d0 = degp[0, :N, :]
    d1 = degp[1, :N, :]

    g0, dinvb = _tc_first(x, W0, d0, d1)

    acc1 = _sc_scatter(g0, src_p, dst_p)
    g1 = _tc_mid(acc1[:, :N, :], g0, dinvb, b0.reshape(1, D), W1)

    acc2 = _sc_scatter(g1, src_p, dst_p)
    g2 = _tc_mid(acc2[:, :N, :], g1, dinvb, b1.reshape(1, D), W2)

    acc3 = _sc_scatter(g2, src_p, dst_p)
    out = _tc_final(acc3[:, :N, :], g2, dinvb, b2.reshape(1, D), Wfc,
                    bfc.reshape(1, NCLS))
    return out

# --- scband reference (transcript-rebuilt; emitter-appended) ---
"""Pipeline reference for scband-pi-gnnembedding-35064113004897 (READ-ONLY COPY).

The authoritative reference and input builder live on the scoring server;
editing this copy changes nothing except your own understanding.
"""

import jax, jax.numpy as jnp
import numpy as np

N_NODES = 10000
N_EDGES = 320000
IN_DIM = 128
HID_DIM = 128
N_CLASSES = 256


def gcn_conv(x, src, dst, W, b, num_nodes):
    # GCNConv: symmetric normalization with self-loops
    loop = jnp.arange(num_nodes, dtype=src.dtype)
    src_sl = jnp.concatenate([src, loop])
    dst_sl = jnp.concatenate([dst, loop])
    deg = jnp.zeros((num_nodes,), dtype=x.dtype).at[dst_sl].add(1.0)
    dinv = jnp.where(deg > 0, 1.0 / jnp.sqrt(deg), 0.0)
    norm = dinv[src_sl] * dinv[dst_sl]
    h = x @ W
    msg = h[src_sl] * norm[:, None]
    out = jnp.zeros((num_nodes, W.shape[1]), dtype=x.dtype).at[dst_sl].add(msg)
    return out + b


def setup_inputs(seed: int = 0) -> dict:
    key = jax.random.key(seed)
    ks = jax.random.split(key, 12)
    x = jax.random.normal(ks[0], (N_NODES, IN_DIM), dtype=jnp.float32)
    edge_index = jax.random.randint(ks[1], (2, N_EDGES), 0, N_NODES, dtype=jnp.int64)
    s0 = 1.0 / np.sqrt(IN_DIM)
    s1 = 1.0 / np.sqrt(HID_DIM)
    W0 = jax.random.uniform(ks[2], (IN_DIM, HID_DIM), jnp.float32, -s0, s0)
    b0 = jnp.zeros((HID_DIM,), jnp.float32)
    W1 = jax.random.uniform(ks[3], (HID_DIM, HID_DIM), jnp.float32, -s1, s1)
    b1 = jnp.zeros((HID_DIM,), jnp.float32)
    W2 = jax.random.uniform(ks[4], (HID_DIM, HID_DIM), jnp.float32, -s1, s1)
    b2 = jnp.zeros((HID_DIM,), jnp.float32)
    Wfc = jax.random.uniform(ks[5], (HID_DIM, N_CLASSES), jnp.float32, -s1, s1)
    bfc = jax.random.uniform(ks[6], (N_CLASSES,), jnp.float32, -s1, s1)
    return {"x": x, "edge_index": edge_index, "W0": W0, "b0": b0, "W1": W1, "b1": b1, "W2": W2, "b2": b2, "Wfc": Wfc, "bfc": bfc}


def reference(x, edge_index, W0, b0, W1, b1, W2, b2, Wfc, bfc):
    src = edge_index[0]
    dst = edge_index[1]
    num_nodes = x.shape[0]
    h = x
    for (W, b) in ((W0, b0), (W1, b1), (W2, b2)):
        h = gcn_conv(h, src, dst, W, b, num_nodes)
        h = jax.nn.relu(h)
        # dropout p=0.0 (eval / identity)
    out = h @ Wfc + bfc
    return out

if __name__ == "__main__":
    import jax
    _d = setup_inputs()
    print(jax.jit(kernel)(*tuple(_d.values())))

</pallas_src>

<mosaic_0001>
#map = affine_map<(d0, d1) -> (0, 0)>
#map1 = affine_map<(d0, d1) -> (0)>
#map2 = affine_map<(d0, d1) -> (0, 0, 0)>
module attributes {stable_mosaic.version = 14 : i64} {
  func.func @_sc_scatter(%arg0: i32, %arg1: i32, %arg2: memref<10000x128xf32, #tpu.memory_space<hbm>>, %arg3: memref<327680xi32, #tpu.memory_space<hbm>>, %arg4: memref<327680xi32, #tpu.memory_space<hbm>>, %arg5: memref<2x10112x128xf32, #tpu.memory_space<hbm>>, %arg6: memref<128xi32, #tpu.memory_space<vmem>>, %arg7: memref<128xi32, #tpu.memory_space<vmem>>, %arg8: memref<128xi32, #tpu.memory_space<vmem>>, %arg9: memref<128xi32, #tpu.memory_space<vmem>>, %arg10: memref<128x128xf32, #tpu.memory_space<vmem>>, %arg11: memref<128x128xf32, #tpu.memory_space<vmem>>, %arg12: memref<10112x128xf32, #tpu.memory_space<vmem_shared>>, %arg13: memref<!tpu.dma_semaphore, #tpu.memory_space<semaphore_mem>>, %arg14: memref<!tpu.dma_semaphore, #tpu.memory_space<semaphore_mem>>, %arg15: memref<!tpu.dma_semaphore, #tpu.memory_space<semaphore_mem>>, %arg16: memref<!tpu.dma_semaphore, #tpu.memory_space<semaphore_mem>>, %arg17: memref<!tpu.dma_semaphore, #tpu.memory_space<semaphore_mem>>, %arg18: memref<!tpu.dma_semaphore, #tpu.memory_space<semaphore_mem>>) attributes {dimension_semantics = [#tpu.dimension_semantics<core_parallel>, #tpu.dimension_semantics<subcore_parallel>], iteration_bounds = array<i64: 2, 16>, scalar_prefetch = 0 : i64, scratch_operands = 13 : i64, tpu.core_type = #tpu.core_type<sc_vector_subcore>, window_params = [{transform_indices = #map}, {transform_indices = #map1}, {transform_indices = #map1}, {transform_indices = #map2}]} {
    %mul3A = arith.constant 2 : i32
    %mul3A_0 = arith.muli %arg1, %mul3A : i32
    %add3A = arith.addi %mul3A_0, %arg0 : i32
    %broadcast_in_dim3A = arith.constant 0.000000e+00 : f32
    %broadcast_in_dim3A_1 = vector.broadcast %broadcast_in_dim3A : f32 to vector<16xf32>
    %scan3A = arith.constant 0 : i32
    %scan3A_2 = arith.constant 0 : i32
    %scan3A_3 = arith.constant 1024 : i32
    %scan3A_4 = arith.addi %scan3A_2, %scan3A_3 : i32
    %scan3A_5 = arith.constant 1 : i32
    %scan3A_6 = scf.for %scan3A_37 = %scan3A_2 to %scan3A_4 step %scan3A_5 iter_args(%scan3A_38 = %scan3A) -> (i32)  : i32 {
      %jit3A = arith.constant 8 : i32
      %div3A = arith.divsi %scan3A_37, %jit3A : i32
      %sign3A = arith.constant 0 : i32
      %sign3A_39 = arith.cmpi sgt, %scan3A_37, %sign3A : i32
      %sign3A_40 = arith.extui %sign3A_39 : i1 to i32
      %sign3A_41 = arith.constant 0 : i32
      %sign3A_42 = arith.cmpi slt, %scan3A_37, %sign3A_41 : i32
      %sign3A_43 = arith.extui %sign3A_42 : i1 to i32
      %sign3A_44 = arith.subi %sign3A_40, %sign3A_43 : i32
      %sign3A_45 = arith.constant 0 : i32
      %sign3A_46 = arith.cmpi sgt, %jit3A, %sign3A_45 : i32
      %sign3A_47 = arith.extui %sign3A_46 : i1 to i32
      %sign3A_48 = arith.constant 0 : i32
      %sign3A_49 = arith.cmpi slt, %jit3A, %sign3A_48 : i32
      %sign3A_50 = arith.extui %sign3A_49 : i1 to i32
      %sign3A_51 = arith.subi %sign3A_47, %sign3A_50 : i32
      %ne3A = arith.cmpi ne, %sign3A_44, %sign3A_51 : i32
      %rem3A = arith.remsi %scan3A_37, %jit3A : i32
      %ne3A_52 = arith.constant 0 : i32
      %ne3A_53 = arith.cmpi ne, %rem3A, %ne3A_52 : i32
      %and3A = arith.andi %ne3A, %ne3A_53 : i1
      %sub3A = arith.constant 1 : i32
      %sub3A_54 = arith.subi %div3A, %sub3A : i32
      %select_n3A = arith.select %and3A, %sub3A_54, %div3A : i32
      %jit3A_55 = arith.constant 8 : i32
      %eq3A = arith.constant 0 : i32
      %eq3A_56 = arith.cmpi eq, %jit3A_55, %eq3A : i32
      %jit3A_57 = arith.constant 1 : i32
      %select_n3A_58 = arith.select %eq3A_56, %jit3A_57, %jit3A_55 : i32
      %rem3A_59 = arith.remsi %scan3A_37, %select_n3A_58 : i32
      %ne3A_60 = arith.constant 0 : i32
      %ne3A_61 = arith.cmpi ne, %rem3A_59, %ne3A_60 : i32
      %lt3A = arith.constant 0 : i32
      %lt3A_62 = arith.cmpi slt, %rem3A_59, %lt3A : i32
      %lt3A_63 = arith.constant 0 : i32
      %lt3A_64 = arith.cmpi slt, %select_n3A_58, %lt3A_63 : i32
      %ne3A_65 = arith.xori %lt3A_62, %lt3A_64 : i1
      %and3A_66 = arith.andi %ne3A_65, %ne3A_61 : i1
      %add3A_67 = arith.addi %rem3A_59, %select_n3A_58 : i32
      %select_n3A_68 = arith.select %and3A_66, %add3A_67, %rem3A_59 : i32
      %mul3A_69 = arith.constant 16 : i32
      %mul3A_70 = arith.muli %select_n3A_68, %mul3A_69 : i32
      %swap3A = arith.index_cast %select_n3A : i32 to index
      %swap3A_71 = arith.index_cast %mul3A_70 : i32 to index
      %swap3A_72 = tpu.vector_load %arg10[%swap3A, %swap3A_71] {strides = array<i32>} : memref<128x128xf32, #tpu.memory_space<vmem>>, vector<1x16xf32>,
      %swap3A_73 = vector.shape_cast %swap3A_72 : vector<1x16xf32> to vector<16xf32>
      %swap3A_74 = vector.shape_cast %broadcast_in_dim3A_1 : vector<16xf32> to vector<1x16xf32>
      tpu.vector_store %arg10[%swap3A, %swap3A_71], %swap3A_74 {strides = array<i32>} : memref<128x128xf32, #tpu.memory_space<vmem>>, vector<1x16xf32>,
      %scan3A_75 = arith.constant 0 : i32
      scf.yield %scan3A_75 : i32
    }
    %scan3A_7 = arith.constant 1024 : i32
    %mul3A_8 = arith.constant 632 : i32
    %mul3A_9 = arith.muli %arg1, %mul3A_8 : i32
    "tpu.region"() ({
      %run_scoped3A = tpu.sem_alloc : memref<!tpu.dma_semaphore, #tpu.memory_space<semaphore_mem>>
      %dma_start3A_37 = arith.constant 0 : i32
      %dma_start3A_38 = arith.constant 0 : i32
      %dma_start3A_39 = tpu.memref_slice %arg10[%dma_start3A_37, %dma_start3A_38] : memref<128x128xf32, #tpu.memory_space<vmem>> -> memref<128x128xf32, #tpu.memory_space<vmem>>
      %dma_start3A_40 = arith.constant 0 : i32
      %dma_start3A_41 = tpu.memref_slice %arg12[%mul3A_9, %dma_start3A_40] : memref<10112x128xf32, #tpu.memory_space<vmem_shared>> -> memref<128x128xf32, #tpu.memory_space<vmem_shared>>
      %dma_start3A_42 = arith.constant 0 : i32
      %dma_start3A_43 = tpu.memref_slice %arg12[%mul3A_9, %dma_start3A_42] : memref<10112x128xf32, #tpu.memory_space<vmem_shared>> -> memref<128x128xf32, #tpu.memory_space<vmem_shared>>
      %dma_start3A_44 = arith.constant 0 : i32
      %dma_start3A_45 = arith.constant 0 : i32
      %dma_start3A_46 = tpu.memref_slice %arg10[%dma_start3A_44, %dma_start3A_45] : memref<128x128xf32, #tpu.memory_space<vmem>> -> memref<128x128xf32, #tpu.memory_space<vmem>>
      tpu.enqueue_dma source(%dma_start3A_46 : memref<128x128xf32, #tpu.memory_space<vmem>>) target(%dma_start3A_43 : memref<128x128xf32, #tpu.memory_space<vmem_shared>>) target_semaphore(%run_scoped3A : memref<!tpu.dma_semaphore, #tpu.memory_space<semaphore_mem>>)
      %dma_wait3A = arith.constant 0 : i32
      %dma_wait3A_47 = arith.constant 0 : i32
      %dma_wait3A_48 = tpu.memref_slice %arg10[%dma_wait3A, %dma_wait3A_47] : memref<128x128xf32, #tpu.memory_space<vmem>> -> memref<128x128xf32, #tpu.memory_space<vmem>>
      %dma_wait3A_49 = arith.constant 0 : i32
      %dma_wait3A_50 = tpu.memref_slice %arg12[%mul3A_9, %dma_wait3A_49] : memref<10112x128xf32, #tpu.memory_space<vmem_shared>> -> memref<128x128xf32, #tpu.memory_space<vmem_shared>>
      %dma_wait3A_51 = arith.constant 0 : i32
      %dma_wait3A_52 = tpu.memref_slice %arg12[%mul3A_9, %dma_wait3A_51] : memref<10112x128xf32, #tpu.memory_space<vmem_shared>> -> memref<128x128xf32, #tpu.memory_space<vmem_shared>>
      %dma_wait3A_53 = arith.constant 0 : i32
      %dma_wait3A_54 = arith.constant 0 : i32
      %dma_wait3A_55 = tpu.memref_slice %arg10[%dma_wait3A_53, %dma_wait3A_54] : memref<128x128xf32, #tpu.memory_space<vmem>> -> memref<128x128xf32, #tpu.memory_space<vmem>>
      tpu.wait_dma2 semaphore(%run_scoped3A : memref<!tpu.dma_semaphore, #tpu.memory_space<semaphore_mem>>) src(%dma_wait3A_55 : memref<128x128xf32, #tpu.memory_space<vmem>>) dst(%dma_wait3A_52 : memref<128x128xf32, #tpu.memory_space<vmem_shared>>)
      tpu.yield
    }) : () -> ()
    %add3A_10 = arith.constant 128 : i32
    %add3A_11 = arith.addi %mul3A_9, %add3A_10 : i32
    "tpu.region"() ({
      %run_scoped3A = tpu.sem_alloc : memref<!tpu.dma_semaphore, #tpu.memory_space<semaphore_mem>>
      %dma_start3A_37 = arith.constant 0 : i32
      %dma_start3A_38 = arith.constant 0 : i32
      %dma_start3A_39 = tpu.memref_slice %arg10[%dma_start3A_37, %dma_start3A_38] : memref<128x128xf32, #tpu.memory_space<vmem>> -> memref<128x128xf32, #tpu.memory_space<vmem>>
      %dma_start3A_40 = arith.constant 0 : i32
      %dma_start3A_41 = tpu.memref_slice %arg12[%add3A_11, %dma_start3A_40] : memref<10112x128xf32, #tpu.memory_space<vmem_shared>> -> memref<128x128xf32, #tpu.memory_space<vmem_shared>>
      %dma_start3A_42 = arith.constant 0 : i32
      %dma_start3A_43 = tpu.memref_slice %arg12[%add3A_11, %dma_start3A_42] : memref<10112x128xf32, #tpu.memory_space<vmem_shared>> -> memref<128x128xf32, #tpu.memory_space<vmem_shared>>
      %dma_start3A_44 = arith.constant 0 : i32
      %dma_start3A_45 = arith.constant 0 : i32
      %dma_start3A_46 = tpu.memref_slice %arg10[%dma_start3A_44, %dma_start3A_45] : memref<128x128xf32, #tpu.memory_space<vmem>> -> memref<128x128xf32, #tpu.memory_space<vmem>>
      tpu.enqueue_dma source(%dma_start3A_46 : memref<128x128xf32, #tpu.memory_space<vmem>>) target(%dma_start3A_43 : memref<128x128xf32, #tpu.memory_space<vmem_shared>>) target_semaphore(%run_scoped3A : memref<!tpu.dma_semaphore, #tpu.memory_space<semaphore_mem>>)
      %dma_wait3A = arith.constant 0 : i32
      %dma_wait3A_47 = arith.constant 0 : i32
      %dma_wait3A_48 = tpu.memref_slice %arg10[%dma_wait3A, %dma_wait3A_47] : memref<128x128xf32, #tpu.memory_space<vmem>> -> memref<128x128xf32, #tpu.memory_space<vmem>>
      %dma_wait3A_49 = arith.constant 0 : i32
      %dma_wait3A_50 = tpu.memref_slice %arg12[%add3A_11, %dma_wait3A_49] : memref<10112x128xf32, #tpu.memory_space<vmem_shared>> -> memref<128x128xf32, #tpu.memory_space<vmem_shared>>
      %dma_wait3A_51 = arith.constant 0 : i32
      %dma_wait3A_52 = tpu.memref_slice %arg12[%add3A_11, %dma_wait3A_51] : memref<10112x128xf32, #tpu.memory_space<vmem_shared>> -> memref<128x128xf32, #tpu.memory_space<vmem_shared>>
      %dma_wait3A_53 = arith.constant 0 : i32
      %dma_wait3A_54 = arith.constant 0 : i32
      %dma_wait3A_55 = tpu.memref_slice %arg10[%dma_wait3A_53, %dma_wait3A_54] : memref<128x128xf32, #tpu.memory_space<vmem>> -> memref<128x128xf32, #tpu.memory_space<vmem>>
      tpu.wait_dma2 semaphore(%run_scoped3A : memref<!tpu.dma_semaphore, #tpu.memory_space<semaphore_mem>>) src(%dma_wait3A_55 : memref<128x128xf32, #tpu.memory_space<vmem>>) dst(%dma_wait3A_52 : memref<128x128xf32, #tpu.memory_space<vmem_shared>>)
      tpu.yield
    }) : () -> ()
    %add3A_12 = arith.constant 256 : i32
    %add3A_13 = arith.addi %mul3A_9, %add3A_12 : i32
    "tpu.region"() ({
      %run_scoped3A = tpu.sem_alloc : memref<!tpu.dma_semaphore, #tpu.memory_space<semaphore_mem>>
      %dma_start3A_37 = arith.constant 0 : i32
      %dma_start3A_38 = arith.constant 0 : i32
      %dma_start3A_39 = tpu.memref_slice %arg10[%dma_start3A_37, %dma_start3A_38] : memref<128x128xf32, #tpu.memory_space<vmem>> -> memref<128x128xf32, #tpu.memory_space<vmem>>
      %dma_start3A_40 = arith.constant 0 : i32
      %dma_start3A_41 = tpu.memref_slice %arg12[%add3A_13, %dma_start3A_40] : memref<10112x128xf32, #tpu.memory_space<vmem_shared>> -> memref<128x128xf32, #tpu.memory_space<vmem_shared>>
      %dma_start3A_42 = arith.constant 0 : i32
      %dma_start3A_43 = tpu.memref_slice %arg12[%add3A_13, %dma_start3A_42] : memref<10112x128xf32, #tpu.memory_space<vmem_shared>> -> memref<128x128xf32, #tpu.memory_space<vmem_shared>>
      %dma_start3A_44 = arith.constant 0 : i32
      %dma_start3A_45 = arith.constant 0 : i32
      %dma_start3A_46 = tpu.memref_slice %arg10[%dma_start3A_44, %dma_start3A_45] : memref<128x128xf32, #tpu.memory_space<vmem>> -> memref<128x128xf32, #tpu.memory_space<vmem>>
      tpu.enqueue_dma source(%dma_start3A_46 : memref<128x128xf32, #tpu.memory_space<vmem>>) target(%dma_start3A_43 : memref<128x128xf32, #tpu.memory_space<vmem_shared>>) target_semaphore(%run_scoped3A : memref<!tpu.dma_semaphore, #tpu.memory_space<semaphore_mem>>)
      %dma_wait3A = arith.constant 0 : i32
      %dma_wait3A_47 = arith.constant 0 : i32
      %dma_wait3A_48 = tpu.memref_slice %arg10[%dma_wait3A, %dma_wait3A_47] : memref<128x128xf32, #tpu.memory_space<vmem>> -> memref<128x128xf32, #tpu.memory_space<vmem>>
      %dma_wait3A_49 = arith.constant 0 : i32
      %dma_wait3A_50 = tpu.memref_slice %arg12[%add3A_13, %dma_wait3A_49] : memref<10112x128xf32, #tpu.memory_space<vmem_shared>> -> memref<128x128xf32, #tpu.memory_space<vmem_shared>>
      %dma_wait3A_51 = arith.constant 0 : i32
      %dma_wait3A_52 = tpu.memref_slice %arg12[%add3A_13, %dma_wait3A_51] : memref<10112x128xf32, #tpu.memory_space<vmem_shared>> -> memref<128x128xf32, #tpu.memory_space<vmem_shared>>
      %dma_wait3A_53 = arith.constant 0 : i32
      %dma_wait3A_54 = arith.constant 0 : i32
      %dma_wait3A_55 = tpu.memref_slice %arg10[%dma_wait3A_53, %dma_wait3A_54] : memref<128x128xf32, #tpu.memory_space<vmem>> -> memref<128x128xf32, #tpu.memory_space<vmem>>
      tpu.wait_dma2 semaphore(%run_scoped3A : memref<!tpu.dma_semaphore, #tpu.memory_space<semaphore_mem>>) src(%dma_wait3A_55 : memref<128x128xf32, #tpu.memory_space<vmem>>) dst(%dma_wait3A_52 : memref<128x128xf32, #tpu.memory_space<vmem_shared>>)
      tpu.yield
    }) : () -> ()
    %add3A_14 = arith.constant 384 : i32
    %add3A_15 = arith.addi %mul3A_9, %add3A_14 : i32
    "tpu.region"() ({
      %run_scoped3A = tpu.sem_alloc : memref<!tpu.dma_semaphore, #tpu.memory_space<semaphore_mem>>
      %dma_start3A_37 = arith.constant 0 : i32
      %dma_start3A_38 = arith.constant 0 : i32
      %dma_start3A_39 = tpu.memref_slice %arg10[%dma_start3A_37, %dma_start3A_38] : memref<128x128xf32, #tpu.memory_space<vmem>> -> memref<128x128xf32, #tpu.memory_space<vmem>>
      %dma_start3A_40 = arith.constant 0 : i32
      %dma_start3A_41 = tpu.memref_slice %arg12[%add3A_15, %dma_start3A_40] : memref<10112x128xf32, #tpu.memory_space<vmem_shared>> -> memref<128x128xf32, #tpu.memory_space<vmem_shared>>
      %dma_start3A_42 = arith.constant 0 : i32
      %dma_start3A_43 = tpu.memref_slice %arg12[%add3A_15, %dma_start3A_42] : memref<10112x128xf32, #tpu.memory_space<vmem_shared>> -> memref<128x128xf32, #tpu.memory_space<vmem_shared>>
      %dma_start3A_44 = arith.constant 0 : i32
      %dma_start3A_45 = arith.constant 0 : i32
      %dma_start3A_46 = tpu.memref_slice %arg10[%dma_start3A_44, %dma_start3A_45] : memref<128x128xf32, #tpu.memory_space<vmem>> -> memref<128x128xf32, #tpu.memory_space<vmem>>
      tpu.enqueue_dma source(%dma_start3A_46 : memref<128x128xf32, #tpu.memory_space<vmem>>) target(%dma_start3A_43 : memref<128x128xf32, #tpu.memory_space<vmem_shared>>) target_semaphore(%run_scoped3A : memref<!tpu.dma_semaphore, #tpu.memory_space<semaphore_mem>>)
      %dma_wait3A = arith.constant 0 : i32
      %dma_wait3A_47 = arith.constant 0 : i32
      %dma_wait3A_48 = tpu.memref_slice %arg10[%dma_wait3A, %dma_wait3A_47] : memref<128x128xf32, #tpu.memory_space<vmem>> -> memref<128x128xf32, #tpu.memory_space<vmem>>
      %dma_wait3A_49 = arith.constant 0 : i32
      %dma_wait3A_50 = tpu.memref_slice %arg12[%add3A_15, %dma_wait3A_49] : memref<10112x128xf32, #tpu.memory_space<vmem_shared>> -> memref<128x128xf32, #tpu.memory_space<vmem_shared>>
      %dma_wait3A_51 = arith.constant 0 : i32
      %dma_wait3A_52 = tpu.memref_slice %arg12[%add3A_15, %dma_wait3A_51] : memref<10112x128xf32, #tpu.memory_space<vmem_shared>> -> memref<128x128xf32, #tpu.memory_space<vmem_shared>>
      %dma_wait3A_53 = arith.constant 0 : i32
      %dma_wait3A_54 = arith.constant 0 : i32
      %dma_wait3A_55 = tpu.memref_slice %arg10[%dma_wait3A_53, %dma_wait3A_54] : memref<128x128xf32, #tpu.memory_space<vmem>> -> memref<128x128xf32, #tpu.memory_space<vmem>>
      tpu.wait_dma2 semaphore(%run_scoped3A : memref<!tpu.dma_semaphore, #tpu.memory_space<semaphore_mem>>) src(%dma_wait3A_55 : memref<128x128xf32, #tpu.memory_space<vmem>>) dst(%dma_wait3A_52 : memref<128x128xf32, #tpu.memory_space<vmem_shared>>)
      tpu.yield
    }) : () -> ()
    %add3A_16 = arith.constant 512 : i32
    %add3A_17 = arith.addi %mul3A_9, %add3A_16 : i32
    "tpu.region"() ({
      %run_scoped3A = tpu.sem_alloc : memref<!tpu.dma_semaphore, #tpu.memory_space<semaphore_mem>>
      %dma_start3A_37 = arith.constant 0 : i32
      %dma_start3A_38 = arith.constant 0 : i32
      %dma_start3A_39 = tpu.memref_slice %arg10[%dma_start3A_37, %dma_start3A_38] : memref<128x128xf32, #tpu.memory_space<vmem>> -> memref<120x128xf32, #tpu.memory_space<vmem>>
      %dma_start3A_40 = arith.constant 0 : i32
      %dma_start3A_41 = tpu.memref_slice %arg12[%add3A_17, %dma_start3A_40] : memref<10112x128xf32, #tpu.memory_space<vmem_shared>> -> memref<120x128xf32, #tpu.memory_space<vmem_shared>>
      %dma_start3A_42 = arith.constant 0 : i32
      %dma_start3A_43 = tpu.memref_slice %arg12[%add3A_17, %dma_start3A_42] : memref<10112x128xf32, #tpu.memory_space<vmem_shared>> -> memref<120x128xf32, #tpu.memory_space<vmem_shared>>
      %dma_start3A_44 = arith.constant 0 : i32
      %dma_start3A_45 = arith.constant 0 : i32
      %dma_start3A_46 = tpu.memref_slice %arg10[%dma_start3A_44, %dma_start3A_45] : memref<128x128xf32, #tpu.memory_space<vmem>> -> memref<120x128xf32, #tpu.memory_space<vmem>>
      tpu.enqueue_dma source(%dma_start3A_46 : memref<120x128xf32, #tpu.memory_space<vmem>>) target(%dma_start3A_43 : memref<120x128xf32, #tpu.memory_space<vmem_shared>>) target_semaphore(%run_scoped3A : memref<!tpu.dma_semaphore, #tpu.memory_space<semaphore_mem>>)
      %dma_wait3A = arith.constant 0 : i32
      %dma_wait3A_47 = arith.constant 0 : i32
      %dma_wait3A_48 = tpu.memref_slice %arg10[%dma_wait3A, %dma_wait3A_47] : memref<128x128xf32, #tpu.memory_space<vmem>> -> memref<120x128xf32, #tpu.memory_space<vmem>>
      %dma_wait3A_49 = arith.constant 0 : i32
      %dma_wait3A_50 = tpu.memref_slice %arg12[%add3A_17, %dma_wait3A_49] : memref<10112x128xf32, #tpu.memory_space<vmem_shared>> -> memref<120x128xf32, #tpu.memory_space<vmem_shared>>
      %dma_wait3A_51 = arith.constant 0 : i32
      %dma_wait3A_52 = tpu.memref_slice %arg12[%add3A_17, %dma_wait3A_51] : memref<10112x128xf32, #tpu.memory_space<vmem_shared>> -> memref<120x128xf32, #tpu.memory_space<vmem_shared>>
      %dma_wait3A_53 = arith.constant 0 : i32
      %dma_wait3A_54 = arith.constant 0 : i32
      %dma_wait3A_55 = tpu.memref_slice %arg10[%dma_wait3A_53, %dma_wait3A_54] : memref<128x128xf32, #tpu.memory_space<vmem>> -> memref<120x128xf32, #tpu.memory_space<vmem>>
      tpu.wait_dma2 semaphore(%run_scoped3A : memref<!tpu.dma_semaphore, #tpu.memory_space<semaphore_mem>>) src(%dma_wait3A_55 : memref<120x128xf32, #tpu.memory_space<vmem>>) dst(%dma_wait3A_52 : memref<120x128xf32, #tpu.memory_space<vmem_shared>>)
      tpu.yield
    }) : () -> ()
    %barrier3A = arith.constant 0 : index
    tpu.barrier barrier_id(%barrier3A)
    %mul3A_18 = arith.constant 10240 : i32
    %mul3A_19 = arith.muli %add3A, %mul3A_18 : i32
    "tpu.region"() ({
      %run_scoped3A = tpu.sem_alloc : memref<!tpu.dma_semaphore, #tpu.memory_space<semaphore_mem>>
      %dma_start3A_37 = tpu.memref_slice %arg3[%mul3A_19] : memref<327680xi32, #tpu.memory_space<hbm>> -> memref<128xi32, #tpu.memory_space<hbm>>
      %dma_start3A_38 = tpu.memref_slice %arg3[%mul3A_19] : memref<327680xi32, #tpu.memory_space<hbm>> -> memref<128xi32, #tpu.memory_space<hbm>>
      tpu.enqueue_dma source(%dma_start3A_38 : memref<128xi32, #tpu.memory_space<hbm>>) target(%arg6 : memref<128xi32, #tpu.memory_space<vmem>>) target_semaphore(%run_scoped3A : memref<!tpu.dma_semaphore, #tpu.memory_space<semaphore_mem>>)
      %dma_wait3A = tpu.memref_slice %arg3[%mul3A_19] : memref<327680xi32, #tpu.memory_space<hbm>> -> memref<128xi32, #tpu.memory_space<hbm>>
      %dma_wait3A_39 = tpu.memref_slice %arg3[%mul3A_19] : memref<327680xi32, #tpu.memory_space<hbm>> -> memref<128xi32, #tpu.memory_space<hbm>>
      tpu.wait_dma2 semaphore(%run_scoped3A : memref<!tpu.dma_semaphore, #tpu.memory_space<semaphore_mem>>) src(%dma_wait3A_39 : memref<128xi32, #tpu.memory_space<hbm>>) dst(%arg6 : memref<128xi32, #tpu.memory_space<vmem>>)
      tpu.yield
    }) : () -> ()
    "tpu.region"() ({
      %run_scoped3A = tpu.sem_alloc : memref<!tpu.dma_semaphore, #tpu.memory_space<semaphore_mem>>
      %dma_start3A_37 = tpu.memref_slice %arg4[%mul3A_19] : memref<327680xi32, #tpu.memory_space<hbm>> -> memref<128xi32, #tpu.memory_space<hbm>>
      %dma_start3A_38 = tpu.memref_slice %arg4[%mul3A_19] : memref<327680xi32, #tpu.memory_space<hbm>> -> memref<128xi32, #tpu.memory_space<hbm>>
      tpu.enqueue_dma source(%dma_start3A_38 : memref<128xi32, #tpu.memory_space<hbm>>) target(%arg8 : memref<128xi32, #tpu.memory_space<vmem>>) target_semaphore(%run_scoped3A : memref<!tpu.dma_semaphore, #tpu.memory_space<semaphore_mem>>)
      %dma_wait3A = tpu.memref_slice %arg4[%mul3A_19] : memref<327680xi32, #tpu.memory_space<hbm>> -> memref<128xi32, #tpu.memory_space<hbm>>
      %dma_wait3A_39 = tpu.memref_slice %arg4[%mul3A_19] : memref<327680xi32, #tpu.memory_space<hbm>> -> memref<128xi32, #tpu.memory_space<hbm>>
      tpu.wait_dma2 semaphore(%run_scoped3A : memref<!tpu.dma_semaphore, #tpu.memory_space<semaphore_mem>>) src(%dma_wait3A_39 : memref<128xi32, #tpu.memory_space<hbm>>) dst(%arg8 : memref<128xi32, #tpu.memory_space<vmem>>)
      tpu.yield
    }) : () -> ()
    %add3A_20 = arith.constant 128 : i32
    %add3A_21 = arith.addi %mul3A_19, %add3A_20 : i32
    "tpu.region"() ({
      %run_scoped3A = tpu.sem_alloc : memref<!tpu.dma_semaphore, #tpu.memory_space<semaphore_mem>>
      %dma_start3A_37 = tpu.memref_slice %arg3[%add3A_21] : memref<327680xi32, #tpu.memory_space<hbm>> -> memref<128xi32, #tpu.memory_space<hbm>>
      %dma_start3A_38 = tpu.memref_slice %arg3[%add3A_21] : memref<327680xi32, #tpu.memory_space<hbm>> -> memref<128xi32, #tpu.memory_space<hbm>>
      tpu.enqueue_dma source(%dma_start3A_38 : memref<128xi32, #tpu.memory_space<hbm>>) target(%arg7 : memref<128xi32, #tpu.memory_space<vmem>>) target_semaphore(%run_scoped3A : memref<!tpu.dma_semaphore, #tpu.memory_space<semaphore_mem>>)
      %dma_wait3A = tpu.memref_slice %arg3[%add3A_21] : memref<327680xi32, #tpu.memory_space<hbm>> -> memref<128xi32, #tpu.memory_space<hbm>>
      %dma_wait3A_39 = tpu.memref_slice %arg3[%add3A_21] : memref<327680xi32, #tpu.memory_space<hbm>> -> memref<128xi32, #tpu.memory_space<hbm>>
      tpu.wait_dma2 semaphore(%run_scoped3A : memref<!tpu.dma_semaphore, #tpu.memory_space<semaphore_mem>>) src(%dma_wait3A_39 : memref<128xi32, #tpu.memory_space<hbm>>) dst(%arg7 : memref<128xi32, #tpu.memory_space<vmem>>)
      tpu.yield
    }) : () -> ()
    %add3A_22 = arith.constant 128 : i32
    %add3A_23 = arith.addi %mul3A_19, %add3A_22 : i32
    "tpu.region"() ({
      %run_scoped3A = tpu.sem_alloc : memref<!tpu.dma_semaphore, #tpu.memory_space<semaphore_mem>>
      %dma_start3A_37 = tpu.memref_slice %arg4[%add3A_23] : memref<327680xi32, #tpu.memory_space<hbm>> -> memref<128xi32, #tpu.memory_space<hbm>>
      %dma_start3A_38 = tpu.memref_slice %arg4[%add3A_23] : memref<327680xi32, #tpu.memory_space<hbm>> -> memref<128xi32, #tpu.memory_space<hbm>>
      tpu.enqueue_dma source(%dma_start3A_38 : memref<128xi32, #tpu.memory_space<hbm>>) target(%arg9 : memref<128xi32, #tpu.memory_space<vmem>>) target_semaphore(%run_scoped3A : memref<!tpu.dma_semaphore, #tpu.memory_space<semaphore_mem>>)
      %dma_wait3A = tpu.memref_slice %arg4[%add3A_23] : memref<327680xi32, #tpu.memory_space<hbm>> -> memref<128xi32, #tpu.memory_space<hbm>>
      %dma_wait3A_39 = tpu.memref_slice %arg4[%add3A_23] : memref<327680xi32, #tpu.memory_space<hbm>> -> memref<128xi32, #tpu.memory_space<hbm>>
      tpu.wait_dma2 semaphore(%run_scoped3A : memref<!tpu.dma_semaphore, #tpu.memory_space<semaphore_mem>>) src(%dma_wait3A_39 : memref<128xi32, #tpu.memory_space<hbm>>) dst(%arg9 : memref<128xi32, #tpu.memory_space<vmem>>)
      tpu.yield
    }) : () -> ()
    %dma_start3A = arith.constant 0 : i32
    %dma_start3A_24 = arith.constant 0 : i32
    %dma_start3A_25 = tpu.memref_slice %arg2[%dma_start3A, %dma_start3A_24] : memref<10000x128xf32, #tpu.memory_space<hbm>> -> memref<10000x128xf32, #tpu.memory_space<hbm>>
    tpu.enqueue_indirect_dma source(%dma_start3A_25 : memref<10000x128xf32, #tpu.memory_space<hbm>>) target(%arg10 : memref<128x128xf32, #tpu.memory_space<vmem>>) offsets(%arg6 : memref<128xi32, #tpu.memory_space<vmem>>) semaphore(%arg13 : memref<!tpu.dma_semaphore, #tpu.memory_space<semaphore_mem>>)
    %dma_start3A_26 = arith.constant 0 : i32
    %dma_start3A_27 = arith.constant 0 : i32
    %dma_start3A_28 = tpu.memref_slice %arg2[%dma_start3A_26, %dma_start3A_27] : memref<10000x128xf32, #tpu.memory_space<hbm>> -> memref<10000x128xf32, #tpu.memory_space<hbm>>
    tpu.enqueue_indirect_dma source(%dma_start3A_28 : memref<10000x128xf32, #tpu.memory_space<hbm>>) target(%arg11 : memref<128x128xf32, #tpu.memory_space<vmem>>) offsets(%arg7 : memref<128xi32, #tpu.memory_space<vmem>>) semaphore(%arg14 : memref<!tpu.dma_semaphore, #tpu.memory_space<semaphore_mem>>)
    %scan3A_29 = arith.constant 0 : i32
    %scan3A_30 = arith.constant 0 : i32
    %scan3A_31 = arith.constant 40 : i32
    %scan3A_32 = arith.addi %scan3A_30, %scan3A_31 : i32
    %scan3A_33 = arith.constant 1 : i32
    %scan3A_34 = scf.for %scan3A_37 = %scan3A_30 to %scan3A_32 step %scan3A_33 iter_args(%scan3A_38 = %scan3A_29) -> (i32)  : i32 {
      %mul3A_39 = arith.constant 2 : i32
      %mul3A_40 = arith.muli %mul3A_39, %scan3A_37 : i32
      %add3A_41 = arith.constant 0 : i32
      %add3A_42 = arith.addi %mul3A_40, %add3A_41 : i32
      %dma_wait3A = arith.constant 0 : i32
      %dma_wait3A_43 = arith.constant 0 : i32
      %dma_wait3A_44 = tpu.memref_slice %arg2[%dma_wait3A, %dma_wait3A_43] : memref<10000x128xf32, #tpu.memory_space<hbm>> -> memref<10000x128xf32, #tpu.memory_space<hbm>>
      tpu.wait_indirect_dma semaphore(%arg13 : memref<!tpu.dma_semaphore, #tpu.memory_space<semaphore_mem>>) src(%dma_wait3A_44 : memref<10000x128xf32, #tpu.memory_space<hbm>>) dst(%arg10 : memref<128x128xf32, #tpu.memory_space<vmem>>)
      "tpu.region"() ({
        %run_scoped3A = tpu.sem_alloc : memref<!tpu.dma_semaphore, #tpu.memory_space<semaphore_mem>>
        %dma_start3A_60 = arith.constant 0 : i32
        %dma_start3A_61 = arith.constant 0 : i32
        %dma_start3A_62 = tpu.memref_slice %arg12[%dma_start3A_60, %dma_start3A_61] : memref<10112x128xf32, #tpu.memory_space<vmem_shared>> -> memref<10112x128xf32, #tpu.memory_space<vmem_shared>>
        tpu.enqueue_indirect_dma source(%arg10 : memref<128x128xf32, #tpu.memory_space<vmem>>) target(%dma_start3A_62 : memref<10112x128xf32, #tpu.memory_space<vmem_shared>>) offsets(%arg8 : memref<128xi32, #tpu.memory_space<vmem>>) semaphore(%run_scoped3A : memref<!tpu.dma_semaphore, #tpu.memory_space<semaphore_mem>>) {add = true}
        %dma_wait3A_63 = arith.constant 0 : i32
        %dma_wait3A_64 = arith.constant 0 : i32
        %dma_wait3A_65 = tpu.memref_slice %arg12[%dma_wait3A_63, %dma_wait3A_64] : memref<10112x128xf32, #tpu.memory_space<vmem_shared>> -> memref<10112x128xf32, #tpu.memory_space<vmem_shared>>
        tpu.wait_indirect_dma semaphore(%run_scoped3A : memref<!tpu.dma_semaphore, #tpu.memory_space<semaphore_mem>>) src(%arg10 : memref<128x128xf32, #tpu.memory_space<vmem>>) dst(%dma_wait3A_65 : memref<10112x128xf32, #tpu.memory_space<vmem_shared>>)
        tpu.yield
      }) : () -> ()
      %lt3A = arith.constant 39 : i32
      %lt3A_45 = arith.cmpi slt, %scan3A_37, %lt3A : i32
      %convert_element_type3A = arith.extui %lt3A_45 : i1 to i32
      %cond3A = arith.constant 0 : i32
      %cond3A_46 = arith.cmpi ne, %convert_element_type3A, %cond3A : i32
      scf.if %cond3A_46 {
        %add3A_60 = arith.constant 2 : i32
        %add3A_61 = arith.addi %add3A_42, %add3A_60 : i32
        %mul3A_62 = arith.constant 128 : i32
        %mul3A_63 = arith.muli %add3A_61, %mul3A_62 : i32
        %add3A_64 = arith.addi %mul3A_19, %mul3A_63 : i32
        "tpu.region"() ({
          %run_scoped3A = tpu.sem_alloc : memref<!tpu.dma_semaphore, #tpu.memory_space<semaphore_mem>>
          %dma_start3A_73 = tpu.memref_slice %arg3[%add3A_64] : memref<327680xi32, #tpu.memory_space<hbm>> -> memref<128xi32, #tpu.memory_space<hbm>>
          %dma_start3A_74 = tpu.memref_slice %arg3[%add3A_64] : memref<327680xi32, #tpu.memory_space<hbm>> -> memref<128xi32, #tpu.memory_space<hbm>>
          tpu.enqueue_dma source(%dma_start3A_74 : memref<128xi32, #tpu.memory_space<hbm>>) target(%arg6 : memref<128xi32, #tpu.memory_space<vmem>>) target_semaphore(%run_scoped3A : memref<!tpu.dma_semaphore, #tpu.memory_space<semaphore_mem>>)
          %dma_wait3A_75 = tpu.memref_slice %arg3[%add3A_64] : memref<327680xi32, #tpu.memory_space<hbm>> -> memref<128xi32, #tpu.memory_space<hbm>>
          %dma_wait3A_76 = tpu.memref_slice %arg3[%add3A_64] : memref<327680xi32, #tpu.memory_space<hbm>> -> memref<128xi32, #tpu.memory_space<hbm>>
          tpu.wait_dma2 semaphore(%run_scoped3A : memref<!tpu.dma_semaphore, #tpu.memory_space<semaphore_mem>>) src(%dma_wait3A_76 : memref<128xi32, #tpu.memory_space<hbm>>) dst(%arg6 : memref<128xi32, #tpu.memory_space<vmem>>)
          tpu.yield
        }) : () -> ()
        %add3A_65 = arith.constant 2 : i32
        %add3A_66 = arith.addi %add3A_42, %add3A_65 : i32
        %mul3A_67 = arith.constant 128 : i32
        %mul3A_68 = arith.muli %add3A_66, %mul3A_67 : i32
        %add3A_69 = arith.addi %mul3A_19, %mul3A_68 : i32
        "tpu.region"() ({
          %run_scoped3A = tpu.sem_alloc : memref<!tpu.dma_semaphore, #tpu.memory_space<semaphore_mem>>
          %dma_start3A_73 = tpu.memref_slice %arg4[%add3A_69] : memref<327680xi32, #tpu.memory_space<hbm>> -> memref<128xi32, #tpu.memory_space<hbm>>
          %dma_start3A_74 = tpu.memref_slice %arg4[%add3A_69] : memref<327680xi32, #tpu.memory_space<hbm>> -> memref<128xi32, #tpu.memory_space<hbm>>
          tpu.enqueue_dma source(%dma_start3A_74 : memref<128xi32, #tpu.memory_space<hbm>>) target(%arg8 : memref<128xi32, #tpu.memory_space<vmem>>) target_semaphore(%run_scoped3A : memref<!tpu.dma_semaphore, #tpu.memory_space<semaphore_mem>>)
          %dma_wait3A_75 = tpu.memref_slice %arg4[%add3A_69] : memref<327680xi32, #tpu.memory_space<hbm>> -> memref<128xi32, #tpu.memory_space<hbm>>
          %dma_wait3A_76 = tpu.memref_slice %arg4[%add3A_69] : memref<327680xi32, #tpu.memory_space<hbm>> -> memref<128xi32, #tpu.memory_space<hbm>>
          tpu.wait_dma2 semaphore(%run_scoped3A : memref<!tpu.dma_semaphore, #tpu.memory_space<semaphore_mem>>) src(%dma_wait3A_76 : memref<128xi32, #tpu.memory_space<hbm>>) dst(%arg8 : memref<128xi32, #tpu.memory_space<vmem>>)
          tpu.yield
        }) : () -> ()
        %dma_start3A_70 = arith.constant 0 : i32
        %dma_start3A_71 = arith.constant 0 : i32
        %dma_start3A_72 = tpu.memref_slice %arg2[%dma_start3A_70, %dma_start3A_71] : memref<10000x128xf32, #tpu.memory_space<hbm>> -> memref<10000x128xf32, #tpu.memory_space<hbm>>
        tpu.enqueue_indirect_dma source(%dma_start3A_72 : memref<10000x128xf32, #tpu.memory_space<hbm>>) target(%arg10 : memref<128x128xf32, #tpu.memory_space<vmem>>) offsets(%arg6 : memref<128xi32, #tpu.memory_space<vmem>>) semaphore(%arg13 : memref<!tpu.dma_semaphore, #tpu.memory_space<semaphore_mem>>)
      } else {
      }
      %mul3A_47 = arith.constant 2 : i32
      %mul3A_48 = arith.muli %mul3A_47, %scan3A_37 : i32
      %add3A_49 = arith.constant 1 : i32
      %add3A_50 = arith.addi %mul3A_48, %add3A_49 : i32
      %dma_wait3A_51 = arith.constant 0 : i32
      %dma_wait3A_52 = arith.constant 0 : i32
      %dma_wait3A_53 = tpu.memref_slice %arg2[%dma_wait3A_51, %dma_wait3A_52] : memref<10000x128xf32, #tpu.memory_space<hbm>> -> memref<10000x128xf32, #tpu.memory_space<hbm>>
      tpu.wait_indirect_dma semaphore(%arg14 : memref<!tpu.dma_semaphore, #tpu.memory_space<semaphore_mem>>) src(%dma_wait3A_53 : memref<10000x128xf32, #tpu.memory_space<hbm>>) dst(%arg11 : memref<128x128xf32, #tpu.memory_space<vmem>>)
      "tpu.region"() ({
        %run_scoped3A = tpu.sem_alloc : memref<!tpu.dma_semaphore, #tpu.memory_space<semaphore_mem>>
        %dma_start3A_60 = arith.constant 0 : i32
        %dma_start3A_61 = arith.constant 0 : i32
        %dma_start3A_62 = tpu.memref_slice %arg12[%dma_start3A_60, %dma_start3A_61] : memref<10112x128xf32, #tpu.memory_space<vmem_shared>> -> memref<10112x128xf32, #tpu.memory_space<vmem_shared>>
        tpu.enqueue_indirect_dma source(%arg11 : memref<128x128xf32, #tpu.memory_space<vmem>>) target(%dma_start3A_62 : memref<10112x128xf32, #tpu.memory_space<vmem_shared>>) offsets(%arg9 : memref<128xi32, #tpu.memory_space<vmem>>) semaphore(%run_scoped3A : memref<!tpu.dma_semaphore, #tpu.memory_space<semaphore_mem>>) {add = true}
        %dma_wait3A_63 = arith.constant 0 : i32
        %dma_wait3A_64 = arith.constant 0 : i32
        %dma_wait3A_65 = tpu.memref_slice %arg12[%dma_wait3A_63, %dma_wait3A_64] : memref<10112x128xf32, #tpu.memory_space<vmem_shared>> -> memref<10112x128xf32, #tpu.memory_space<vmem_shared>>
        tpu.wait_indirect_dma semaphore(%run_scoped3A : memref<!tpu.dma_semaphore, #tpu.memory_space<semaphore_mem>>) src(%arg11 : memref<128x128xf32, #tpu.memory_space<vmem>>) dst(%dma_wait3A_65 : memref<10112x128xf32, #tpu.memory_space<vmem_shared>>)
        tpu.yield
      }) : () -> ()
      %lt3A_54 = arith.constant 39 : i32
      %lt3A_55 = arith.cmpi slt, %scan3A_37, %lt3A_54 : i32
      %convert_element_type3A_56 = arith.extui %lt3A_55 : i1 to i32
      %cond3A_57 = arith.constant 0 : i32
      %cond3A_58 = arith.cmpi ne, %convert_element_type3A_56, %cond3A_57 : i32
      scf.if %cond3A_58 {
        %add3A_60 = arith.constant 2 : i32
        %add3A_61 = arith.addi %add3A_50, %add3A_60 : i32
        %mul3A_62 = arith.constant 128 : i32
        %mul3A_63 = arith.muli %add3A_61, %mul3A_62 : i32
        %add3A_64 = arith.addi %mul3A_19, %mul3A_63 : i32
        "tpu.region"() ({
          %run_scoped3A = tpu.sem_alloc : memref<!tpu.dma_semaphore, #tpu.memory_space<semaphore_mem>>
          %dma_start3A_73 = tpu.memref_slice %arg3[%add3A_64] : memref<327680xi32, #tpu.memory_space<hbm>> -> memref<128xi32, #tpu.memory_space<hbm>>
          %dma_start3A_74 = tpu.memref_slice %arg3[%add3A_64] : memref<327680xi32, #tpu.memory_space<hbm>> -> memref<128xi32, #tpu.memory_space<hbm>>
          tpu.enqueue_dma source(%dma_start3A_74 : memref<128xi32, #tpu.memory_space<hbm>>) target(%arg7 : memref<128xi32, #tpu.memory_space<vmem>>) target_semaphore(%run_scoped3A : memref<!tpu.dma_semaphore, #tpu.memory_space<semaphore_mem>>)
          %dma_wait3A_75 = tpu.memref_slice %arg3[%add3A_64] : memref<327680xi32, #tpu.memory_space<hbm>> -> memref<128xi32, #tpu.memory_space<hbm>>
          %dma_wait3A_76 = tpu.memref_slice %arg3[%add3A_64] : memref<327680xi32, #tpu.memory_space<hbm>> -> memref<128xi32, #tpu.memory_space<hbm>>
          tpu.wait_dma2 semaphore(%run_scoped3A : memref<!tpu.dma_semaphore, #tpu.memory_space<semaphore_mem>>) src(%dma_wait3A_76 : memref<128xi32, #tpu.memory_space<hbm>>) dst(%arg7 : memref<128xi32, #tpu.memory_space<vmem>>)
          tpu.yield
        }) : () -> ()
        %add3A_65 = arith.constant 2 : i32
        %add3A_66 = arith.addi %add3A_50, %add3A_65 : i32
        %mul3A_67 = arith.constant 128 : i32
        %mul3A_68 = arith.muli %add3A_66, %mul3A_67 : i32
        %add3A_69 = arith.addi %mul3A_19, %mul3A_68 : i32
        "tpu.region"() ({
          %run_scoped3A = tpu.sem_alloc : memref<!tpu.dma_semaphore, #tpu.memory_space<semaphore_mem>>
          %dma_start3A_73 = tpu.memref_slice %arg4[%add3A_69] : memref<327680xi32, #tpu.memory_space<hbm>> -> memref<128xi32, #tpu.memory_space<hbm>>
          %dma_start3A_74 = tpu.memref_slice %arg4[%add3A_69] : memref<327680xi32, #tpu.memory_space<hbm>> -> memref<128xi32, #tpu.memory_space<hbm>>
          tpu.enqueue_dma source(%dma_start3A_74 : memref<128xi32, #tpu.memory_space<hbm>>) target(%arg9 : memref<128xi32, #tpu.memory_space<vmem>>) target_semaphore(%run_scoped3A : memref<!tpu.dma_semaphore, #tpu.memory_space<semaphore_mem>>)
          %dma_wait3A_75 = tpu.memref_slice %arg4[%add3A_69] : memref<327680xi32, #tpu.memory_space<hbm>> -> memref<128xi32, #tpu.memory_space<hbm>>
          %dma_wait3A_76 = tpu.memref_slice %arg4[%add3A_69] : memref<327680xi32, #tpu.memory_space<hbm>> -> memref<128xi32, #tpu.memory_space<hbm>>
          tpu.wait_dma2 semaphore(%run_scoped3A : memref<!tpu.dma_semaphore, #tpu.memory_space<semaphore_mem>>) src(%dma_wait3A_76 : memref<128xi32, #tpu.memory_space<hbm>>) dst(%arg9 : memref<128xi32, #tpu.memory_space<vmem>>)
          tpu.yield
        }) : () -> ()
        %dma_start3A_70 = arith.constant 0 : i32
        %dma_start3A_71 = arith.constant 0 : i32
        %dma_start3A_72 = tpu.memref_slice %arg2[%dma_start3A_70, %dma_start3A_71] : memref<10000x128xf32, #tpu.memory_space<hbm>> -> memref<10000x128xf32, #tpu.memory_space<hbm>>
        tpu.enqueue_indirect_dma source(%dma_start3A_72 : memref<10000x128xf32, #tpu.memory_space<hbm>>) target(%arg11 : memref<128x128xf32, #tpu.memory_space<vmem>>) offsets(%arg7 : memref<128xi32, #tpu.memory_space<vmem>>) semaphore(%arg14 : memref<!tpu.dma_semaphore, #tpu.memory_space<semaphore_mem>>)
      } else {
      }
      %scan3A_59 = arith.constant 0 : i32
      scf.yield %scan3A_59 : i32
    }
    %scan3A_35 = arith.constant 40 : i32
    %barrier3A_36 = arith.constant 0 : index
    tpu.barrier barrier_id(%barrier3A_36)
    "tpu.region"() ({
      %run_scoped3A = tpu.sem_alloc : memref<!tpu.dma_semaphore, #tpu.memory_space<semaphore_mem>>
      %dma_start3A_37 = arith.constant 0 : i32
      %dma_start3A_38 = tpu.memref_slice %arg5[%arg0, %mul3A_9, %dma_start3A_37] : memref<2x10112x128xf32, #tpu.memory_space<hbm>> -> memref<1x632x128xf32, #tpu.memory_space<hbm>>
      %dma_start3A_39 = tpu.memref_squeeze %dma_start3A_38 : memref<1x632x128xf32, #tpu.memory_space<hbm>> -> memref<632x128xf32, #tpu.memory_space<hbm>>
      %dma_start3A_40 = arith.constant 0 : i32
      %dma_start3A_41 = tpu.memref_slice %arg12[%mul3A_9, %dma_start3A_40] : memref<10112x128xf32, #tpu.memory_space<vmem_shared>> -> memref<632x128xf32, #tpu.memory_space<vmem_shared>>
      tpu.enqueue_dma source(%dma_start3A_41 : memref<632x128xf32, #tpu.memory_space<vmem_shared>>) target(%dma_start3A_39 : memref<632x128xf32, #tpu.memory_space<hbm>>) target_semaphore(%run_scoped3A : memref<!tpu.dma_semaphore, #tpu.memory_space<semaphore_mem>>)
      %dma_wait3A = arith.constant 0 : i32
      %dma_wait3A_42 = tpu.memref_slice %arg5[%arg0, %mul3A_9, %dma_wait3A] : memref<2x10112x128xf32, #tpu.memory_space<hbm>> -> memref<1x632x128xf32, #tpu.memory_space<hbm>>
      %dma_wait3A_43 = tpu.memref_squeeze %dma_wait3A_42 : memref<1x632x128xf32, #tpu.memory_space<hbm>> -> memref<632x128xf32, #tpu.memory_space<hbm>>
      %dma_wait3A_44 = arith.constant 0 : i32
      %dma_wait3A_45 = tpu.memref_slice %arg12[%mul3A_9, %dma_wait3A_44] : memref<10112x128xf32, #tpu.memory_space<vmem_shared>> -> memref<632x128xf32, #tpu.memory_space<vmem_shared>>
      tpu.wait_dma2 semaphore(%run_scoped3A : memref<!tpu.dma_semaphore, #tpu.memory_space<semaphore_mem>>) src(%dma_wait3A_45 : memref<632x128xf32, #tpu.memory_space<vmem_shared>>) dst(%dma_wait3A_43 : memref<632x128xf32, #tpu.memory_space<hbm>>)
      tpu.yield
    }) : () -> ()
    return
  }
}

#map = affine_map<(d0, d1) -> (0)>
#map1 = affine_map<(d0, d1) -> (0, 0, 0)>
module attributes {stable_mosaic.version = 14 : i64} {
  func.func @_sc_degree(%arg0: i32, %arg1: i32, %arg2: memref<327680xi32, #tpu.memory_space<hbm>>, %arg3: memref<2x10112x16xf32, #tpu.memory_space<hbm>>, %arg4: memref<128xi32, #tpu.memory_space<vmem>>, %arg5: memref<128x16xf32, #tpu.memory_space<vmem>>, %arg6: memref<10112x16xf32, #tpu.memory_space<vmem_shared>>) attributes {dimension_semantics = [#tpu.dimension_semantics<core_parallel>, #tpu.dimension_semantics<subcore_parallel>], iteration_bounds = array<i64: 2, 16>, scalar_prefetch = 0 : i64, scratch_operands = 3 : i64, tpu.core_type = #tpu.core_type<sc_vector_subcore>, window_params = [{transform_indices = #map}, {transform_indices = #map1}]} {
    %mul3A = arith.constant 2 : i32
    %mul3A_0 = arith.muli %arg1, %mul3A : i32
    %add3A = arith.addi %mul3A_0, %arg0 : i32
    %broadcast_in_dim3A = arith.constant 0.000000e+00 : f32
    %broadcast_in_dim3A_1 = vector.broadcast %broadcast_in_dim3A : f32 to vector<16xf32>
    %scan3A = arith.constant 0 : i32
    %scan3A_2 = arith.constant 0 : i32
    %scan3A_3 = arith.constant 128 : i32
    %scan3A_4 = arith.addi %scan3A_2, %scan3A_3 : i32
    %scan3A_5 = arith.constant 1 : i32
    %scan3A_6 = scf.for %scan3A_35 = %scan3A_2 to %scan3A_4 step %scan3A_5 iter_args(%scan3A_36 = %scan3A) -> (i32)  : i32 {
      %jit3A = arith.constant 1 : i32
      %div3A = arith.divsi %scan3A_35, %jit3A : i32
      %sign3A = arith.constant 0 : i32
      %sign3A_37 = arith.cmpi sgt, %scan3A_35, %sign3A : i32
      %sign3A_38 = arith.extui %sign3A_37 : i1 to i32
      %sign3A_39 = arith.constant 0 : i32
      %sign3A_40 = arith.cmpi slt, %scan3A_35, %sign3A_39 : i32
      %sign3A_41 = arith.extui %sign3A_40 : i1 to i32
      %sign3A_42 = arith.subi %sign3A_38, %sign3A_41 : i32
      %sign3A_43 = arith.constant 0 : i32
      %sign3A_44 = arith.cmpi sgt, %jit3A, %sign3A_43 : i32
      %sign3A_45 = arith.extui %sign3A_44 : i1 to i32
      %sign3A_46 = arith.constant 0 : i32
      %sign3A_47 = arith.cmpi slt, %jit3A, %sign3A_46 : i32
      %sign3A_48 = arith.extui %sign3A_47 : i1 to i32
      %sign3A_49 = arith.subi %sign3A_45, %sign3A_48 : i32
      %ne3A = arith.cmpi ne, %sign3A_42, %sign3A_49 : i32
      %rem3A = arith.remsi %scan3A_35, %jit3A : i32
      %ne3A_50 = arith.constant 0 : i32
      %ne3A_51 = arith.cmpi ne, %rem3A, %ne3A_50 : i32
      %and3A = arith.andi %ne3A, %ne3A_51 : i1
      %sub3A = arith.constant 1 : i32
      %sub3A_52 = arith.subi %div3A, %sub3A : i32
      %select_n3A = arith.select %and3A, %sub3A_52, %div3A : i32
      %jit3A_53 = arith.constant 1 : i32
      %eq3A = arith.constant 0 : i32
      %eq3A_54 = arith.cmpi eq, %jit3A_53, %eq3A : i32
      %jit3A_55 = arith.constant 1 : i32
      %select_n3A_56 = arith.select %eq3A_54, %jit3A_55, %jit3A_53 : i32
      %rem3A_57 = arith.remsi %scan3A_35, %select_n3A_56 : i32
      %ne3A_58 = arith.constant 0 : i32
      %ne3A_59 = arith.cmpi ne, %rem3A_57, %ne3A_58 : i32
      %lt3A = arith.constant 0 : i32
      %lt3A_60 = arith.cmpi slt, %rem3A_57, %lt3A : i32
      %lt3A_61 = arith.constant 0 : i32
      %lt3A_62 = arith.cmpi slt, %select_n3A_56, %lt3A_61 : i32
      %ne3A_63 = arith.xori %lt3A_60, %lt3A_62 : i1
      %and3A_64 = arith.andi %ne3A_63, %ne3A_59 : i1
      %add3A_65 = arith.addi %rem3A_57, %select_n3A_56 : i32
      %select_n3A_66 = arith.select %and3A_64, %add3A_65, %rem3A_57 : i32
      %mul3A_67 = arith.constant 16 : i32
      %mul3A_68 = arith.muli %select_n3A_66, %mul3A_67 : i32
      %swap3A = arith.index_cast %select_n3A : i32 to index
      %swap3A_69 = arith.index_cast %mul3A_68 : i32 to index
      %swap3A_70 = tpu.vector_load %arg5[%swap3A, %swap3A_69] {strides = array<i32>} : memref<128x16xf32, #tpu.memory_space<vmem>>, vector<1x16xf32>,
      %swap3A_71 = vector.shape_cast %swap3A_70 : vector<1x16xf32> to vector<16xf32>
      %swap3A_72 = vector.shape_cast %broadcast_in_dim3A_1 : vector<16xf32> to vector<1x16xf32>
      tpu.vector_store %arg5[%swap3A, %swap3A_69], %swap3A_72 {strides = array<i32>} : memref<128x16xf32, #tpu.memory_space<vmem>>, vector<1x16xf32>,
      %scan3A_73 = arith.constant 0 : i32
      scf.yield %scan3A_73 : i32
    }
    %scan3A_7 = arith.constant 128 : i32
    %mul3A_8 = arith.constant 632 : i32
    %mul3A_9 = arith.muli %arg1, %mul3A_8 : i32
    "tpu.region"() ({
      %run_scoped3A = tpu.sem_alloc : memref<!tpu.dma_semaphore, #tpu.memory_space<semaphore_mem>>
      %dma_start3A = arith.constant 0 : i32
      %dma_start3A_35 = arith.constant 0 : i32
      %dma_start3A_36 = tpu.memref_slice %arg5[%dma_start3A, %dma_start3A_35] : memref<128x16xf32, #tpu.memory_space<vmem>> -> memref<128x16xf32, #tpu.memory_space<vmem>>
      %dma_start3A_37 = arith.constant 0 : i32
      %dma_start3A_38 = tpu.memref_slice %arg6[%mul3A_9, %dma_start3A_37] : memref<10112x16xf32, #tpu.memory_space<vmem_shared>> -> memref<128x16xf32, #tpu.memory_space<vmem_shared>>
      %dma_start3A_39 = arith.constant 0 : i32
      %dma_start3A_40 = tpu.memref_slice %arg6[%mul3A_9, %dma_start3A_39] : memref<10112x16xf32, #tpu.memory_space<vmem_shared>> -> memref<128x16xf32, #tpu.memory_space<vmem_shared>>
      %dma_start3A_41 = arith.constant 0 : i32
      %dma_start3A_42 = arith.constant 0 : i32
      %dma_start3A_43 = tpu.memref_slice %arg5[%dma_start3A_41, %dma_start3A_42] : memref<128x16xf32, #tpu.memory_space<vmem>> -> memref<128x16xf32, #tpu.memory_space<vmem>>
      tpu.enqueue_dma source(%dma_start3A_43 : memref<128x16xf32, #tpu.memory_space<vmem>>) target(%dma_start3A_40 : memref<128x16xf32, #tpu.memory_space<vmem_shared>>) target_semaphore(%run_scoped3A : memref<!tpu.dma_semaphore, #tpu.memory_space<semaphore_mem>>)
      %dma_wait3A = arith.constant 0 : i32
      %dma_wait3A_44 = arith.constant 0 : i32
      %dma_wait3A_45 = tpu.memref_slice %arg5[%dma_wait3A, %dma_wait3A_44] : memref<128x16xf32, #tpu.memory_space<vmem>> -> memref<128x16xf32, #tpu.memory_space<vmem>>
      %dma_wait3A_46 = arith.constant 0 : i32
      %dma_wait3A_47 = tpu.memref_slice %arg6[%mul3A_9, %dma_wait3A_46] : memref<10112x16xf32, #tpu.memory_space<vmem_shared>> -> memref<128x16xf32, #tpu.memory_space<vmem_shared>>
      %dma_wait3A_48 = arith.constant 0 : i32
      %dma_wait3A_49 = tpu.memref_slice %arg6[%mul3A_9, %dma_wait3A_48] : memref<10112x16xf32, #tpu.memory_space<vmem_shared>> -> memref<128x16xf32, #tpu.memory_space<vmem_shared>>
      %dma_wait3A_50 = arith.constant 0 : i32
      %dma_wait3A_51 = arith.constant 0 : i32
      %dma_wait3A_52 = tpu.memref_slice %arg5[%dma_wait3A_50, %dma_wait3A_51] : memref<128x16xf32, #tpu.memory_space<vmem>> -> memref<128x16xf32, #tpu.memory_space<vmem>>
      tpu.wait_dma2 semaphore(%run_scoped3A : memref<!tpu.dma_semaphore, #tpu.memory_space<semaphore_mem>>) src(%dma_wait3A_52 : memref<128x16xf32, #tpu.memory_space<vmem>>) dst(%dma_wait3A_49 : memref<128x16xf32, #tpu.memory_space<vmem_shared>>)
      tpu.yield
    }) : () -> ()
    %add3A_10 = arith.constant 128 : i32
    %add3A_11 = arith.addi %mul3A_9, %add3A_10 : i32
    "tpu.region"() ({
      %run_scoped3A = tpu.sem_alloc : memref<!tpu.dma_semaphore, #tpu.memory_space<semaphore_mem>>
      %dma_start3A = arith.constant 0 : i32
      %dma_start3A_35 = arith.constant 0 : i32
      %dma_start3A_36 = tpu.memref_slice %arg5[%dma_start3A, %dma_start3A_35] : memref<128x16xf32, #tpu.memory_space<vmem>> -> memref<128x16xf32, #tpu.memory_space<vmem>>
      %dma_start3A_37 = arith.constant 0 : i32
      %dma_start3A_38 = tpu.memref_slice %arg6[%add3A_11, %dma_start3A_37] : memref<10112x16xf32, #tpu.memory_space<vmem_shared>> -> memref<128x16xf32, #tpu.memory_space<vmem_shared>>
      %dma_start3A_39 = arith.constant 0 : i32
      %dma_start3A_40 = tpu.memref_slice %arg6[%add3A_11, %dma_start3A_39] : memref<10112x16xf32, #tpu.memory_space<vmem_shared>> -> memref<128x16xf32, #tpu.memory_space<vmem_shared>>
      %dma_start3A_41 = arith.constant 0 : i32
      %dma_start3A_42 = arith.constant 0 : i32
      %dma_start3A_43 = tpu.memref_slice %arg5[%dma_start3A_41, %dma_start3A_42] : memref<128x16xf32, #tpu.memory_space<vmem>> -> memref<128x16xf32, #tpu.memory_space<vmem>>
      tpu.enqueue_dma source(%dma_start3A_43 : memref<128x16xf32, #tpu.memory_space<vmem>>) target(%dma_start3A_40 : memref<128x16xf32, #tpu.memory_space<vmem_shared>>) target_semaphore(%run_scoped3A : memref<!tpu.dma_semaphore, #tpu.memory_space<semaphore_mem>>)
      %dma_wait3A = arith.constant 0 : i32
      %dma_wait3A_44 = arith.constant 0 : i32
      %dma_wait3A_45 = tpu.memref_slice %arg5[%dma_wait3A, %dma_wait3A_44] : memref<128x16xf32, #tpu.memory_space<vmem>> -> memref<128x16xf32, #tpu.memory_space<vmem>>
      %dma_wait3A_46 = arith.constant 0 : i32
      %dma_wait3A_47 = tpu.memref_slice %arg6[%add3A_11, %dma_wait3A_46] : memref<10112x16xf32, #tpu.memory_space<vmem_shared>> -> memref<128x16xf32, #tpu.memory_space<vmem_shared>>
      %dma_wait3A_48 = arith.constant 0 : i32
      %dma_wait3A_49 = tpu.memref_slice %arg6[%add3A_11, %dma_wait3A_48] : memref<10112x16xf32, #tpu.memory_space<vmem_shared>> -> memref<128x16xf32, #tpu.memory_space<vmem_shared>>
      %dma_wait3A_50 = arith.constant 0 : i32
      %dma_wait3A_51 = arith.constant 0 : i32
      %dma_wait3A_52 = tpu.memref_slice %arg5[%dma_wait3A_50, %dma_wait3A_51] : memref<128x16xf32, #tpu.memory_space<vmem>> -> memref<128x16xf32, #tpu.memory_space<vmem>>
      tpu.wait_dma2 semaphore(%run_scoped3A : memref<!tpu.dma_semaphore, #tpu.memory_space<semaphore_mem>>) src(%dma_wait3A_52 : memref<128x16xf32, #tpu.memory_space<vmem>>) dst(%dma_wait3A_49 : memref<128x16xf32, #tpu.memory_space<vmem_shared>>)
      tpu.yield
    }) : () -> ()
    %add3A_12 = arith.constant 256 : i32
    %add3A_13 = arith.addi %mul3A_9, %add3A_12 : i32
    "tpu.region"() ({
      %run_scoped3A = tpu.sem_alloc : memref<!tpu.dma_semaphore, #tpu.memory_space<semaphore_mem>>
      %dma_start3A = arith.constant 0 : i32
      %dma_start3A_35 = arith.constant 0 : i32
      %dma_start3A_36 = tpu.memref_slice %arg5[%dma_start3A, %dma_start3A_35] : memref<128x16xf32, #tpu.memory_space<vmem>> -> memref<128x16xf32, #tpu.memory_space<vmem>>
      %dma_start3A_37 = arith.constant 0 : i32
      %dma_start3A_38 = tpu.memref_slice %arg6[%add3A_13, %dma_start3A_37] : memref<10112x16xf32, #tpu.memory_space<vmem_shared>> -> memref<128x16xf32, #tpu.memory_space<vmem_shared>>
      %dma_start3A_39 = arith.constant 0 : i32
      %dma_start3A_40 = tpu.memref_slice %arg6[%add3A_13, %dma_start3A_39] : memref<10112x16xf32, #tpu.memory_space<vmem_shared>> -> memref<128x16xf32, #tpu.memory_space<vmem_shared>>
      %dma_start3A_41 = arith.constant 0 : i32
      %dma_start3A_42 = arith.constant 0 : i32
      %dma_start3A_43 = tpu.memref_slice %arg5[%dma_start3A_41, %dma_start3A_42] : memref<128x16xf32, #tpu.memory_space<vmem>> -> memref<128x16xf32, #tpu.memory_space<vmem>>
      tpu.enqueue_dma source(%dma_start3A_43 : memref<128x16xf32, #tpu.memory_space<vmem>>) target(%dma_start3A_40 : memref<128x16xf32, #tpu.memory_space<vmem_shared>>) target_semaphore(%run_scoped3A : memref<!tpu.dma_semaphore, #tpu.memory_space<semaphore_mem>>)
      %dma_wait3A = arith.constant 0 : i32
      %dma_wait3A_44 = arith.constant 0 : i32
      %dma_wait3A_45 = tpu.memref_slice %arg5[%dma_wait3A, %dma_wait3A_44] : memref<128x16xf32, #tpu.memory_space<vmem>> -> memref<128x16xf32, #tpu.memory_space<vmem>>
      %dma_wait3A_46 = arith.constant 0 : i32
      %dma_wait3A_47 = tpu.memref_slice %arg6[%add3A_13, %dma_wait3A_46] : memref<10112x16xf32, #tpu.memory_space<vmem_shared>> -> memref<128x16xf32, #tpu.memory_space<vmem_shared>>
      %dma_wait3A_48 = arith.constant 0 : i32
      %dma_wait3A_49 = tpu.memref_slice %arg6[%add3A_13, %dma_wait3A_48] : memref<10112x16xf32, #tpu.memory_space<vmem_shared>> -> memref<128x16xf32, #tpu.memory_space<vmem_shared>>
      %dma_wait3A_50 = arith.constant 0 : i32
      %dma_wait3A_51 = arith.constant 0 : i32
      %dma_wait3A_52 = tpu.memref_slice %arg5[%dma_wait3A_50, %dma_wait3A_51] : memref<128x16xf32, #tpu.memory_space<vmem>> -> memref<128x16xf32, #tpu.memory_space<vmem>>
      tpu.wait_dma2 semaphore(%run_scoped3A : memref<!tpu.dma_semaphore, #tpu.memory_space<semaphore_mem>>) src(%dma_wait3A_52 : memref<128x16xf32, #tpu.memory_space<vmem>>) dst(%dma_wait3A_49 : memref<128x16xf32, #tpu.memory_space<vmem_shared>>)
      tpu.yield
    }) : () -> ()
    %add3A_14 = arith.constant 384 : i32
    %add3A_15 = arith.addi %mul3A_9, %add3A_14 : i32
    "tpu.region"() ({
      %run_scoped3A = tpu.sem_alloc : memref<!tpu.dma_semaphore, #tpu.memory_space<semaphore_mem>>
      %dma_start3A = arith.constant 0 : i32
      %dma_start3A_35 = arith.constant 0 : i32
      %dma_start3A_36 = tpu.memref_slice %arg5[%dma_start3A, %dma_start3A_35] : memref<128x16xf32, #tpu.memory_space<vmem>> -> memref<128x16xf32, #tpu.memory_space<vmem>>
      %dma_start3A_37 = arith.constant 0 : i32
      %dma_start3A_38 = tpu.memref_slice %arg6[%add3A_15, %dma_start3A_37] : memref<10112x16xf32, #tpu.memory_space<vmem_shared>> -> memref<128x16xf32, #tpu.memory_space<vmem_shared>>
      %dma_start3A_39 = arith.constant 0 : i32
      %dma_start3A_40 = tpu.memref_slice %arg6[%add3A_15, %dma_start3A_39] : memref<10112x16xf32, #tpu.memory_space<vmem_shared>> -> memref<128x16xf32, #tpu.memory_space<vmem_shared>>
      %dma_start3A_41 = arith.constant 0 : i32
      %dma_start3A_42 = arith.constant 0 : i32
      %dma_start3A_43 = tpu.memref_slice %arg5[%dma_start3A_41, %dma_start3A_42] : memref<128x16xf32, #tpu.memory_space<vmem>> -> memref<128x16xf32, #tpu.memory_space<vmem>>
      tpu.enqueue_dma source(%dma_start3A_43 : memref<128x16xf32, #tpu.memory_space<vmem>>) target(%dma_start3A_40 : memref<128x16xf32, #tpu.memory_space<vmem_shared>>) target_semaphore(%run_scoped3A : memref<!tpu.dma_semaphore, #tpu.memory_space<semaphore_mem>>)
      %dma_wait3A = arith.constant 0 : i32
      %dma_wait3A_44 = arith.constant 0 : i32
      %dma_wait3A_45 = tpu.memref_slice %arg5[%dma_wait3A, %dma_wait3A_44] : memref<128x16xf32, #tpu.memory_space<vmem>> -> memref<128x16xf32, #tpu.memory_space<vmem>>
      %dma_wait3A_46 = arith.constant 0 : i32
      %dma_wait3A_47 = tpu.memref_slice %arg6[%add3A_15, %dma_wait3A_46] : memref<10112x16xf32, #tpu.memory_space<vmem_shared>> -> memref<128x16xf32, #tpu.memory_space<vmem_shared>>
      %dma_wait3A_48 = arith.constant 0 : i32
      %dma_wait3A_49 = tpu.memref_slice %arg6[%add3A_15, %dma_wait3A_48] : memref<10112x16xf32, #tpu.memory_space<vmem_shared>> -> memref<128x16xf32, #tpu.memory_space<vmem_shared>>
      %dma_wait3A_50 = arith.constant 0 : i32
      %dma_wait3A_51 = arith.constant 0 : i32
      %dma_wait3A_52 = tpu.memref_slice %arg5[%dma_wait3A_50, %dma_wait3A_51] : memref<128x16xf32, #tpu.memory_space<vmem>> -> memref<128x16xf32, #tpu.memory_space<vmem>>
      tpu.wait_dma2 semaphore(%run_scoped3A : memref<!tpu.dma_semaphore, #tpu.memory_space<semaphore_mem>>) src(%dma_wait3A_52 : memref<128x16xf32, #tpu.memory_space<vmem>>) dst(%dma_wait3A_49 : memref<128x16xf32, #tpu.memory_space<vmem_shared>>)
      tpu.yield
    }) : () -> ()
    %add3A_16 = arith.constant 512 : i32
    %add3A_17 = arith.addi %mul3A_9, %add3A_16 : i32
    "tpu.region"() ({
      %run_scoped3A = tpu.sem_alloc : memref<!tpu.dma_semaphore, #tpu.memory_space<semaphore_mem>>
      %dma_start3A = arith.constant 0 : i32
      %dma_start3A_35 = arith.constant 0 : i32
      %dma_start3A_36 = tpu.memref_slice %arg5[%dma_start3A, %dma_start3A_35] : memref<128x16xf32, #tpu.memory_space<vmem>> -> memref<120x16xf32, #tpu.memory_space<vmem>>
      %dma_start3A_37 = arith.constant 0 : i32
      %dma_start3A_38 = tpu.memref_slice %arg6[%add3A_17, %dma_start3A_37] : memref<10112x16xf32, #tpu.memory_space<vmem_shared>> -> memref<120x16xf32, #tpu.memory_space<vmem_shared>>
      %dma_start3A_39 = arith.constant 0 : i32
      %dma_start3A_40 = tpu.memref_slice %arg6[%add3A_17, %dma_start3A_39] : memref<10112x16xf32, #tpu.memory_space<vmem_shared>> -> memref<120x16xf32, #tpu.memory_space<vmem_shared>>
      %dma_start3A_41 = arith.constant 0 : i32
      %dma_start3A_42 = arith.constant 0 : i32
      %dma_start3A_43 = tpu.memref_slice %arg5[%dma_start3A_41, %dma_start3A_42] : memref<128x16xf32, #tpu.memory_space<vmem>> -> memref<120x16xf32, #tpu.memory_space<vmem>>
      tpu.enqueue_dma source(%dma_start3A_43 : memref<120x16xf32, #tpu.memory_space<vmem>>) target(%dma_start3A_40 : memref<120x16xf32, #tpu.memory_space<vmem_shared>>) target_semaphore(%run_scoped3A : memref<!tpu.dma_semaphore, #tpu.memory_space<semaphore_mem>>)
      %dma_wait3A = arith.constant 0 : i32
      %dma_wait3A_44 = arith.constant 0 : i32
      %dma_wait3A_45 = tpu.memref_slice %arg5[%dma_wait3A, %dma_wait3A_44] : memref<128x16xf32, #tpu.memory_space<vmem>> -> memref<120x16xf32, #tpu.memory_space<vmem>>
      %dma_wait3A_46 = arith.constant 0 : i32
      %dma_wait3A_47 = tpu.memref_slice %arg6[%add3A_17, %dma_wait3A_46] : memref<10112x16xf32, #tpu.memory_space<vmem_shared>> -> memref<120x16xf32, #tpu.memory_space<vmem_shared>>
      %dma_wait3A_48 = arith.constant 0 : i32
      %dma_wait3A_49 = tpu.memref_slice %arg6[%add3A_17, %dma_wait3A_48] : memref<10112x16xf32, #tpu.memory_space<vmem_shared>> -> memref<120x16xf32, #tpu.memory_space<vmem_shared>>
      %dma_wait3A_50 = arith.constant 0 : i32
      %dma_wait3A_51 = arith.constant 0 : i32
      %dma_wait3A_52 = tpu.memref_slice %arg5[%dma_wait3A_50, %dma_wait3A_51] : memref<128x16xf32, #tpu.memory_space<vmem>> -> memref<120x16xf32, #tpu.memory_space<vmem>>
      tpu.wait_dma2 semaphore(%run_scoped3A : memref<!tpu.dma_semaphore, #tpu.memory_space<semaphore_mem>>) src(%dma_wait3A_52 : memref<120x16xf32, #tpu.memory_space<vmem>>) dst(%dma_wait3A_49 : memref<120x16xf32, #tpu.memory_space<vmem_shared>>)
      tpu.yield
    }) : () -> ()
    %broadcast_in_dim3A_18 = arith.constant 1.000000e+00 : f32
    %broadcast_in_dim3A_19 = vector.broadcast %broadcast_in_dim3A_18 : f32 to vector<16xf32>
    %scan3A_20 = arith.constant 0 : i32
    %scan3A_21 = arith.constant 0 : i32
    %scan3A_22 = arith.constant 128 : i32
    %scan3A_23 = arith.addi %scan3A_21, %scan3A_22 : i32
    %scan3A_24 = arith.constant 1 : i32
    %scan3A_25 = scf.for %scan3A_35 = %scan3A_21 to %scan3A_23 step %scan3A_24 iter_args(%scan3A_36 = %scan3A_20) -> (i32)  : i32 {
      %swap3A = arith.index_cast %scan3A_35 : i32 to index
      %swap3A_37 = arith.constant 0 : index
      %swap3A_38 = tpu.vector_load %arg5[%swap3A, %swap3A_37] {strides = array<i32>} : memref<128x16xf32, #tpu.memory_space<vmem>>, vector<1x16xf32>,
      %swap3A_39 = vector.shape_cast %swap3A_38 : vector<1x16xf32> to vector<16xf32>
      %swap3A_40 = vector.shape_cast %broadcast_in_dim3A_19 : vector<16xf32> to vector<1x16xf32>
      tpu.vector_store %arg5[%swap3A, %swap3A_37], %swap3A_40 {strides = array<i32>} : memref<128x16xf32, #tpu.memory_space<vmem>>, vector<1x16xf32>,
      %scan3A_41 = arith.constant 0 : i32
      scf.yield %scan3A_41 : i32
    }
    %scan3A_26 = arith.constant 128 : i32
    %barrier3A = arith.constant 0 : index
    tpu.barrier barrier_id(%barrier3A)
    %scan3A_27 = arith.constant 0 : i32
    %scan3A_28 = arith.constant 0 : i32
    %scan3A_29 = arith.constant 80 : i32
    %scan3A_30 = arith.addi %scan3A_28, %scan3A_29 : i32
    %scan3A_31 = arith.constant 1 : i32
    %scan3A_32 = scf.for %scan3A_35 = %scan3A_28 to %scan3A_30 step %scan3A_31 iter_args(%scan3A_36 = %scan3A_27) -> (i32)  : i32 {
      %mul3A_37 = arith.constant 10240 : i32
      %mul3A_38 = arith.muli %add3A, %mul3A_37 : i32
      %mul3A_39 = arith.constant 128 : i32
      %mul3A_40 = arith.muli %scan3A_35, %mul3A_39 : i32
      %add3A_41 = arith.addi %mul3A_38, %mul3A_40 : i32
      "tpu.region"() ({
        %run_scoped3A = tpu.sem_alloc : memref<!tpu.dma_semaphore, #tpu.memory_space<semaphore_mem>>
        %dma_start3A = tpu.memref_slice %arg2[%add3A_41] : memref<327680xi32, #tpu.memory_space<hbm>> -> memref<128xi32, #tpu.memory_space<hbm>>
        %dma_start3A_43 = tpu.memref_slice %arg2[%add3A_41] : memref<327680xi32, #tpu.memory_space<hbm>> -> memref<128xi32, #tpu.memory_space<hbm>>
        tpu.enqueue_dma source(%dma_start3A_43 : memref<128xi32, #tpu.memory_space<hbm>>) target(%arg4 : memref<128xi32, #tpu.memory_space<vmem>>) target_semaphore(%run_scoped3A : memref<!tpu.dma_semaphore, #tpu.memory_space<semaphore_mem>>)
        %dma_wait3A = tpu.memref_slice %arg2[%add3A_41] : memref<327680xi32, #tpu.memory_space<hbm>> -> memref<128xi32, #tpu.memory_space<hbm>>
        %dma_wait3A_44 = tpu.memref_slice %arg2[%add3A_41] : memref<327680xi32, #tpu.memory_space<hbm>> -> memref<128xi32, #tpu.memory_space<hbm>>
        tpu.wait_dma2 semaphore(%run_scoped3A : memref<!tpu.dma_semaphore, #tpu.memory_space<semaphore_mem>>) src(%dma_wait3A_44 : memref<128xi32, #tpu.memory_space<hbm>>) dst(%arg4 : memref<128xi32, #tpu.memory_space<vmem>>)
        tpu.yield
      }) : () -> ()
      "tpu.region"() ({
        %run_scoped3A = tpu.sem_alloc : memref<!tpu.dma_semaphore, #tpu.memory_space<semaphore_mem>>
        %dma_start3A = arith.constant 0 : i32
        %dma_start3A_43 = arith.constant 0 : i32
        %dma_start3A_44 = tpu.memref_slice %arg6[%dma_start3A, %dma_start3A_43] : memref<10112x16xf32, #tpu.memory_space<vmem_shared>> -> memref<10112x16xf32, #tpu.memory_space<vmem_shared>>
        tpu.enqueue_indirect_dma source(%arg5 : memref<128x16xf32, #tpu.memory_space<vmem>>) target(%dma_start3A_44 : memref<10112x16xf32, #tpu.memory_space<vmem_shared>>) offsets(%arg4 : memref<128xi32, #tpu.memory_space<vmem>>) semaphore(%run_scoped3A : memref<!tpu.dma_semaphore, #tpu.memory_space<semaphore_mem>>) {add = true}
        %dma_wait3A = arith.constant 0 : i32
        %dma_wait3A_45 = arith.constant 0 : i32
        %dma_wait3A_46 = tpu.memref_slice %arg6[%dma_wait3A, %dma_wait3A_45] : memref<10112x16xf32, #tpu.memory_space<vmem_shared>> -> memref<10112x16xf32, #tpu.memory_space<vmem_shared>>
        tpu.wait_indirect_dma semaphore(%run_scoped3A : memref<!tpu.dma_semaphore, #tpu.memory_space<semaphore_mem>>) src(%arg5 : memref<128x16xf32, #tpu.memory_space<vmem>>) dst(%dma_wait3A_46 : memref<10112x16xf32, #tpu.memory_space<vmem_shared>>)
        tpu.yield
      }) : () -> ()
      %scan3A_42 = arith.constant 0 : i32
      scf.yield %scan3A_42 : i32
    }
    %scan3A_33 = arith.constant 80 : i32
    %barrier3A_34 = arith.constant 0 : index
    tpu.barrier barrier_id(%barrier3A_34)
    "tpu.region"() ({
      %run_scoped3A = tpu.sem_alloc : memref<!tpu.dma_semaphore, #tpu.memory_space<semaphore_mem>>
      %dma_start3A = arith.constant 0 : i32
      %dma_start3A_35 = tpu.memref_slice %arg3[%arg0, %mul3A_9, %dma_start3A] : memref<2x10112x16xf32, #tpu.memory_space<hbm>> -> memref<1x632x16xf32, #tpu.memory_space<hbm>>
      %dma_start3A_36 = tpu.memref_squeeze %dma_start3A_35 : memref<1x632x16xf32, #tpu.memory_space<hbm>> -> memref<632x16xf32, #tpu.memory_space<hbm>>
      %dma_start3A_37 = arith.constant 0 : i32
      %dma_start3A_38 = tpu.memref_slice %arg6[%mul3A_9, %dma_start3A_37] : memref<10112x16xf32, #tpu.memory_space<vmem_shared>> -> memref<632x16xf32, #tpu.memory_space<vmem_shared>>
      tpu.enqueue_dma source(%dma_start3A_38 : memref<632x16xf32, #tpu.memory_space<vmem_shared>>) target(%dma_start3A_36 : memref<632x16xf32, #tpu.memory_space<hbm>>) target_semaphore(%run_scoped3A : memref<!tpu.dma_semaphore, #tpu.memory_space<semaphore_mem>>)
      %dma_wait3A = arith.constant 0 : i32
      %dma_wait3A_39 = tpu.memref_slice %arg3[%arg0, %mul3A_9, %dma_wait3A] : memref<2x10112x16xf32, #tpu.memory_space<hbm>> -> memref<1x632x16xf32, #tpu.memory_space<hbm>>
      %dma_wait3A_40 = tpu.memref_squeeze %dma_wait3A_39 : memref<1x632x16xf32, #tpu.memory_space<hbm>> -> memref<632x16xf32, #tpu.memory_space<hbm>>
      %dma_wait3A_41 = arith.constant 0 : i32
      %dma_wait3A_42 = tpu.memref_slice %arg6[%mul3A_9, %dma_wait3A_41] : memref<10112x16xf32, #tpu.memory_space<vmem_shared>> -> memref<632x16xf32, #tpu.memory_space<vmem_shared>>
      tpu.wait_dma2 semaphore(%run_scoped3A : memref<!tpu.dma_semaphore, #tpu.memory_space<semaphore_mem>>) src(%dma_wait3A_42 : memref<632x16xf32, #tpu.memory_space<vmem_shared>>) dst(%dma_wait3A_40 : memref<632x16xf32, #tpu.memory_space<hbm>>)
      tpu.yield
    }) : () -> ()
    return
  }
}

#map = affine_map<(d0, d1) -> (0, 0)>
#map1 = affine_map<(d0, d1) -> (0)>
#map2 = affine_map<(d0, d1) -> (0, 0, 0)>
module attributes {stable_mosaic.version = 14 : i64} {
  func.func @_sc_scatter(%arg0: i32, %arg1: i32, %arg2: memref<10000x128xf32, #tpu.memory_space<hbm>>, %arg3: memref<327680xi32, #tpu.memory_space<hbm>>, %arg4: memref<327680xi32, #tpu.memory_space<hbm>>, %arg5: memref<2x10112x128xf32, #tpu.memory_space<hbm>>, %arg6: memref<128xi32, #tpu.memory_space<vmem>>, %arg7: memref<128xi32, #tpu.memory_space<vmem>>, %arg8: memref<128xi32, #tpu.memory_space<vmem>>, %arg9: memref<128xi32, #tpu.memory_space<vmem>>, %arg10: memref<128x128xf32, #tpu.memory_space<vmem>>, %arg11: memref<128x128xf32, #tpu.memory_space<vmem>>, %arg12: memref<10112x128xf32, #tpu.memory_space<vmem_shared>>, %arg13: memref<!tpu.dma_semaphore, #tpu.memory_space<semaphore_mem>>, %arg14: memref<!tpu.dma_semaphore, #tpu.memory_space<semaphore_mem>>, %arg15: memref<!tpu.dma_semaphore, #tpu.memory_space<semaphore_mem>>, %arg16: memref<!tpu.dma_semaphore, #tpu.memory_space<semaphore_mem>>, %arg17: memref<!tpu.dma_semaphore, #tpu.memory_space<semaphore_mem>>, %arg18: memref<!tpu.dma_semaphore, #tpu.memory_space<semaphore_mem>>) attributes {dimension_semantics = [#tpu.dimension_semantics<core_parallel>, #tpu.dimension_semantics<subcore_parallel>], iteration_bounds = array<i64: 2, 16>, scalar_prefetch = 0 : i64, scratch_operands = 13 : i64, tpu.core_type = #tpu.core_type<sc_vector_subcore>, window_params = [{transform_indices = #map}, {transform_indices = #map1}, {transform_indices = #map1}, {transform_indices = #map2}]} {
    %mul3A = arith.constant 2 : i32
    %mul3A_0 = arith.muli %arg1, %mul3A : i32
    %add3A = arith.addi %mul3A_0, %arg0 : i32
    %broadcast_in_dim3A = arith.constant 0.000000e+00 : f32
    %broadcast_in_dim3A_1 = vector.broadcast %broadcast_in_dim3A : f32 to vector<16xf32>
    %scan3A = arith.constant 0 : i32
    %scan3A_2 = arith.constant 0 : i32
    %scan3A_3 = arith.constant 1024 : i32
    %scan3A_4 = arith.addi %scan3A_2, %scan3A_3 : i32
    %scan3A_5 = arith.constant 1 : i32
    %scan3A_6 = scf.for %scan3A_37 = %scan3A_2 to %scan3A_4 step %scan3A_5 iter_args(%scan3A_38 = %scan3A) -> (i32)  : i32 {
      %jit3A = arith.constant 8 : i32
      %div3A = arith.divsi %scan3A_37, %jit3A : i32
      %sign3A = arith.constant 0 : i32
      %sign3A_39 = arith.cmpi sgt, %scan3A_37, %sign3A : i32
      %sign3A_40 = arith.extui %sign3A_39 : i1 to i32
      %sign3A_41 = arith.constant 0 : i32
      %sign3A_42 = arith.cmpi slt, %scan3A_37, %sign3A_41 : i32
      %sign3A_43 = arith.extui %sign3A_42 : i1 to i32
      %sign3A_44 = arith.subi %sign3A_40, %sign3A_43 : i32
      %sign3A_45 = arith.constant 0 : i32
      %sign3A_46 = arith.cmpi sgt, %jit3A, %sign3A_45 : i32
      %sign3A_47 = arith.extui %sign3A_46 : i1 to i32
      %sign3A_48 = arith.constant 0 : i32
      %sign3A_49 = arith.cmpi slt, %jit3A, %sign3A_48 : i32
      %sign3A_50 = arith.extui %sign3A_49 : i1 to i32
      %sign3A_51 = arith.subi %sign3A_47, %sign3A_50 : i32
      %ne3A = arith.cmpi ne, %sign3A_44, %sign3A_51 : i32
      %rem3A = arith.remsi %scan3A_37, %jit3A : i32
      %ne3A_52 = arith.constant 0 : i32
      %ne3A_53 = arith.cmpi ne, %rem3A, %ne3A_52 : i32
      %and3A = arith.andi %ne3A, %ne3A_53 : i1
      %sub3A = arith.constant 1 : i32
      %sub3A_54 = arith.subi %div3A, %sub3A : i32
      %select_n3A = arith.select %and3A, %sub3A_54, %div3A : i32
      %jit3A_55 = arith.constant 8 : i32
      %eq3A = arith.constant 0 : i32
      %eq3A_56 = arith.cmpi eq, %jit3A_55, %eq3A : i32
      %jit3A_57 = arith.constant 1 : i32
      %select_n3A_58 = arith.select %eq3A_56, %jit3A_57, %jit3A_55 : i32
      %rem3A_59 = arith.remsi %scan3A_37, %select_n3A_58 : i32
      %ne3A_60 = arith.constant 0 : i32
      %ne3A_61 = arith.cmpi ne, %rem3A_59, %ne3A_60 : i32
      %lt3A = arith.constant 0 : i32
      %lt3A_62 = arith.cmpi slt, %rem3A_59, %lt3A : i32
      %lt3A_63 = arith.constant 0 : i32
      %lt3A_64 = arith.cmpi slt, %select_n3A_58, %lt3A_63 : i32
      %ne3A_65 = arith.xori %lt3A_62, %lt3A_64 : i1
      %and3A_66 = arith.andi %ne3A_65, %ne3A_61 : i1
      %add3A_67 = arith.addi %rem3A_59, %select_n3A_58 : i32
      %select_n3A_68 = arith.select %and3A_66, %add3A_67, %rem3A_59 : i32
      %mul3A_69 = arith.constant 16 : i32
      %mul3A_70 = arith.muli %select_n3A_68, %mul3A_69 : i32
      %swap3A = arith.index_cast %select_n3A : i32 to index
      %swap3A_71 = arith.index_cast %mul3A_70 : i32 to index
      %swap3A_72 = tpu.vector_load %arg10[%swap3A, %swap3A_71] {strides = array<i32>} : memref<128x128xf32, #tpu.memory_space<vmem>>, vector<1x16xf32>,
      %swap3A_73 = vector.shape_cast %swap3A_72 : vector<1x16xf32> to vector<16xf32>
      %swap3A_74 = vector.shape_cast %broadcast_in_dim3A_1 : vector<16xf32> to vector<1x16xf32>
      tpu.vector_store %arg10[%swap3A, %swap3A_71], %swap3A_74 {strides = array<i32>} : memref<128x128xf32, #tpu.memory_space<vmem>>, vector<1x16xf32>,
      %scan3A_75 = arith.constant 0 : i32
      scf.yield %scan3A_75 : i32
    }
    %scan3A_7 = arith.constant 1024 : i32
    %mul3A_8 = arith.constant 632 : i32
    %mul3A_9 = arith.muli %arg1, %mul3A_8 : i32
    "tpu.region"() ({
      %run_scoped3A = tpu.sem_alloc : memref<!tpu.dma_semaphore, #tpu.memory_space<semaphore_mem>>
      %dma_start3A_37 = arith.constant 0 : i32
      %dma_start3A_38 = arith.constant 0 : i32
      %dma_start3A_39 = tpu.memref_slice %arg10[%dma_start3A_37, %dma_start3A_38] : memref<128x128xf32, #tpu.memory_space<vmem>> -> memref<128x128xf32, #tpu.memory_space<vmem>>
      %dma_start3A_40 = arith.constant 0 : i32
      %dma_start3A_41 = tpu.memref_slice %arg12[%mul3A_9, %dma_start3A_40] : memref<10112x128xf32, #tpu.memory_space<vmem_shared>> -> memref<128x128xf32, #tpu.memory_space<vmem_shared>>
      %dma_start3A_42 = arith.constant 0 : i32
      %dma_start3A_43 = tpu.memref_slice %arg12[%mul3A_9, %dma_start3A_42] : memref<10112x128xf32, #tpu.memory_space<vmem_shared>> -> memref<128x128xf32, #tpu.memory_space<vmem_shared>>
      %dma_start3A_44 = arith.constant 0 : i32
      %dma_start3A_45 = arith.constant 0 : i32
      %dma_start3A_46 = tpu.memref_slice %arg10[%dma_start3A_44, %dma_start3A_45] : memref<128x128xf32, #tpu.memory_space<vmem>> -> memref<128x128xf32, #tpu.memory_space<vmem>>
      tpu.enqueue_dma source(%dma_start3A_46 : memref<128x128xf32, #tpu.memory_space<vmem>>) target(%dma_start3A_43 : memref<128x128xf32, #tpu.memory_space<vmem_shared>>) target_semaphore(%run_scoped3A : memref<!tpu.dma_semaphore, #tpu.memory_space<semaphore_mem>>)
      %dma_wait3A = arith.constant 0 : i32
      %dma_wait3A_47 = arith.constant 0 : i32
      %dma_wait3A_48 = tpu.memref_slice %arg10[%dma_wait3A, %dma_wait3A_47] : memref<128x128xf32, #tpu.memory_space<vmem>> -> memref<128x128xf32, #tpu.memory_space<vmem>>
      %dma_wait3A_49 = arith.constant 0 : i32
      %dma_wait3A_50 = tpu.memref_slice %arg12[%mul3A_9, %dma_wait3A_49] : memref<10112x128xf32, #tpu.memory_space<vmem_shared>> -> memref<128x128xf32, #tpu.memory_space<vmem_shared>>
      %dma_wait3A_51 = arith.constant 0 : i32
      %dma_wait3A_52 = tpu.memref_slice %arg12[%mul3A_9, %dma_wait3A_51] : memref<10112x128xf32, #tpu.memory_space<vmem_shared>> -> memref<128x128xf32, #tpu.memory_space<vmem_shared>>
      %dma_wait3A_53 = arith.constant 0 : i32
      %dma_wait3A_54 = arith.constant 0 : i32
      %dma_wait3A_55 = tpu.memref_slice %arg10[%dma_wait3A_53, %dma_wait3A_54] : memref<128x128xf32, #tpu.memory_space<vmem>> -> memref<128x128xf32, #tpu.memory_space<vmem>>
      tpu.wait_dma2 semaphore(%run_scoped3A : memref<!tpu.dma_semaphore, #tpu.memory_space<semaphore_mem>>) src(%dma_wait3A_55 : memref<128x128xf32, #tpu.memory_space<vmem>>) dst(%dma_wait3A_52 : memref<128x128xf32, #tpu.memory_space<vmem_shared>>)
      tpu.yield
    }) : () -> ()
    %add3A_10 = arith.constant 128 : i32
    %add3A_11 = arith.addi %mul3A_9, %add3A_10 : i32
    "tpu.region"() ({
      %run_scoped3A = tpu.sem_alloc : memref<!tpu.dma_semaphore, #tpu.memory_space<semaphore_mem>>
      %dma_start3A_37 = arith.constant 0 : i32
      %dma_start3A_38 = arith.constant 0 : i32
      %dma_start3A_39 = tpu.memref_slice %arg10[%dma_start3A_37, %dma_start3A_38] : memref<128x128xf32, #tpu.memory_space<vmem>> -> memref<128x128xf32, #tpu.memory_space<vmem>>
      %dma_start3A_40 = arith.constant 0 : i32
      %dma_start3A_41 = tpu.memref_slice %arg12[%add3A_11, %dma_start3A_40] : memref<10112x128xf32, #tpu.memory_space<vmem_shared>> -> memref<128x128xf32, #tpu.memory_space<vmem_shared>>
      %dma_start3A_42 = arith.constant 0 : i32
      %dma_start3A_43 = tpu.memref_slice %arg12[%add3A_11, %dma_start3A_42] : memref<10112x128xf32, #tpu.memory_space<vmem_shared>> -> memref<128x128xf32, #tpu.memory_space<vmem_shared>>
      %dma_start3A_44 = arith.constant 0 : i32
      %dma_start3A_45 = arith.constant 0 : i32
      %dma_start3A_46 = tpu.memref_slice %arg10[%dma_start3A_44, %dma_start3A_45] : memref<128x128xf32, #tpu.memory_space<vmem>> -> memref<128x128xf32, #tpu.memory_space<vmem>>
      tpu.enqueue_dma source(%dma_start3A_46 : memref<128x128xf32, #tpu.memory_space<vmem>>) target(%dma_start3A_43 : memref<128x128xf32, #tpu.memory_space<vmem_shared>>) target_semaphore(%run_scoped3A : memref<!tpu.dma_semaphore, #tpu.memory_space<semaphore_mem>>)
      %dma_wait3A = arith.constant 0 : i32
      %dma_wait3A_47 = arith.constant 0 : i32
      %dma_wait3A_48 = tpu.memref_slice %arg10[%dma_wait3A, %dma_wait3A_47] : memref<128x128xf32, #tpu.memory_space<vmem>> -> memref<128x128xf32, #tpu.memory_space<vmem>>
      %dma_wait3A_49 = arith.constant 0 : i32
      %dma_wait3A_50 = tpu.memref_slice %arg12[%add3A_11, %dma_wait3A_49] : memref<10112x128xf32, #tpu.memory_space<vmem_shared>> -> memref<128x128xf32, #tpu.memory_space<vmem_shared>>
      %dma_wait3A_51 = arith.constant 0 : i32
      %dma_wait3A_52 = tpu.memref_slice %arg12[%add3A_11, %dma_wait3A_51] : memref<10112x128xf32, #tpu.memory_space<vmem_shared>> -> memref<128x128xf32, #tpu.memory_space<vmem_shared>>
      %dma_wait3A_53 = arith.constant 0 : i32
      %dma_wait3A_54 = arith.constant 0 : i32
      %dma_wait3A_55 = tpu.memref_slice %arg10[%dma_wait3A_53, %dma_wait3A_54] : memref<128x128xf32, #tpu.memory_space<vmem>> -> memref<128x128xf32, #tpu.memory_space<vmem>>
      tpu.wait_dma2 semaphore(%run_scoped3A : memref<!tpu.dma_semaphore, #tpu.memory_space<semaphore_mem>>) src(%dma_wait3A_55 : memref<128x128xf32, #tpu.memory_space<vmem>>) dst(%dma_wait3A_52 : memref<128x128xf32, #tpu.memory_space<vmem_shared>>)
      tpu.yield
    }) : () -> ()
    %add3A_12 = arith.constant 256 : i32
    %add3A_13 = arith.addi %mul3A_9, %add3A_12 : i32
    "tpu.region"() ({
      %run_scoped3A = tpu.sem_alloc : memref<!tpu.dma_semaphore, #tpu.memory_space<semaphore_mem>>
      %dma_start3A_37 = arith.constant 0 : i32
      %dma_start3A_38 = arith.constant 0 : i32
      %dma_start3A_39 = tpu.memref_slice %arg10[%dma_start3A_37, %dma_start3A_38] : memref<128x128xf32, #tpu.memory_space<vmem>> -> memref<128x128xf32, #tpu.memory_space<vmem>>
      %dma_start3A_40 = arith.constant 0 : i32
      %dma_start3A_41 = tpu.memref_slice %arg12[%add3A_13, %dma_start3A_40] : memref<10112x128xf32, #tpu.memory_space<vmem_shared>> -> memref<128x128xf32, #tpu.memory_space<vmem_shared>>
      %dma_start3A_42 = arith.constant 0 : i32
      %dma_start3A_43 = tpu.memref_slice %arg12[%add3A_13, %dma_start3A_42] : memref<10112x128xf32, #tpu.memory_space<vmem_shared>> -> memref<128x128xf32, #tpu.memory_space<vmem_shared>>
      %dma_start3A_44 = arith.constant 0 : i32
      %dma_start3A_45 = arith.constant 0 : i32
      %dma_start3A_46 = tpu.memref_slice %arg10[%dma_start3A_44, %dma_start3A_45] : memref<128x128xf32, #tpu.memory_space<vmem>> -> memref<128x128xf32, #tpu.memory_space<vmem>>
      tpu.enqueue_dma source(%dma_start3A_46 : memref<128x128xf32, #tpu.memory_space<vmem>>) target(%dma_start3A_43 : memref<128x128xf32, #tpu.memory_space<vmem_shared>>) target_semaphore(%run_scoped3A : memref<!tpu.dma_semaphore, #tpu.memory_space<semaphore_mem>>)
      %dma_wait3A = arith.constant 0 : i32
      %dma_wait3A_47 = arith.constant 0 : i32
      %dma_wait3A_48 = tpu.memref_slice %arg10[%dma_wait3A, %dma_wait3A_47] : memref<128x128xf32, #tpu.memory_space<vmem>> -> memref<128x128xf32, #tpu.memory_space<vmem>>
      %dma_wait3A_49 = arith.constant 0 : i32
      %dma_wait3A_50 = tpu.memref_slice %arg12[%add3A_13, %dma_wait3A_49] : memref<10112x128xf32, #tpu.memory_space<vmem_shared>> -> memref<128x128xf32, #tpu.memory_space<vmem_shared>>
      %dma_wait3A_51 = arith.constant 0 : i32
      %dma_wait3A_52 = tpu.memref_slice %arg12[%add3A_13, %dma_wait3A_51] : memref<10112x128xf32, #tpu.memory_space<vmem_shared>> -> memref<128x128xf32, #tpu.memory_space<vmem_shared>>
      %dma_wait3A_53 = arith.constant 0 : i32
      %dma_wait3A_54 = arith.constant 0 : i32
      %dma_wait3A_55 = tpu.memref_slice %arg10[%dma_wait3A_53, %dma_wait3A_54] : memref<128x128xf32, #tpu.memory_space<vmem>> -> memref<128x128xf32, #tpu.memory_space<vmem>>
      tpu.wait_dma2 semaphore(%run_scoped3A : memref<!tpu.dma_semaphore, #tpu.memory_space<semaphore_mem>>) src(%dma_wait3A_55 : memref<128x128xf32, #tpu.memory_space<vmem>>) dst(%dma_wait3A_52 : memref<128x128xf32, #tpu.memory_space<vmem_shared>>)
      tpu.yield
    }) : () -> ()
    %add3A_14 = arith.constant 384 : i32
    %add3A_15 = arith.addi %mul3A_9, %add3A_14 : i32
    "tpu.region"() ({
      %run_scoped3A = tpu.sem_alloc : memref<!tpu.dma_semaphore, #tpu.memory_space<semaphore_mem>>
      %dma_start3A_37 = arith.constant 0 : i32
      %dma_start3A_38 = arith.constant 0 : i32
      %dma_start3A_39 = tpu.memref_slice %arg10[%dma_start3A_37, %dma_start3A_38] : memref<128x128xf32, #tpu.memory_space<vmem>> -> memref<128x128xf32, #tpu.memory_space<vmem>>
      %dma_start3A_40 = arith.constant 0 : i32
      %dma_start3A_41 = tpu.memref_slice %arg12[%add3A_15, %dma_start3A_40] : memref<10112x128xf32, #tpu.memory_space<vmem_shared>> -> memref<128x128xf32, #tpu.memory_space<vmem_shared>>
      %dma_start3A_42 = arith.constant 0 : i32
      %dma_start3A_43 = tpu.memref_slice %arg12[%add3A_15, %dma_start3A_42] : memref<10112x128xf32, #tpu.memory_space<vmem_shared>> -> memref<128x128xf32, #tpu.memory_space<vmem_shared>>
      %dma_start3A_44 = arith.constant 0 : i32
      %dma_start3A_45 = arith.constant 0 : i32
      %dma_start3A_46 = tpu.memref_slice %arg10[%dma_start3A_44, %dma_start3A_45] : memref<128x128xf32, #tpu.memory_space<vmem>> -> memref<128x128xf32, #tpu.memory_space<vmem>>
      tpu.enqueue_dma source(%dma_start3A_46 : memref<128x128xf32, #tpu.memory_space<vmem>>) target(%dma_start3A_43 : memref<128x128xf32, #tpu.memory_space<vmem_shared>>) target_semaphore(%run_scoped3A : memref<!tpu.dma_semaphore, #tpu.memory_space<semaphore_mem>>)
      %dma_wait3A = arith.constant 0 : i32
      %dma_wait3A_47 = arith.constant 0 : i32
      %dma_wait3A_48 = tpu.memref_slice %arg10[%dma_wait3A, %dma_wait3A_47] : memref<128x128xf32, #tpu.memory_space<vmem>> -> memref<128x128xf32, #tpu.memory_space<vmem>>
      %dma_wait3A_49 = arith.constant 0 : i32
      %dma_wait3A_50 = tpu.memref_slice %arg12[%add3A_15, %dma_wait3A_49] : memref<10112x128xf32, #tpu.memory_space<vmem_shared>> -> memref<128x128xf32, #tpu.memory_space<vmem_shared>>
      %dma_wait3A_51 = arith.constant 0 : i32
      %dma_wait3A_52 = tpu.memref_slice %arg12[%add3A_15, %dma_wait3A_51] : memref<10112x128xf32, #tpu.memory_space<vmem_shared>> -> memref<128x128xf32, #tpu.memory_space<vmem_shared>>
      %dma_wait3A_53 = arith.constant 0 : i32
      %dma_wait3A_54 = arith.constant 0 : i32
      %dma_wait3A_55 = tpu.memref_slice %arg10[%dma_wait3A_53, %dma_wait3A_54] : memref<128x128xf32, #tpu.memory_space<vmem>> -> memref<128x128xf32, #tpu.memory_space<vmem>>
      tpu.wait_dma2 semaphore(%run_scoped3A : memref<!tpu.dma_semaphore, #tpu.memory_space<semaphore_mem>>) src(%dma_wait3A_55 : memref<128x128xf32, #tpu.memory_space<vmem>>) dst(%dma_wait3A_52 : memref<128x128xf32, #tpu.memory_space<vmem_shared>>)
      tpu.yield
    }) : () -> ()
    %add3A_16 = arith.constant 512 : i32
    %add3A_17 = arith.addi %mul3A_9, %add3A_16 : i32
    "tpu.region"() ({
      %run_scoped3A = tpu.sem_alloc : memref<!tpu.dma_semaphore, #tpu.memory_space<semaphore_mem>>
      %dma_start3A_37 = arith.constant 0 : i32
      %dma_start3A_38 = arith.constant 0 : i32
      %dma_start3A_39 = tpu.memref_slice %arg10[%dma_start3A_37, %dma_start3A_38] : memref<128x128xf32, #tpu.memory_space<vmem>> -> memref<120x128xf32, #tpu.memory_space<vmem>>
      %dma_start3A_40 = arith.constant 0 : i32
      %dma_start3A_41 = tpu.memref_slice %arg12[%add3A_17, %dma_start3A_40] : memref<10112x128xf32, #tpu.memory_space<vmem_shared>> -> memref<120x128xf32, #tpu.memory_space<vmem_shared>>
      %dma_start3A_42 = arith.constant 0 : i32
      %dma_start3A_43 = tpu.memref_slice %arg12[%add3A_17, %dma_start3A_42] : memref<10112x128xf32, #tpu.memory_space<vmem_shared>> -> memref<120x128xf32, #tpu.memory_space<vmem_shared>>
      %dma_start3A_44 = arith.constant 0 : i32
      %dma_start3A_45 = arith.constant 0 : i32
      %dma_start3A_46 = tpu.memref_slice %arg10[%dma_start3A_44, %dma_start3A_45] : memref<128x128xf32, #tpu.memory_space<vmem>> -> memref<120x128xf32, #tpu.memory_space<vmem>>
      tpu.enqueue_dma source(%dma_start3A_46 : memref<120x128xf32, #tpu.memory_space<vmem>>) target(%dma_start3A_43 : memref<120x128xf32, #tpu.memory_space<vmem_shared>>) target_semaphore(%run_scoped3A : memref<!tpu.dma_semaphore, #tpu.memory_space<semaphore_mem>>)
      %dma_wait3A = arith.constant 0 : i32
      %dma_wait3A_47 = arith.constant 0 : i32
      %dma_wait3A_48 = tpu.memref_slice %arg10[%dma_wait3A, %dma_wait3A_47] : memref<128x128xf32, #tpu.memory_space<vmem>> -> memref<120x128xf32, #tpu.memory_space<vmem>>
      %dma_wait3A_49 = arith.constant 0 : i32
      %dma_wait3A_50 = tpu.memref_slice %arg12[%add3A_17, %dma_wait3A_49] : memref<10112x128xf32, #tpu.memory_space<vmem_shared>> -> memref<120x128xf32, #tpu.memory_space<vmem_shared>>
      %dma_wait3A_51 = arith.constant 0 : i32
      %dma_wait3A_52 = tpu.memref_slice %arg12[%add3A_17, %dma_wait3A_51] : memref<10112x128xf32, #tpu.memory_space<vmem_shared>> -> memref<120x128xf32, #tpu.memory_space<vmem_shared>>
      %dma_wait3A_53 = arith.constant 0 : i32
      %dma_wait3A_54 = arith.constant 0 : i32
      %dma_wait3A_55 = tpu.memref_slice %arg10[%dma_wait3A_53, %dma_wait3A_54] : memref<128x128xf32, #tpu.memory_space<vmem>> -> memref<120x128xf32, #tpu.memory_space<vmem>>
      tpu.wait_dma2 semaphore(%run_scoped3A : memref<!tpu.dma_semaphore, #tpu.memory_space<semaphore_mem>>) src(%dma_wait3A_55 : memref<120x128xf32, #tpu.memory_space<vmem>>) dst(%dma_wait3A_52 : memref<120x128xf32, #tpu.memory_space<vmem_shared>>)
      tpu.yield
    }) : () -> ()
    %barrier3A = arith.constant 0 : index
    tpu.barrier barrier_id(%barrier3A)
    %mul3A_18 = arith.constant 10240 : i32
    %mul3A_19 = arith.muli %add3A, %mul3A_18 : i32
    "tpu.region"() ({
      %run_scoped3A = tpu.sem_alloc : memref<!tpu.dma_semaphore, #tpu.memory_space<semaphore_mem>>
      %dma_start3A_37 = tpu.memref_slice %arg3[%mul3A_19] : memref<327680xi32, #tpu.memory_space<hbm>> -> memref<128xi32, #tpu.memory_space<hbm>>
      %dma_start3A_38 = tpu.memref_slice %arg3[%mul3A_19] : memref<327680xi32, #tpu.memory_space<hbm>> -> memref<128xi32, #tpu.memory_space<hbm>>
      tpu.enqueue_dma source(%dma_start3A_38 : memref<128xi32, #tpu.memory_space<hbm>>) target(%arg6 : memref<128xi32, #tpu.memory_space<vmem>>) target_semaphore(%run_scoped3A : memref<!tpu.dma_semaphore, #tpu.memory_space<semaphore_mem>>)
      %dma_wait3A = tpu.memref_slice %arg3[%mul3A_19] : memref<327680xi32, #tpu.memory_space<hbm>> -> memref<128xi32, #tpu.memory_space<hbm>>
      %dma_wait3A_39 = tpu.memref_slice %arg3[%mul3A_19] : memref<327680xi32, #tpu.memory_space<hbm>> -> memref<128xi32, #tpu.memory_space<hbm>>
      tpu.wait_dma2 semaphore(%run_scoped3A : memref<!tpu.dma_semaphore, #tpu.memory_space<semaphore_mem>>) src(%dma_wait3A_39 : memref<128xi32, #tpu.memory_space<hbm>>) dst(%arg6 : memref<128xi32, #tpu.memory_space<vmem>>)
      tpu.yield
    }) : () -> ()
    "tpu.region"() ({
      %run_scoped3A = tpu.sem_alloc : memref<!tpu.dma_semaphore, #tpu.memory_space<semaphore_mem>>
      %dma_start3A_37 = tpu.memref_slice %arg4[%mul3A_19] : memref<327680xi32, #tpu.memory_space<hbm>> -> memref<128xi32, #tpu.memory_space<hbm>>
      %dma_start3A_38 = tpu.memref_slice %arg4[%mul3A_19] : memref<327680xi32, #tpu.memory_space<hbm>> -> memref<128xi32, #tpu.memory_space<hbm>>
      tpu.enqueue_dma source(%dma_start3A_38 : memref<128xi32, #tpu.memory_space<hbm>>) target(%arg8 : memref<128xi32, #tpu.memory_space<vmem>>) target_semaphore(%run_scoped3A : memref<!tpu.dma_semaphore, #tpu.memory_space<semaphore_mem>>)
      %dma_wait3A = tpu.memref_slice %arg4[%mul3A_19] : memref<327680xi32, #tpu.memory_space<hbm>> -> memref<128xi32, #tpu.memory_space<hbm>>
      %dma_wait3A_39 = tpu.memref_slice %arg4[%mul3A_19] : memref<327680xi32, #tpu.memory_space<hbm>> -> memref<128xi32, #tpu.memory_space<hbm>>
      tpu.wait_dma2 semaphore(%run_scoped3A : memref<!tpu.dma_semaphore, #tpu.memory_space<semaphore_mem>>) src(%dma_wait3A_39 : memref<128xi32, #tpu.memory_space<hbm>>) dst(%arg8 : memref<128xi32, #tpu.memory_space<vmem>>)
      tpu.yield
    }) : () -> ()
    %add3A_20 = arith.constant 128 : i32
    %add3A_21 = arith.addi %mul3A_19, %add3A_20 : i32
    "tpu.region"() ({
      %run_scoped3A = tpu.sem_alloc : memref<!tpu.dma_semaphore, #tpu.memory_space<semaphore_mem>>
      %dma_start3A_37 = tpu.memref_slice %arg3[%add3A_21] : memref<327680xi32, #tpu.memory_space<hbm>> -> memref<128xi32, #tpu.memory_space<hbm>>
      %dma_start3A_38 = tpu.memref_slice %arg3[%add3A_21] : memref<327680xi32, #tpu.memory_space<hbm>> -> memref<128xi32, #tpu.memory_space<hbm>>
      tpu.enqueue_dma source(%dma_start3A_38 : memref<128xi32, #tpu.memory_space<hbm>>) target(%arg7 : memref<128xi32, #tpu.memory_space<vmem>>) target_semaphore(%run_scoped3A : memref<!tpu.dma_semaphore, #tpu.memory_space<semaphore_mem>>)
      %dma_wait3A = tpu.memref_slice %arg3[%add3A_21] : memref<327680xi32, #tpu.memory_space<hbm>> -> memref<128xi32, #tpu.memory_space<hbm>>
      %dma_wait3A_39 = tpu.memref_slice %arg3[%add3A_21] : memref<327680xi32, #tpu.memory_space<hbm>> -> memref<128xi32, #tpu.memory_space<hbm>>
      tpu.wait_dma2 semaphore(%run_scoped3A : memref<!tpu.dma_semaphore, #tpu.memory_space<semaphore_mem>>) src(%dma_wait3A_39 : memref<128xi32, #tpu.memory_space<hbm>>) dst(%arg7 : memref<128xi32, #tpu.memory_space<vmem>>)
      tpu.yield
    }) : () -> ()
    %add3A_22 = arith.constant 128 : i32
    %add3A_23 = arith.addi %mul3A_19, %add3A_22 : i32
    "tpu.region"() ({
      %run_scoped3A = tpu.sem_alloc : memref<!tpu.dma_semaphore, #tpu.memory_space<semaphore_mem>>
      %dma_start3A_37 = tpu.memref_slice %arg4[%add3A_23] : memref<327680xi32, #tpu.memory_space<hbm>> -> memref<128xi32, #tpu.memory_space<hbm>>
      %dma_start3A_38 = tpu.memref_slice %arg4[%add3A_23] : memref<327680xi32, #tpu.memory_space<hbm>> -> memref<128xi32, #tpu.memory_space<hbm>>
      tpu.enqueue_dma source(%dma_start3A_38 : memref<128xi32, #tpu.memory_space<hbm>>) target(%arg9 : memref<128xi32, #tpu.memory_space<vmem>>) target_semaphore(%run_scoped3A : memref<!tpu.dma_semaphore, #tpu.memory_space<semaphore_mem>>)
      %dma_wait3A = tpu.memref_slice %arg4[%add3A_23] : memref<327680xi32, #tpu.memory_space<hbm>> -> memref<128xi32, #tpu.memory_space<hbm>>
      %dma_wait3A_39 = tpu.memref_slice %arg4[%add3A_23] : memref<327680xi32, #tpu.memory_space<hbm>> -> memref<128xi32, #tpu.memory_space<hbm>>
      tpu.wait_dma2 semaphore(%run_scoped3A : memref<!tpu.dma_semaphore, #tpu.memory_space<semaphore_mem>>) src(%dma_wait3A_39 : memref<128xi32, #tpu.memory_space<hbm>>) dst(%arg9 : memref<128xi32, #tpu.memory_space<vmem>>)
      tpu.yield
    }) : () -> ()
    %dma_start3A = arith.constant 0 : i32
    %dma_start3A_24 = arith.constant 0 : i32
    %dma_start3A_25 = tpu.memref_slice %arg2[%dma_start3A, %dma_start3A_24] : memref<10000x128xf32, #tpu.memory_space<hbm>> -> memref<10000x128xf32, #tpu.memory_space<hbm>>
    tpu.enqueue_indirect_dma source(%dma_start3A_25 : memref<10000x128xf32, #tpu.memory_space<hbm>>) target(%arg10 : memref<128x128xf32, #tpu.memory_space<vmem>>) offsets(%arg6 : memref<128xi32, #tpu.memory_space<vmem>>) semaphore(%arg13 : memref<!tpu.dma_semaphore, #tpu.memory_space<semaphore_mem>>)
    %dma_start3A_26 = arith.constant 0 : i32
    %dma_start3A_27 = arith.constant 0 : i32
    %dma_start3A_28 = tpu.memref_slice %arg2[%dma_start3A_26, %dma_start3A_27] : memref<10000x128xf32, #tpu.memory_space<hbm>> -> memref<10000x128xf32, #tpu.memory_space<hbm>>
    tpu.enqueue_indirect_dma source(%dma_start3A_28 : memref<10000x128xf32, #tpu.memory_space<hbm>>) target(%arg11 : memref<128x128xf32, #tpu.memory_space<vmem>>) offsets(%arg7 : memref<128xi32, #tpu.memory_space<vmem>>) semaphore(%arg14 : memref<!tpu.dma_semaphore, #tpu.memory_space<semaphore_mem>>)
    %scan3A_29 = arith.constant 0 : i32
    %scan3A_30 = arith.constant 0 : i32
    %scan3A_31 = arith.constant 40 : i32
    %scan3A_32 = arith.addi %scan3A_30, %scan3A_31 : i32
    %scan3A_33 = arith.constant 1 : i32
    %scan3A_34 = scf.for %scan3A_37 = %scan3A_30 to %scan3A_32 step %scan3A_33 iter_args(%scan3A_38 = %scan3A_29) -> (i32)  : i32 {
      %mul3A_39 = arith.constant 2 : i32
      %mul3A_40 = arith.muli %mul3A_39, %scan3A_37 : i32
      %add3A_41 = arith.constant 0 : i32
      %add3A_42 = arith.addi %mul3A_40, %add3A_41 : i32
      %dma_wait3A = arith.constant 0 : i32
      %dma_wait3A_43 = arith.constant 0 : i32
      %dma_wait3A_44 = tpu.memref_slice %arg2[%dma_wait3A, %dma_wait3A_43] : memref<10000x128xf32, #tpu.memory_space<hbm>> -> memref<10000x128xf32, #tpu.memory_space<hbm>>
      tpu.wait_indirect_dma semaphore(%arg13 : memref<!tpu.dma_semaphore, #tpu.memory_space<semaphore_mem>>) src(%dma_wait3A_44 : memref<10000x128xf32, #tpu.memory_space<hbm>>) dst(%arg10 : memref<128x128xf32, #tpu.memory_space<vmem>>)
      "tpu.region"() ({
        %run_scoped3A = tpu.sem_alloc : memref<!tpu.dma_semaphore, #tpu.memory_space<semaphore_mem>>
        %dma_start3A_60 = arith.constant 0 : i32
        %dma_start3A_61 = arith.constant 0 : i32
        %dma_start3A_62 = tpu.memref_slice %arg12[%dma_start3A_60, %dma_start3A_61] : memref<10112x128xf32, #tpu.memory_space<vmem_shared>> -> memref<10112x128xf32, #tpu.memory_space<vmem_shared>>
        tpu.enqueue_indirect_dma source(%arg10 : memref<128x128xf32, #tpu.memory_space<vmem>>) target(%dma_start3A_62 : memref<10112x128xf32, #tpu.memory_space<vmem_shared>>) offsets(%arg8 : memref<128xi32, #tpu.memory_space<vmem>>) semaphore(%run_scoped3A : memref<!tpu.dma_semaphore, #tpu.memory_space<semaphore_mem>>) {add = true}
        %dma_wait3A_63 = arith.constant 0 : i32
        %dma_wait3A_64 = arith.constant 0 : i32
        %dma_wait3A_65 = tpu.memref_slice %arg12[%dma_wait3A_63, %dma_wait3A_64] : memref<10112x128xf32, #tpu.memory_space<vmem_shared>> -> memref<10112x128xf32, #tpu.memory_space<vmem_shared>>
        tpu.wait_indirect_dma semaphore(%run_scoped3A : memref<!tpu.dma_semaphore, #tpu.memory_space<semaphore_mem>>) src(%arg10 : memref<128x128xf32, #tpu.memory_space<vmem>>) dst(%dma_wait3A_65 : memref<10112x128xf32, #tpu.memory_space<vmem_shared>>)
        tpu.yield
      }) : () -> ()
      %lt3A = arith.constant 39 : i32
      %lt3A_45 = arith.cmpi slt, %scan3A_37, %lt3A : i32
      %convert_element_type3A = arith.extui %lt3A_45 : i1 to i32
      %cond3A = arith.constant 0 : i32
      %cond3A_46 = arith.cmpi ne, %convert_element_type3A, %cond3A : i32
      scf.if %cond3A_46 {
        %add3A_60 = arith.constant 2 : i32
        %add3A_61 = arith.addi %add3A_42, %add3A_60 : i32
        %mul3A_62 = arith.constant 128 : i32
        %mul3A_63 = arith.muli %add3A_61, %mul3A_62 : i32
        %add3A_64 = arith.addi %mul3A_19, %mul3A_63 : i32
        "tpu.region"() ({
          %run_scoped3A = tpu.sem_alloc : memref<!tpu.dma_semaphore, #tpu.memory_space<semaphore_mem>>
          %dma_start3A_73 = tpu.memref_slice %arg3[%add3A_64] : memref<327680xi32, #tpu.memory_space<hbm>> -> memref<128xi32, #tpu.memory_space<hbm>>
          %dma_start3A_74 = tpu.memref_slice %arg3[%add3A_64] : memref<327680xi32, #tpu.memory_space<hbm>> -> memref<128xi32, #tpu.memory_space<hbm>>
          tpu.enqueue_dma source(%dma_start3A_74 : memref<128xi32, #tpu.memory_space<hbm>>) target(%arg6 : memref<128xi32, #tpu.memory_space<vmem>>) target_semaphore(%run_scoped3A : memref<!tpu.dma_semaphore, #tpu.memory_space<semaphore_mem>>)
          %dma_wait3A_75 = tpu.memref_slice %arg3[%add3A_64] : memref<327680xi32, #tpu.memory_space<hbm>> -> memref<128xi32, #tpu.memory_space<hbm>>
          %dma_wait3A_76 = tpu.memref_slice %arg3[%add3A_64] : memref<327680xi32, #tpu.memory_space<hbm>> -> memref<128xi32, #tpu.memory_space<hbm>>
          tpu.wait_dma2 semaphore(%run_scoped3A : memref<!tpu.dma_semaphore, #tpu.memory_space<semaphore_mem>>) src(%dma_wait3A_76 : memref<128xi32, #tpu.memory_space<hbm>>) dst(%arg6 : memref<128xi32, #tpu.memory_space<vmem>>)
          tpu.yield
        }) : () -> ()
        %add3A_65 = arith.constant 2 : i32
        %add3A_66 = arith.addi %add3A_42, %add3A_65 : i32
        %mul3A_67 = arith.constant 128 : i32
        %mul3A_68 = arith.muli %add3A_66, %mul3A_67 : i32
        %add3A_69 = arith.addi %mul3A_19, %mul3A_68 : i32
        "tpu.region"() ({
          %run_scoped3A = tpu.sem_alloc : memref<!tpu.dma_semaphore, #tpu.memory_space<semaphore_mem>>
          %dma_start3A_73 = tpu.memref_slice %arg4[%add3A_69] : memref<327680xi32, #tpu.memory_space<hbm>> -> memref<128xi32, #tpu.memory_space<hbm>>
          %dma_start3A_74 = tpu.memref_slice %arg4[%add3A_69] : memref<327680xi32, #tpu.memory_space<hbm>> -> memref<128xi32, #tpu.memory_space<hbm>>
          tpu.enqueue_dma source(%dma_start3A_74 : memref<128xi32, #tpu.memory_space<hbm>>) target(%arg8 : memref<128xi32, #tpu.memory_space<vmem>>) target_semaphore(%run_scoped3A : memref<!tpu.dma_semaphore, #tpu.memory_space<semaphore_mem>>)
          %dma_wait3A_75 = tpu.memref_slice %arg4[%add3A_69] : memref<327680xi32, #tpu.memory_space<hbm>> -> memref<128xi32, #tpu.memory_space<hbm>>
          %dma_wait3A_76 = tpu.memref_slice %arg4[%add3A_69] : memref<327680xi32, #tpu.memory_space<hbm>> -> memref<128xi32, #tpu.memory_space<hbm>>
          tpu.wait_dma2 semaphore(%run_scoped3A : memref<!tpu.dma_semaphore, #tpu.memory_space<semaphore_mem>>) src(%dma_wait3A_76 : memref<128xi32, #tpu.memory_space<hbm>>) dst(%arg8 : memref<128xi32, #tpu.memory_space<vmem>>)
          tpu.yield
        }) : () -> ()
        %dma_start3A_70 = arith.constant 0 : i32
        %dma_start3A_71 = arith.constant 0 : i32
        %dma_start3A_72 = tpu.memref_slice %arg2[%dma_start3A_70, %dma_start3A_71] : memref<10000x128xf32, #tpu.memory_space<hbm>> -> memref<10000x128xf32, #tpu.memory_space<hbm>>
        tpu.enqueue_indirect_dma source(%dma_start3A_72 : memref<10000x128xf32, #tpu.memory_space<hbm>>) target(%arg10 : memref<128x128xf32, #tpu.memory_space<vmem>>) offsets(%arg6 : memref<128xi32, #tpu.memory_space<vmem>>) semaphore(%arg13 : memref<!tpu.dma_semaphore, #tpu.memory_space<semaphore_mem>>)
      } else {
      }
      %mul3A_47 = arith.constant 2 : i32
      %mul3A_48 = arith.muli %mul3A_47, %scan3A_37 : i32
      %add3A_49 = arith.constant 1 : i32
      %add3A_50 = arith.addi %mul3A_48, %add3A_49 : i32
      %dma_wait3A_51 = arith.constant 0 : i32
      %dma_wait3A_52 = arith.constant 0 : i32
      %dma_wait3A_53 = tpu.memref_slice %arg2[%dma_wait3A_51, %dma_wait3A_52] : memref<10000x128xf32, #tpu.memory_space<hbm>> -> memref<10000x128xf32, #tpu.memory_space<hbm>>
      tpu.wait_indirect_dma semaphore(%arg14 : memref<!tpu.dma_semaphore, #tpu.memory_space<semaphore_mem>>) src(%dma_wait3A_53 : memref<10000x128xf32, #tpu.memory_space<hbm>>) dst(%arg11 : memref<128x128xf32, #tpu.memory_space<vmem>>)
      "tpu.region"() ({
        %run_scoped3A = tpu.sem_alloc : memref<!tpu.dma_semaphore, #tpu.memory_space<semaphore_mem>>
        %dma_start3A_60 = arith.constant 0 : i32
        %dma_start3A_61 = arith.constant 0 : i32
        %dma_start3A_62 = tpu.memref_slice %arg12[%dma_start3A_60, %dma_start3A_61] : memref<10112x128xf32, #tpu.memory_space<vmem_shared>> -> memref<10112x128xf32, #tpu.memory_space<vmem_shared>>
        tpu.enqueue_indirect_dma source(%arg11 : memref<128x128xf32, #tpu.memory_space<vmem>>) target(%dma_start3A_62 : memref<10112x128xf32, #tpu.memory_space<vmem_shared>>) offsets(%arg9 : memref<128xi32, #tpu.memory_space<vmem>>) semaphore(%run_scoped3A : memref<!tpu.dma_semaphore, #tpu.memory_space<semaphore_mem>>) {add = true}
        %dma_wait3A_63 = arith.constant 0 : i32
        %dma_wait3A_64 = arith.constant 0 : i32
        %dma_wait3A_65 = tpu.memref_slice %arg12[%dma_wait3A_63, %dma_wait3A_64] : memref<10112x128xf32, #tpu.memory_space<vmem_shared>> -> memref<10112x128xf32, #tpu.memory_space<vmem_shared>>
        tpu.wait_indirect_dma semaphore(%run_scoped3A : memref<!tpu.dma_semaphore, #tpu.memory_space<semaphore_mem>>) src(%arg11 : memref<128x128xf32, #tpu.memory_space<vmem>>) dst(%dma_wait3A_65 : memref<10112x128xf32, #tpu.memory_space<vmem_shared>>)
        tpu.yield
      }) : () -> ()
      %lt3A_54 = arith.constant 39 : i32
      %lt3A_55 = arith.cmpi slt, %scan3A_37, %lt3A_54 : i32
      %convert_element_type3A_56 = arith.extui %lt3A_55 : i1 to i32
      %cond3A_57 = arith.constant 0 : i32
      %cond3A_58 = arith.cmpi ne, %convert_element_type3A_56, %cond3A_57 : i32
      scf.if %cond3A_58 {
        %add3A_60 = arith.constant 2 : i32
        %add3A_61 = arith.addi %add3A_50, %add3A_60 : i32
        %mul3A_62 = arith.constant 128 : i32
        %mul3A_63 = arith.muli %add3A_61, %mul3A_62 : i32
        %add3A_64 = arith.addi %mul3A_19, %mul3A_63 : i32
        "tpu.region"() ({
          %run_scoped3A = tpu.sem_alloc : memref<!tpu.dma_semaphore, #tpu.memory_space<semaphore_mem>>
          %dma_start3A_73 = tpu.memref_slice %arg3[%add3A_64] : memref<327680xi32, #tpu.memory_space<hbm>> -> memref<128xi32, #tpu.memory_space<hbm>>
          %dma_start3A_74 = tpu.memref_slice %arg3[%add3A_64] : memref<327680xi32, #tpu.memory_space<hbm>> -> memref<128xi32, #tpu.memory_space<hbm>>
          tpu.enqueue_dma source(%dma_start3A_74 : memref<128xi32, #tpu.memory_space<hbm>>) target(%arg7 : memref<128xi32, #tpu.memory_space<vmem>>) target_semaphore(%run_scoped3A : memref<!tpu.dma_semaphore, #tpu.memory_space<semaphore_mem>>)
          %dma_wait3A_75 = tpu.memref_slice %arg3[%add3A_64] : memref<327680xi32, #tpu.memory_space<hbm>> -> memref<128xi32, #tpu.memory_space<hbm>>
          %dma_wait3A_76 = tpu.memref_slice %arg3[%add3A_64] : memref<327680xi32, #tpu.memory_space<hbm>> -> memref<128xi32, #tpu.memory_space<hbm>>
          tpu.wait_dma2 semaphore(%run_scoped3A : memref<!tpu.dma_semaphore, #tpu.memory_space<semaphore_mem>>) src(%dma_wait3A_76 : memref<128xi32, #tpu.memory_space<hbm>>) dst(%arg7 : memref<128xi32, #tpu.memory_space<vmem>>)
          tpu.yield
        }) : () -> ()
        %add3A_65 = arith.constant 2 : i32
        %add3A_66 = arith.addi %add3A_50, %add3A_65 : i32
        %mul3A_67 = arith.constant 128 : i32
        %mul3A_68 = arith.muli %add3A_66, %mul3A_67 : i32
        %add3A_69 = arith.addi %mul3A_19, %mul3A_68 : i32
        "tpu.region"() ({
          %run_scoped3A = tpu.sem_alloc : memref<!tpu.dma_semaphore, #tpu.memory_space<semaphore_mem>>
          %dma_start3A_73 = tpu.memref_slice %arg4[%add3A_69] : memref<327680xi32, #tpu.memory_space<hbm>> -> memref<128xi32, #tpu.memory_space<hbm>>
          %dma_start3A_74 = tpu.memref_slice %arg4[%add3A_69] : memref<327680xi32, #tpu.memory_space<hbm>> -> memref<128xi32, #tpu.memory_space<hbm>>
          tpu.enqueue_dma source(%dma_start3A_74 : memref<128xi32, #tpu.memory_space<hbm>>) target(%arg9 : memref<128xi32, #tpu.memory_space<vmem>>) target_semaphore(%run_scoped3A : memref<!tpu.dma_semaphore, #tpu.memory_space<semaphore_mem>>)
          %dma_wait3A_75 = tpu.memref_slice %arg4[%add3A_69] : memref<327680xi32, #tpu.memory_space<hbm>> -> memref<128xi32, #tpu.memory_space<hbm>>
          %dma_wait3A_76 = tpu.memref_slice %arg4[%add3A_69] : memref<327680xi32, #tpu.memory_space<hbm>> -> memref<128xi32, #tpu.memory_space<hbm>>
          tpu.wait_dma2 semaphore(%run_scoped3A : memref<!tpu.dma_semaphore, #tpu.memory_space<semaphore_mem>>) src(%dma_wait3A_76 : memref<128xi32, #tpu.memory_space<hbm>>) dst(%arg9 : memref<128xi32, #tpu.memory_space<vmem>>)
          tpu.yield
        }) : () -> ()
        %dma_start3A_70 = arith.constant 0 : i32
        %dma_start3A_71 = arith.constant 0 : i32
        %dma_start3A_72 = tpu.memref_slice %arg2[%dma_start3A_70, %dma_start3A_71] : memref<10000x128xf32, #tpu.memory_space<hbm>> -> memref<10000x128xf32, #tpu.memory_space<hbm>>
        tpu.enqueue_indirect_dma source(%dma_start3A_72 : memref<10000x128xf32, #tpu.memory_space<hbm>>) target(%arg11 : memref<128x128xf32, #tpu.memory_space<vmem>>) offsets(%arg7 : memref<128xi32, #tpu.memory_space<vmem>>) semaphore(%arg14 : memref<!tpu.dma_semaphore, #tpu.memory_space<semaphore_mem>>)
      } else {
      }
      %scan3A_59 = arith.constant 0 : i32
      scf.yield %scan3A_59 : i32
    }
    %scan3A_35 = arith.constant 40 : i32
    %barrier3A_36 = arith.constant 0 : index
    tpu.barrier barrier_id(%barrier3A_36)
    "tpu.region"() ({
      %run_scoped3A = tpu.sem_alloc : memref<!tpu.dma_semaphore, #tpu.memory_space<semaphore_mem>>
      %dma_start3A_37 = arith.constant 0 : i32
      %dma_start3A_38 = tpu.memref_slice %arg5[%arg0, %mul3A_9, %dma_start3A_37] : memref<2x10112x128xf32, #tpu.memory_space<hbm>> -> memref<1x632x128xf32, #tpu.memory_space<hbm>>
      %dma_start3A_39 = tpu.memref_squeeze %dma_start3A_38 : memref<1x632x128xf32, #tpu.memory_space<hbm>> -> memref<632x128xf32, #tpu.memory_space<hbm>>
      %dma_start3A_40 = arith.constant 0 : i32
      %dma_start3A_41 = tpu.memref_slice %arg12[%mul3A_9, %dma_start3A_40] : memref<10112x128xf32, #tpu.memory_space<vmem_shared>> -> memref<632x128xf32, #tpu.memory_space<vmem_shared>>
      tpu.enqueue_dma source(%dma_start3A_41 : memref<632x128xf32, #tpu.memory_space<vmem_shared>>) target(%dma_start3A_39 : memref<632x128xf32, #tpu.memory_space<hbm>>) target_semaphore(%run_scoped3A : memref<!tpu.dma_semaphore, #tpu.memory_space<semaphore_mem>>)
      %dma_wait3A = arith.constant 0 : i32
      %dma_wait3A_42 = tpu.memref_slice %arg5[%arg0, %mul3A_9, %dma_wait3A] : memref<2x10112x128xf32, #tpu.memory_space<hbm>> -> memref<1x632x128xf32, #tpu.memory_space<hbm>>
      %dma_wait3A_43 = tpu.memref_squeeze %dma_wait3A_42 : memref<1x632x128xf32, #tpu.memory_space<hbm>> -> memref<632x128xf32, #tpu.memory_space<hbm>>
      %dma_wait3A_44 = arith.constant 0 : i32
      %dma_wait3A_45 = tpu.memref_slice %arg12[%mul3A_9, %dma_wait3A_44] : memref<10112x128xf32, #tpu.memory_space<vmem_shared>> -> memref<632x128xf32, #tpu.memory_space<vmem_shared>>
      tpu.wait_dma2 semaphore(%run_scoped3A : memref<!tpu.dma_semaphore, #tpu.memory_space<semaphore_mem>>) src(%dma_wait3A_45 : memref<632x128xf32, #tpu.memory_space<vmem_shared>>) dst(%dma_wait3A_43 : memref<632x128xf32, #tpu.memory_space<hbm>>)
      tpu.yield
    }) : () -> ()
    return
  }
}

#map = affine_map<(d0, d1) -> (0, 0)>
#map1 = affine_map<(d0, d1) -> (0)>
#map2 = affine_map<(d0, d1) -> (0, 0, 0)>
module attributes {stable_mosaic.version = 14 : i64} {
  func.func @_sc_scatter(%arg0: i32, %arg1: i32, %arg2: memref<10000x128xf32, #tpu.memory_space<hbm>>, %arg3: memref<327680xi32, #tpu.memory_space<hbm>>, %arg4: memref<327680xi32, #tpu.memory_space<hbm>>, %arg5: memref<2x10112x128xf32, #tpu.memory_space<hbm>>, %arg6: memref<128xi32, #tpu.memory_space<vmem>>, %arg7: memref<128xi32, #tpu.memory_space<vmem>>, %arg8: memref<128xi32, #tpu.memory_space<vmem>>, %arg9: memref<128xi32, #tpu.memory_space<vmem>>, %arg10: memref<128x128xf32, #tpu.memory_space<vmem>>, %arg11: memref<128x128xf32, #tpu.memory_space<vmem>>, %arg12: memref<10112x128xf32, #tpu.memory_space<vmem_shared>>, %arg13: memref<!tpu.dma_semaphore, #tpu.memory_space<semaphore_mem>>, %arg14: memref<!tpu.dma_semaphore, #tpu.memory_space<semaphore_mem>>, %arg15: memref<!tpu.dma_semaphore, #tpu.memory_space<semaphore_mem>>, %arg16: memref<!tpu.dma_semaphore, #tpu.memory_space<semaphore_mem>>, %arg17: memref<!tpu.dma_semaphore, #tpu.memory_space<semaphore_mem>>, %arg18: memref<!tpu.dma_semaphore, #tpu.memory_space<semaphore_mem>>) attributes {dimension_semantics = [#tpu.dimension_semantics<core_parallel>, #tpu.dimension_semantics<subcore_parallel>], iteration_bounds = array<i64: 2, 16>, scalar_prefetch = 0 : i64, scratch_operands = 13 : i64, tpu.core_type = #tpu.core_type<sc_vector_subcore>, window_params = [{transform_indices = #map}, {transform_indices = #map1}, {transform_indices = #map1}, {transform_indices = #map2}]} {
    %mul3A = arith.constant 2 : i32
    %mul3A_0 = arith.muli %arg1, %mul3A : i32
    %add3A = arith.addi %mul3A_0, %arg0 : i32
    %broadcast_in_dim3A = arith.constant 0.000000e+00 : f32
    %broadcast_in_dim3A_1 = vector.broadcast %broadcast_in_dim3A : f32 to vector<16xf32>
    %scan3A = arith.constant 0 : i32
    %scan3A_2 = arith.constant 0 : i32
    %scan3A_3 = arith.constant 1024 : i32
    %scan3A_4 = arith.addi %scan3A_2, %scan3A_3 : i32
    %scan3A_5 = arith.constant 1 : i32
    %scan3A_6 = scf.for %scan3A_37 = %scan3A_2 to %scan3A_4 step %scan3A_5 iter_args(%scan3A_38 = %scan3A) -> (i32)  : i32 {
      %jit3A = arith.constant 8 : i32
      %div3A = arith.divsi %scan3A_37, %jit3A : i32
      %sign3A = arith.constant 0 : i32
      %sign3A_39 = arith.cmpi sgt, %scan3A_37, %sign3A : i32
      %sign3A_40 = arith.extui %sign3A_39 : i1 to i32
      %sign3A_41 = arith.constant 0 : i32
      %sign3A_42 = arith.cmpi slt, %scan3A_37, %sign3A_41 : i32
      %sign3A_43 = arith.extui %sign3A_42 : i1 to i32
      %sign3A_44 = arith.subi %sign3A_40, %sign3A_43 : i32
      %sign3A_45 = arith.constant 0 : i32
      %sign3A_46 = arith.cmpi sgt, %jit3A, %sign3A_45 : i32
      %sign3A_47 = arith.extui %sign3A_46 : i1 to i32
      %sign3A_48 = arith.constant 0 : i32
      %sign3A_49 = arith.cmpi slt, %jit3A, %sign3A_48 : i32
      %sign3A_50 = arith.extui %sign3A_49 : i1 to i32
      %sign3A_51 = arith.subi %sign3A_47, %sign3A_50 : i32
      %ne3A = arith.cmpi ne, %sign3A_44, %sign3A_51 : i32
      %rem3A = arith.remsi %scan3A_37, %jit3A : i32
      %ne3A_52 = arith.constant 0 : i32
      %ne3A_53 = arith.cmpi ne, %rem3A, %ne3A_52 : i32
      %and3A = arith.andi %ne3A, %ne3A_53 : i1
      %sub3A = arith.constant 1 : i32
      %sub3A_54 = arith.subi %div3A, %sub3A : i32
      %select_n3A = arith.select %and3A, %sub3A_54, %div3A : i32
      %jit3A_55 = arith.constant 8 : i32
      %eq3A = arith.constant 0 : i32
      %eq3A_56 = arith.cmpi eq, %jit3A_55, %eq3A : i32
      %jit3A_57 = arith.constant 1 : i32
      %select_n3A_58 = arith.select %eq3A_56, %jit3A_57, %jit3A_55 : i32
      %rem3A_59 = arith.remsi %scan3A_37, %select_n3A_58 : i32
      %ne3A_60 = arith.constant 0 : i32
      %ne3A_61 = arith.cmpi ne, %rem3A_59, %ne3A_60 : i32
      %lt3A = arith.constant 0 : i32
      %lt3A_62 = arith.cmpi slt, %rem3A_59, %lt3A : i32
      %lt3A_63 = arith.constant 0 : i32
      %lt3A_64 = arith.cmpi slt, %select_n3A_58, %lt3A_63 : i32
      %ne3A_65 = arith.xori %lt3A_62, %lt3A_64 : i1
      %and3A_66 = arith.andi %ne3A_65, %ne3A_61 : i1
      %add3A_67 = arith.addi %rem3A_59, %select_n3A_58 : i32
      %select_n3A_68 = arith.select %and3A_66, %add3A_67, %rem3A_59 : i32
      %mul3A_69 = arith.constant 16 : i32
      %mul3A_70 = arith.muli %select_n3A_68, %mul3A_69 : i32
      %swap3A = arith.index_cast %select_n3A : i32 to index
      %swap3A_71 = arith.index_cast %mul3A_70 : i32 to index
      %swap3A_72 = tpu.vector_load %arg10[%swap3A, %swap3A_71] {strides = array<i32>} : memref<128x128xf32, #tpu.memory_space<vmem>>, vector<1x16xf32>,
      %swap3A_73 = vector.shape_cast %swap3A_72 : vector<1x16xf32> to vector<16xf32>
      %swap3A_74 = vector.shape_cast %broadcast_in_dim3A_1 : vector<16xf32> to vector<1x16xf32>
      tpu.vector_store %arg10[%swap3A, %swap3A_71], %swap3A_74 {strides = array<i32>} : memref<128x128xf32, #tpu.memory_space<vmem>>, vector<1x16xf32>,
      %scan3A_75 = arith.constant 0 : i32
      scf.yield %scan3A_75 : i32
    }
    %scan3A_7 = arith.constant 1024 : i32
    %mul3A_8 = arith.constant 632 : i32
    %mul3A_9 = arith.muli %arg1, %mul3A_8 : i32
    "tpu.region"() ({
      %run_scoped3A = tpu.sem_alloc : memref<!tpu.dma_semaphore, #tpu.memory_space<semaphore_mem>>
      %dma_start3A_37 = arith.constant 0 : i32
      %dma_start3A_38 = arith.constant 0 : i32
      %dma_start3A_39 = tpu.memref_slice %arg10[%dma_start3A_37, %dma_start3A_38] : memref<128x128xf32, #tpu.memory_space<vmem>> -> memref<128x128xf32, #tpu.memory_space<vmem>>
      %dma_start3A_40 = arith.constant 0 : i32
      %dma_start3A_41 = tpu.memref_slice %arg12[%mul3A_9, %dma_start3A_40] : memref<10112x128xf32, #tpu.memory_space<vmem_shared>> -> memref<128x128xf32, #tpu.memory_space<vmem_shared>>
      %dma_start3A_42 = arith.constant 0 : i32
      %dma_start3A_43 = tpu.memref_slice %arg12[%mul3A_9, %dma_start3A_42] : memref<10112x128xf32, #tpu.memory_space<vmem_shared>> -> memref<128x128xf32, #tpu.memory_space<vmem_shared>>
      %dma_start3A_44 = arith.constant 0 : i32
      %dma_start3A_45 = arith.constant 0 : i32
      %dma_start3A_46 = tpu.memref_slice %arg10[%dma_start3A_44, %dma_start3A_45] : memref<128x128xf32, #tpu.memory_space<vmem>> -> memref<128x128xf32, #tpu.memory_space<vmem>>
      tpu.enqueue_dma source(%dma_start3A_46 : memref<128x128xf32, #tpu.memory_space<vmem>>) target(%dma_start3A_43 : memref<128x128xf32, #tpu.memory_space<vmem_shared>>) target_semaphore(%run_scoped3A : memref<!tpu.dma_semaphore, #tpu.memory_space<semaphore_mem>>)
      %dma_wait3A = arith.constant 0 : i32
      %dma_wait3A_47 = arith.constant 0 : i32
      %dma_wait3A_48 = tpu.memref_slice %arg10[%dma_wait3A, %dma_wait3A_47] : memref<128x128xf32, #tpu.memory_space<vmem>> -> memref<128x128xf32, #tpu.memory_space<vmem>>
      %dma_wait3A_49 = arith.constant 0 : i32
      %dma_wait3A_50 = tpu.memref_slice %arg12[%mul3A_9, %dma_wait3A_49] : memref<10112x128xf32, #tpu.memory_space<vmem_shared>> -> memref<128x128xf32, #tpu.memory_space<vmem_shared>>
      %dma_wait3A_51 = arith.constant 0 : i32
      %dma_wait3A_52 = tpu.memref_slice %arg12[%mul3A_9, %dma_wait3A_51] : memref<10112x128xf32, #tpu.memory_space<vmem_shared>> -> memref<128x128xf32, #tpu.memory_space<vmem_shared>>
      %dma_wait3A_53 = arith.constant 0 : i32
      %dma_wait3A_54 = arith.constant 0 : i32
      %dma_wait3A_55 = tpu.memref_slice %arg10[%dma_wait3A_53, %dma_wait3A_54] : memref<128x128xf32, #tpu.memory_space<vmem>> -> memref<128x128xf32, #tpu.memory_space<vmem>>
      tpu.wait_dma2 semaphore(%run_scoped3A : memref<!tpu.dma_semaphore, #tpu.memory_space<semaphore_mem>>) src(%dma_wait3A_55 : memref<128x128xf32, #tpu.memory_space<vmem>>) dst(%dma_wait3A_52 : memref<128x128xf32, #tpu.memory_space<vmem_shared>>)
      tpu.yield
    }) : () -> ()
    %add3A_10 = arith.constant 128 : i32
    %add3A_11 = arith.addi %mul3A_9, %add3A_10 : i32
    "tpu.region"() ({
      %run_scoped3A = tpu.sem_alloc : memref<!tpu.dma_semaphore, #tpu.memory_space<semaphore_mem>>
      %dma_start3A_37 = arith.constant 0 : i32
      %dma_start3A_38 = arith.constant 0 : i32
      %dma_start3A_39 = tpu.memref_slice %arg10[%dma_start3A_37, %dma_start3A_38] : memref<128x128xf32, #tpu.memory_space<vmem>> -> memref<128x128xf32, #tpu.memory_space<vmem>>
      %dma_start3A_40 = arith.constant 0 : i32
      %dma_start3A_41 = tpu.memref_slice %arg12[%add3A_11, %dma_start3A_40] : memref<10112x128xf32, #tpu.memory_space<vmem_shared>> -> memref<128x128xf32, #tpu.memory_space<vmem_shared>>
      %dma_start3A_42 = arith.constant 0 : i32
      %dma_start3A_43 = tpu.memref_slice %arg12[%add3A_11, %dma_start3A_42] : memref<10112x128xf32, #tpu.memory_space<vmem_shared>> -> memref<128x128xf32, #tpu.memory_space<vmem_shared>>
      %dma_start3A_44 = arith.constant 0 : i32
      %dma_start3A_45 = arith.constant 0 : i32
      %dma_start3A_46 = tpu.memref_slice %arg10[%dma_start3A_44, %dma_start3A_45] : memref<128x128xf32, #tpu.memory_space<vmem>> -> memref<128x128xf32, #tpu.memory_space<vmem>>
      tpu.enqueue_dma source(%dma_start3A_46 : memref<128x128xf32, #tpu.memory_space<vmem>>) target(%dma_start3A_43 : memref<128x128xf32, #tpu.memory_space<vmem_shared>>) target_semaphore(%run_scoped3A : memref<!tpu.dma_semaphore, #tpu.memory_space<semaphore_mem>>)
      %dma_wait3A = arith.constant 0 : i32
      %dma_wait3A_47 = arith.constant 0 : i32
      %dma_wait3A_48 = tpu.memref_slice %arg10[%dma_wait3A, %dma_wait3A_47] : memref<128x128xf32, #tpu.memory_space<vmem>> -> memref<128x128xf32, #tpu.memory_space<vmem>>
      %dma_wait3A_49 = arith.constant 0 : i32
      %dma_wait3A_50 = tpu.memref_slice %arg12[%add3A_11, %dma_wait3A_49] : memref<10112x128xf32, #tpu.memory_space<vmem_shared>> -> memref<128x128xf32, #tpu.memory_space<vmem_shared>>
      %dma_wait3A_51 = arith.constant 0 : i32
      %dma_wait3A_52 = tpu.memref_slice %arg12[%add3A_11, %dma_wait3A_51] : memref<10112x128xf32, #tpu.memory_space<vmem_shared>> -> memref<128x128xf32, #tpu.memory_space<vmem_shared>>
      %dma_wait3A_53 = arith.constant 0 : i32
      %dma_wait3A_54 = arith.constant 0 : i32
      %dma_wait3A_55 = tpu.memref_slice %arg10[%dma_wait3A_53, %dma_wait3A_54] : memref<128x128xf32, #tpu.memory_space<vmem>> -> memref<128x128xf32, #tpu.memory_space<vmem>>
      tpu.wait_dma2 semaphore(%run_scoped3A : memref<!tpu.dma_semaphore, #tpu.memory_space<semaphore_mem>>) src(%dma_wait3A_55 : memref<128x128xf32, #tpu.memory_space<vmem>>) dst(%dma_wait3A_52 : memref<128x128xf32, #tpu.memory_space<vmem_shared>>)
      tpu.yield
    }) : () -> ()
    %add3A_12 = arith.constant 256 : i32
    %add3A_13 = arith.addi %mul3A_9, %add3A_12 : i32
    "tpu.region"() ({
      %run_scoped3A = tpu.sem_alloc : memref<!tpu.dma_semaphore, #tpu.memory_space<semaphore_mem>>
      %dma_start3A_37 = arith.constant 0 : i32
      %dma_start3A_38 = arith.constant 0 : i32
      %dma_start3A_39 = tpu.memref_slice %arg10[%dma_start3A_37, %dma_start3A_38] : memref<128x128xf32, #tpu.memory_space<vmem>> -> memref<128x128xf32, #tpu.memory_space<vmem>>
      %dma_start3A_40 = arith.constant 0 : i32
      %dma_start3A_41 = tpu.memref_slice %arg12[%add3A_13, %dma_start3A_40] : memref<10112x128xf32, #tpu.memory_space<vmem_shared>> -> memref<128x128xf32, #tpu.memory_space<vmem_shared>>
      %dma_start3A_42 = arith.constant 0 : i32
      %dma_start3A_43 = tpu.memref_slice %arg12[%add3A_13, %dma_start3A_42] : memref<10112x128xf32, #tpu.memory_space<vmem_shared>> -> memref<128x128xf32, #tpu.memory_space<vmem_shared>>
      %dma_start3A_44 = arith.constant 0 : i32
      %dma_start3A_45 = arith.constant 0 : i32
      %dma_start3A_46 = tpu.memref_slice %arg10[%dma_start3A_44, %dma_start3A_45] : memref<128x128xf32, #tpu.memory_space<vmem>> -> memref<128x128xf32, #tpu.memory_space<vmem>>
      tpu.enqueue_dma source(%dma_start3A_46 : memref<128x128xf32, #tpu.memory_space<vmem>>) target(%dma_start3A_43 : memref<128x128xf32, #tpu.memory_space<vmem_shared>>) target_semaphore(%run_scoped3A : memref<!tpu.dma_semaphore, #tpu.memory_space<semaphore_mem>>)
      %dma_wait3A = arith.constant 0 : i32
      %dma_wait3A_47 = arith.constant 0 : i32
      %dma_wait3A_48 = tpu.memref_slice %arg10[%dma_wait3A, %dma_wait3A_47] : memref<128x128xf32, #tpu.memory_space<vmem>> -> memref<128x128xf32, #tpu.memory_space<vmem>>
      %dma_wait3A_49 = arith.constant 0 : i32
      %dma_wait3A_50 = tpu.memref_slice %arg12[%add3A_13, %dma_wait3A_49] : memref<10112x128xf32, #tpu.memory_space<vmem_shared>> -> memref<128x128xf32, #tpu.memory_space<vmem_shared>>
      %dma_wait3A_51 = arith.constant 0 : i32
      %dma_wait3A_52 = tpu.memref_slice %arg12[%add3A_13, %dma_wait3A_51] : memref<10112x128xf32, #tpu.memory_space<vmem_shared>> -> memref<128x128xf32, #tpu.memory_space<vmem_shared>>
      %dma_wait3A_53 = arith.constant 0 : i32
      %dma_wait3A_54 = arith.constant 0 : i32
      %dma_wait3A_55 = tpu.memref_slice %arg10[%dma_wait3A_53, %dma_wait3A_54] : memref<128x128xf32, #tpu.memory_space<vmem>> -> memref<128x128xf32, #tpu.memory_space<vmem>>
      tpu.wait_dma2 semaphore(%run_scoped3A : memref<!tpu.dma_semaphore, #tpu.memory_space<semaphore_mem>>) src(%dma_wait3A_55 : memref<128x128xf32, #tpu.memory_space<vmem>>) dst(%dma_wait3A_52 : memref<128x128xf32, #tpu.memory_space<vmem_shared>>)
      tpu.yield
    }) : () -> ()
    %add3A_14 = arith.constant 384 : i32
    %add3A_15 = arith.addi %mul3A_9, %add3A_14 : i32
    "tpu.region"() ({
      %run_scoped3A = tpu.sem_alloc : memref<!tpu.dma_semaphore, #tpu.memory_space<semaphore_mem>>
      %dma_start3A_37 = arith.constant 0 : i32
      %dma_start3A_38 = arith.constant 0 : i32
      %dma_start3A_39 = tpu.memref_slice %arg10[%dma_start3A_37, %dma_start3A_38] : memref<128x128xf32, #tpu.memory_space<vmem>> -> memref<128x128xf32, #tpu.memory_space<vmem>>
      %dma_start3A_40 = arith.constant 0 : i32
      %dma_start3A_41 = tpu.memref_slice %arg12[%add3A_15, %dma_start3A_40] : memref<10112x128xf32, #tpu.memory_space<vmem_shared>> -> memref<128x128xf32, #tpu.memory_space<vmem_shared>>
      %dma_start3A_42 = arith.constant 0 : i32
      %dma_start3A_43 = tpu.memref_slice %arg12[%add3A_15, %dma_start3A_42] : memref<10112x128xf32, #tpu.memory_space<vmem_shared>> -> memref<128x128xf32, #tpu.memory_space<vmem_shared>>
      %dma_start3A_44 = arith.constant 0 : i32
      %dma_start3A_45 = arith.constant 0 : i32
      %dma_start3A_46 = tpu.memref_slice %arg10[%dma_start3A_44, %dma_start3A_45] : memref<128x128xf32, #tpu.memory_space<vmem>> -> memref<128x128xf32, #tpu.memory_space<vmem>>
      tpu.enqueue_dma source(%dma_start3A_46 : memref<128x128xf32, #tpu.memory_space<vmem>>) target(%dma_start3A_43 : memref<128x128xf32, #tpu.memory_space<vmem_shared>>) target_semaphore(%run_scoped3A : memref<!tpu.dma_semaphore, #tpu.memory_space<semaphore_mem>>)
      %dma_wait3A = arith.constant 0 : i32
      %dma_wait3A_47 = arith.constant 0 : i32
      %dma_wait3A_48 = tpu.memref_slice %arg10[%dma_wait3A, %dma_wait3A_47] : memref<128x128xf32, #tpu.memory_space<vmem>> -> memref<128x128xf32, #tpu.memory_space<vmem>>
      %dma_wait3A_49 = arith.constant 0 : i32
      %dma_wait3A_50 = tpu.memref_slice %arg12[%add3A_15, %dma_wait3A_49] : memref<10112x128xf32, #tpu.memory_space<vmem_shared>> -> memref<128x128xf32, #tpu.memory_space<vmem_shared>>
      %dma_wait3A_51 = arith.constant 0 : i32
      %dma_wait3A_52 = tpu.memref_slice %arg12[%add3A_15, %dma_wait3A_51] : memref<10112x128xf32, #tpu.memory_space<vmem_shared>> -> memref<128x128xf32, #tpu.memory_space<vmem_shared>>
      %dma_wait3A_53 = arith.constant 0 : i32
      %dma_wait3A_54 = arith.constant 0 : i32
      %dma_wait3A_55 = tpu.memref_slice %arg10[%dma_wait3A_53, %dma_wait3A_54] : memref<128x128xf32, #tpu.memory_space<vmem>> -> memref<128x128xf32, #tpu.memory_space<vmem>>
      tpu.wait_dma2 semaphore(%run_scoped3A : memref<!tpu.dma_semaphore, #tpu.memory_space<semaphore_mem>>) src(%dma_wait3A_55 : memref<128x128xf32, #tpu.memory_space<vmem>>) dst(%dma_wait3A_52 : memref<128x128xf32, #tpu.memory_space<vmem_shared>>)
      tpu.yield
    }) : () -> ()
    %add3A_16 = arith.constant 512 : i32
    %add3A_17 = arith.addi %mul3A_9, %add3A_16 : i32
    "tpu.region"() ({
      %run_scoped3A = tpu.sem_alloc : memref<!tpu.dma_semaphore, #tpu.memory_space<semaphore_mem>>
      %dma_start3A_37 = arith.constant 0 : i32
      %dma_start3A_38 = arith.constant 0 : i32
      %dma_start3A_39 = tpu.memref_slice %arg10[%dma_start3A_37, %dma_start3A_38] : memref<128x128xf32, #tpu.memory_space<vmem>> -> memref<120x128xf32, #tpu.memory_space<vmem>>
      %dma_start3A_40 = arith.constant 0 : i32
      %dma_start3A_41 = tpu.memref_slice %arg12[%add3A_17, %dma_start3A_40] : memref<10112x128xf32, #tpu.memory_space<vmem_shared>> -> memref<120x128xf32, #tpu.memory_space<vmem_shared>>
      %dma_start3A_42 = arith.constant 0 : i32
      %dma_start3A_43 = tpu.memref_slice %arg12[%add3A_17, %dma_start3A_42] : memref<10112x128xf32, #tpu.memory_space<vmem_shared>> -> memref<120x128xf32, #tpu.memory_space<vmem_shared>>
      %dma_start3A_44 = arith.constant 0 : i32
      %dma_start3A_45 = arith.constant 0 : i32
      %dma_start3A_46 = tpu.memref_slice %arg10[%dma_start3A_44, %dma_start3A_45] : memref<128x128xf32, #tpu.memory_space<vmem>> -> memref<120x128xf32, #tpu.memory_space<vmem>>
      tpu.enqueue_dma source(%dma_start3A_46 : memref<120x128xf32, #tpu.memory_space<vmem>>) target(%dma_start3A_43 : memref<120x128xf32, #tpu.memory_space<vmem_shared>>) target_semaphore(%run_scoped3A : memref<!tpu.dma_semaphore, #tpu.memory_space<semaphore_mem>>)
      %dma_wait3A = arith.constant 0 : i32
      %dma_wait3A_47 = arith.constant 0 : i32
      %dma_wait3A_48 = tpu.memref_slice %arg10[%dma_wait3A, %dma_wait3A_47] : memref<128x128xf32, #tpu.memory_space<vmem>> -> memref<120x128xf32, #tpu.memory_space<vmem>>
      %dma_wait3A_49 = arith.constant 0 : i32
      %dma_wait3A_50 = tpu.memref_slice %arg12[%add3A_17, %dma_wait3A_49] : memref<10112x128xf32, #tpu.memory_space<vmem_shared>> -> memref<120x128xf32, #tpu.memory_space<vmem_shared>>
      %dma_wait3A_51 = arith.constant 0 : i32
      %dma_wait3A_52 = tpu.memref_slice %arg12[%add3A_17, %dma_wait3A_51] : memref<10112x128xf32, #tpu.memory_space<vmem_shared>> -> memref<120x128xf32, #tpu.memory_space<vmem_shared>>
      %dma_wait3A_53 = arith.constant 0 : i32
      %dma_wait3A_54 = arith.constant 0 : i32
      %dma_wait3A_55 = tpu.memref_slice %arg10[%dma_wait3A_53, %dma_wait3A_54] : memref<128x128xf32, #tpu.memory_space<vmem>> -> memref<120x128xf32, #tpu.memory_space<vmem>>
      tpu.wait_dma2 semaphore(%run_scoped3A : memref<!tpu.dma_semaphore, #tpu.memory_space<semaphore_mem>>) src(%dma_wait3A_55 : memref<120x128xf32, #tpu.memory_space<vmem>>) dst(%dma_wait3A_52 : memref<120x128xf32, #tpu.memory_space<vmem_shared>>)
      tpu.yield
    }) : () -> ()
    %barrier3A = arith.constant 0 : index
    tpu.barrier barrier_id(%barrier3A)
    %mul3A_18 = arith.constant 10240 : i32
    %mul3A_19 = arith.muli %add3A, %mul3A_18 : i32
    "tpu.region"() ({
      %run_scoped3A = tpu.sem_alloc : memref<!tpu.dma_semaphore, #tpu.memory_space<semaphore_mem>>
      %dma_start3A_37 = tpu.memref_slice %arg3[%mul3A_19] : memref<327680xi32, #tpu.memory_space<hbm>> -> memref<128xi32, #tpu.memory_space<hbm>>
      %dma_start3A_38 = tpu.memref_slice %arg3[%mul3A_19] : memref<327680xi32, #tpu.memory_space<hbm>> -> memref<128xi32, #tpu.memory_space<hbm>>
      tpu.enqueue_dma source(%dma_start3A_38 : memref<128xi32, #tpu.memory_space<hbm>>) target(%arg6 : memref<128xi32, #tpu.memory_space<vmem>>) target_semaphore(%run_scoped3A : memref<!tpu.dma_semaphore, #tpu.memory_space<semaphore_mem>>)
      %dma_wait3A = tpu.memref_slice %arg3[%mul3A_19] : memref<327680xi32, #tpu.memory_space<hbm>> -> memref<128xi32, #tpu.memory_space<hbm>>
      %dma_wait3A_39 = tpu.memref_slice %arg3[%mul3A_19] : memref<327680xi32, #tpu.memory_space<hbm>> -> memref<128xi32, #tpu.memory_space<hbm>>
      tpu.wait_dma2 semaphore(%run_scoped3A : memref<!tpu.dma_semaphore, #tpu.memory_space<semaphore_mem>>) src(%dma_wait3A_39 : memref<128xi32, #tpu.memory_space<hbm>>) dst(%arg6 : memref<128xi32, #tpu.memory_space<vmem>>)
      tpu.yield
    }) : () -> ()
    "tpu.region"() ({
      %run_scoped3A = tpu.sem_alloc : memref<!tpu.dma_semaphore, #tpu.memory_space<semaphore_mem>>
      %dma_start3A_37 = tpu.memref_slice %arg4[%mul3A_19] : memref<327680xi32, #tpu.memory_space<hbm>> -> memref<128xi32, #tpu.memory_space<hbm>>
      %dma_start3A_38 = tpu.memref_slice %arg4[%mul3A_19] : memref<327680xi32, #tpu.memory_space<hbm>> -> memref<128xi32, #tpu.memory_space<hbm>>
      tpu.enqueue_dma source(%dma_start3A_38 : memref<128xi32, #tpu.memory_space<hbm>>) target(%arg8 : memref<128xi32, #tpu.memory_space<vmem>>) target_semaphore(%run_scoped3A : memref<!tpu.dma_semaphore, #tpu.memory_space<semaphore_mem>>)
      %dma_wait3A = tpu.memref_slice %arg4[%mul3A_19] : memref<327680xi32, #tpu.memory_space<hbm>> -> memref<128xi32, #tpu.memory_space<hbm>>
      %dma_wait3A_39 = tpu.memref_slice %arg4[%mul3A_19] : memref<327680xi32, #tpu.memory_space<hbm>> -> memref<128xi32, #tpu.memory_space<hbm>>
      tpu.wait_dma2 semaphore(%run_scoped3A : memref<!tpu.dma_semaphore, #tpu.memory_space<semaphore_mem>>) src(%dma_wait3A_39 : memref<128xi32, #tpu.memory_space<hbm>>) dst(%arg8 : memref<128xi32, #tpu.memory_space<vmem>>)
      tpu.yield
    }) : () -> ()
    %add3A_20 = arith.constant 128 : i32
    %add3A_21 = arith.addi %mul3A_19, %add3A_20 : i32
    "tpu.region"() ({
      %run_scoped3A = tpu.sem_alloc : memref<!tpu.dma_semaphore, #tpu.memory_space<semaphore_mem>>
      %dma_start3A_37 = tpu.memref_slice %arg3[%add3A_21] : memref<327680xi32, #tpu.memory_space<hbm>> -> memref<128xi32, #tpu.memory_space<hbm>>
      %dma_start3A_38 = tpu.memref_slice %arg3[%add3A_21] : memref<327680xi32, #tpu.memory_space<hbm>> -> memref<128xi32, #tpu.memory_space<hbm>>
      tpu.enqueue_dma source(%dma_start3A_38 : memref<128xi32, #tpu.memory_space<hbm>>) target(%arg7 : memref<128xi32, #tpu.memory_space<vmem>>) target_semaphore(%run_scoped3A : memref<!tpu.dma_semaphore, #tpu.memory_space<semaphore_mem>>)
      %dma_wait3A = tpu.memref_slice %arg3[%add3A_21] : memref<327680xi32, #tpu.memory_space<hbm>> -> memref<128xi32, #tpu.memory_space<hbm>>
      %dma_wait3A_39 = tpu.memref_slice %arg3[%add3A_21] : memref<327680xi32, #tpu.memory_space<hbm>> -> memref<128xi32, #tpu.memory_space<hbm>>
      tpu.wait_dma2 semaphore(%run_scoped3A : memref<!tpu.dma_semaphore, #tpu.memory_space<semaphore_mem>>) src(%dma_wait3A_39 : memref<128xi32, #tpu.memory_space<hbm>>) dst(%arg7 : memref<128xi32, #tpu.memory_space<vmem>>)
      tpu.yield
    }) : () -> ()
    %add3A_22 = arith.constant 128 : i32
    %add3A_23 = arith.addi %mul3A_19, %add3A_22 : i32
    "tpu.region"() ({
      %run_scoped3A = tpu.sem_alloc : memref<!tpu.dma_semaphore, #tpu.memory_space<semaphore_mem>>
      %dma_start3A_37 = tpu.memref_slice %arg4[%add3A_23] : memref<327680xi32, #tpu.memory_space<hbm>> -> memref<128xi32, #tpu.memory_space<hbm>>
      %dma_start3A_38 = tpu.memref_slice %arg4[%add3A_23] : memref<327680xi32, #tpu.memory_space<hbm>> -> memref<128xi32, #tpu.memory_space<hbm>>
      tpu.enqueue_dma source(%dma_start3A_38 : memref<128xi32, #tpu.memory_space<hbm>>) target(%arg9 : memref<128xi32, #tpu.memory_space<vmem>>) target_semaphore(%run_scoped3A : memref<!tpu.dma_semaphore, #tpu.memory_space<semaphore_mem>>)
      %dma_wait3A = tpu.memref_slice %arg4[%add3A_23] : memref<327680xi32, #tpu.memory_space<hbm>> -> memref<128xi32, #tpu.memory_space<hbm>>
      %dma_wait3A_39 = tpu.memref_slice %arg4[%add3A_23] : memref<327680xi32, #tpu.memory_space<hbm>> -> memref<128xi32, #tpu.memory_space<hbm>>
      tpu.wait_dma2 semaphore(%run_scoped3A : memref<!tpu.dma_semaphore, #tpu.memory_space<semaphore_mem>>) src(%dma_wait3A_39 : memref<128xi32, #tpu.memory_space<hbm>>) dst(%arg9 : memref<128xi32, #tpu.memory_space<vmem>>)
      tpu.yield
    }) : () -> ()
    %dma_start3A = arith.constant 0 : i32
    %dma_start3A_24 = arith.constant 0 : i32
    %dma_start3A_25 = tpu.memref_slice %arg2[%dma_start3A, %dma_start3A_24] : memref<10000x128xf32, #tpu.memory_space<hbm>> -> memref<10000x128xf32, #tpu.memory_space<hbm>>
    tpu.enqueue_indirect_dma source(%dma_start3A_25 : memref<10000x128xf32, #tpu.memory_space<hbm>>) target(%arg10 : memref<128x128xf32, #tpu.memory_space<vmem>>) offsets(%arg6 : memref<128xi32, #tpu.memory_space<vmem>>) semaphore(%arg13 : memref<!tpu.dma_semaphore, #tpu.memory_space<semaphore_mem>>)
    %dma_start3A_26 = arith.constant 0 : i32
    %dma_start3A_27 = arith.constant 0 : i32
    %dma_start3A_28 = tpu.memref_slice %arg2[%dma_start3A_26, %dma_start3A_27] : memref<10000x128xf32, #tpu.memory_space<hbm>> -> memref<10000x128xf32, #tpu.memory_space<hbm>>
    tpu.enqueue_indirect_dma source(%dma_start3A_28 : memref<10000x128xf32, #tpu.memory_space<hbm>>) target(%arg11 : memref<128x128xf32, #tpu.memory_space<vmem>>) offsets(%arg7 : memref<128xi32, #tpu.memory_space<vmem>>) semaphore(%arg14 : memref<!tpu.dma_semaphore, #tpu.memory_space<semaphore_mem>>)
    %scan3A_29 = arith.constant 0 : i32
    %scan3A_30 = arith.constant 0 : i32
    %scan3A_31 = arith.constant 40 : i32
    %scan3A_32 = arith.addi %scan3A_30, %scan3A_31 : i32
    %scan3A_33 = arith.constant 1 : i32
    %scan3A_34 = scf.for %scan3A_37 = %scan3A_30 to %scan3A_32 step %scan3A_33 iter_args(%scan3A_38 = %scan3A_29) -> (i32)  : i32 {
      %mul3A_39 = arith.constant 2 : i32
      %mul3A_40 = arith.muli %mul3A_39, %scan3A_37 : i32
      %add3A_41 = arith.constant 0 : i32
      %add3A_42 = arith.addi %mul3A_40, %add3A_41 : i32
      %dma_wait3A = arith.constant 0 : i32
      %dma_wait3A_43 = arith.constant 0 : i32
      %dma_wait3A_44 = tpu.memref_slice %arg2[%dma_wait3A, %dma_wait3A_43] : memref<10000x128xf32, #tpu.memory_space<hbm>> -> memref<10000x128xf32, #tpu.memory_space<hbm>>
      tpu.wait_indirect_dma semaphore(%arg13 : memref<!tpu.dma_semaphore, #tpu.memory_space<semaphore_mem>>) src(%dma_wait3A_44 : memref<10000x128xf32, #tpu.memory_space<hbm>>) dst(%arg10 : memref<128x128xf32, #tpu.memory_space<vmem>>)
      "tpu.region"() ({
        %run_scoped3A = tpu.sem_alloc : memref<!tpu.dma_semaphore, #tpu.memory_space<semaphore_mem>>
        %dma_start3A_60 = arith.constant 0 : i32
        %dma_start3A_61 = arith.constant 0 : i32
        %dma_start3A_62 = tpu.memref_slice %arg12[%dma_start3A_60, %dma_start3A_61] : memref<10112x128xf32, #tpu.memory_space<vmem_shared>> -> memref<10112x128xf32, #tpu.memory_space<vmem_shared>>
        tpu.enqueue_indirect_dma source(%arg10 : memref<128x128xf32, #tpu.memory_space<vmem>>) target(%dma_start3A_62 : memref<10112x128xf32, #tpu.memory_space<vmem_shared>>) offsets(%arg8 : memref<128xi32, #tpu.memory_space<vmem>>) semaphore(%run_scoped3A : memref<!tpu.dma_semaphore, #tpu.memory_space<semaphore_mem>>) {add = true}
        %dma_wait3A_63 = arith.constant 0 : i32
        %dma_wait3A_64 = arith.constant 0 : i32
        %dma_wait3A_65 = tpu.memref_slice %arg12[%dma_wait3A_63, %dma_wait3A_64] : memref<10112x128xf32, #tpu.memory_space<vmem_shared>> -> memref<10112x128xf32, #tpu.memory_space<vmem_shared>>
        tpu.wait_indirect_dma semaphore(%run_scoped3A : memref<!tpu.dma_semaphore, #tpu.memory_space<semaphore_mem>>) src(%arg10 : memref<128x128xf32, #tpu.memory_space<vmem>>) dst(%dma_wait3A_65 : memref<10112x128xf32, #tpu.memory_space<vmem_shared>>)
        tpu.yield
      }) : () -> ()
      %lt3A = arith.constant 39 : i32
      %lt3A_45 = arith.cmpi slt, %scan3A_37, %lt3A : i32
      %convert_element_type3A = arith.extui %lt3A_45 : i1 to i32
      %cond3A = arith.constant 0 : i32
      %cond3A_46 = arith.cmpi ne, %convert_element_type3A, %cond3A : i32
      scf.if %cond3A_46 {
        %add3A_60 = arith.constant 2 : i32
        %add3A_61 = arith.addi %add3A_42, %add3A_60 : i32
        %mul3A_62 = arith.constant 128 : i32
        %mul3A_63 = arith.muli %add3A_61, %mul3A_62 : i32
        %add3A_64 = arith.addi %mul3A_19, %mul3A_63 : i32
        "tpu.region"() ({
          %run_scoped3A = tpu.sem_alloc : memref<!tpu.dma_semaphore, #tpu.memory_space<semaphore_mem>>
          %dma_start3A_73 = tpu.memref_slice %arg3[%add3A_64] : memref<327680xi32, #tpu.memory_space<hbm>> -> memref<128xi32, #tpu.memory_space<hbm>>
          %dma_start3A_74 = tpu.memref_slice %arg3[%add3A_64] : memref<327680xi32, #tpu.memory_space<hbm>> -> memref<128xi32, #tpu.memory_space<hbm>>
          tpu.enqueue_dma source(%dma_start3A_74 : memref<128xi32, #tpu.memory_space<hbm>>) target(%arg6 : memref<128xi32, #tpu.memory_space<vmem>>) target_semaphore(%run_scoped3A : memref<!tpu.dma_semaphore, #tpu.memory_space<semaphore_mem>>)
          %dma_wait3A_75 = tpu.memref_slice %arg3[%add3A_64] : memref<327680xi32, #tpu.memory_space<hbm>> -> memref<128xi32, #tpu.memory_space<hbm>>
          %dma_wait3A_76 = tpu.memref_slice %arg3[%add3A_64] : memref<327680xi32, #tpu.memory_space<hbm>> -> memref<128xi32, #tpu.memory_space<hbm>>
          tpu.wait_dma2 semaphore(%run_scoped3A : memref<!tpu.dma_semaphore, #tpu.memory_space<semaphore_mem>>) src(%dma_wait3A_76 : memref<128xi32, #tpu.memory_space<hbm>>) dst(%arg6 : memref<128xi32, #tpu.memory_space<vmem>>)
          tpu.yield
        }) : () -> ()
        %add3A_65 = arith.constant 2 : i32
        %add3A_66 = arith.addi %add3A_42, %add3A_65 : i32
        %mul3A_67 = arith.constant 128 : i32
        %mul3A_68 = arith.muli %add3A_66, %mul3A_67 : i32
        %add3A_69 = arith.addi %mul3A_19, %mul3A_68 : i32
        "tpu.region"() ({
          %run_scoped3A = tpu.sem_alloc : memref<!tpu.dma_semaphore, #tpu.memory_space<semaphore_mem>>
          %dma_start3A_73 = tpu.memref_slice %arg4[%add3A_69] : memref<327680xi32, #tpu.memory_space<hbm>> -> memref<128xi32, #tpu.memory_space<hbm>>
          %dma_start3A_74 = tpu.memref_slice %arg4[%add3A_69] : memref<327680xi32, #tpu.memory_space<hbm>> -> memref<128xi32, #tpu.memory_space<hbm>>
          tpu.enqueue_dma source(%dma_start3A_74 : memref<128xi32, #tpu.memory_space<hbm>>) target(%arg8 : memref<128xi32, #tpu.memory_space<vmem>>) target_semaphore(%run_scoped3A : memref<!tpu.dma_semaphore, #tpu.memory_space<semaphore_mem>>)
          %dma_wait3A_75 = tpu.memref_slice %arg4[%add3A_69] : memref<327680xi32, #tpu.memory_space<hbm>> -> memref<128xi32, #tpu.memory_space<hbm>>
          %dma_wait3A_76 = tpu.memref_slice %arg4[%add3A_69] : memref<327680xi32, #tpu.memory_space<hbm>> -> memref<128xi32, #tpu.memory_space<hbm>>
          tpu.wait_dma2 semaphore(%run_scoped3A : memref<!tpu.dma_semaphore, #tpu.memory_space<semaphore_mem>>) src(%dma_wait3A_76 : memref<128xi32, #tpu.memory_space<hbm>>) dst(%arg8 : memref<128xi32, #tpu.memory_space<vmem>>)
          tpu.yield
        }) : () -> ()
        %dma_start3A_70 = arith.constant 0 : i32
        %dma_start3A_71 = arith.constant 0 : i32
        %dma_start3A_72 = tpu.memref_slice %arg2[%dma_start3A_70, %dma_start3A_71] : memref<10000x128xf32, #tpu.memory_space<hbm>> -> memref<10000x128xf32, #tpu.memory_space<hbm>>
        tpu.enqueue_indirect_dma source(%dma_start3A_72 : memref<10000x128xf32, #tpu.memory_space<hbm>>) target(%arg10 : memref<128x128xf32, #tpu.memory_space<vmem>>) offsets(%arg6 : memref<128xi32, #tpu.memory_space<vmem>>) semaphore(%arg13 : memref<!tpu.dma_semaphore, #tpu.memory_space<semaphore_mem>>)
      } else {
      }
      %mul3A_47 = arith.constant 2 : i32
      %mul3A_48 = arith.muli %mul3A_47, %scan3A_37 : i32
      %add3A_49 = arith.constant 1 : i32
      %add3A_50 = arith.addi %mul3A_48, %add3A_49 : i32
      %dma_wait3A_51 = arith.constant 0 : i32
      %dma_wait3A_52 = arith.constant 0 : i32
      %dma_wait3A_53 = tpu.memref_slice %arg2[%dma_wait3A_51, %dma_wait3A_52] : memref<10000x128xf32, #tpu.memory_space<hbm>> -> memref<10000x128xf32, #tpu.memory_space<hbm>>
      tpu.wait_indirect_dma semaphore(%arg14 : memref<!tpu.dma_semaphore, #tpu.memory_space<semaphore_mem>>) src(%dma_wait3A_53 : memref<10000x128xf32, #tpu.memory_space<hbm>>) dst(%arg11 : memref<128x128xf32, #tpu.memory_space<vmem>>)
      "tpu.region"() ({
        %run_scoped3A = tpu.sem_alloc : memref<!tpu.dma_semaphore, #tpu.memory_space<semaphore_mem>>
        %dma_start3A_60 = arith.constant 0 : i32
        %dma_start3A_61 = arith.constant 0 : i32
        %dma_start3A_62 = tpu.memref_slice %arg12[%dma_start3A_60, %dma_start3A_61] : memref<10112x128xf32, #tpu.memory_space<vmem_shared>> -> memref<10112x128xf32, #tpu.memory_space<vmem_shared>>
        tpu.enqueue_indirect_dma source(%arg11 : memref<128x128xf32, #tpu.memory_space<vmem>>) target(%dma_start3A_62 : memref<10112x128xf32, #tpu.memory_space<vmem_shared>>) offsets(%arg9 : memref<128xi32, #tpu.memory_space<vmem>>) semaphore(%run_scoped3A : memref<!tpu.dma_semaphore, #tpu.memory_space<semaphore_mem>>) {add = true}
        %dma_wait3A_63 = arith.constant 0 : i32
        %dma_wait3A_64 = arith.constant 0 : i32
        %dma_wait3A_65 = tpu.memref_slice %arg12[%dma_wait3A_63, %dma_wait3A_64] : memref<10112x128xf32, #tpu.memory_space<vmem_shared>> -> memref<10112x128xf32, #tpu.memory_space<vmem_shared>>
        tpu.wait_indirect_dma semaphore(%run_scoped3A : memref<!tpu.dma_semaphore, #tpu.memory_space<semaphore_mem>>) src(%arg11 : memref<128x128xf32, #tpu.memory_space<vmem>>) dst(%dma_wait3A_65 : memref<10112x128xf32, #tpu.memory_space<vmem_shared>>)
        tpu.yield
      }) : () -> ()
      %lt3A_54 = arith.constant 39 : i32
      %lt3A_55 = arith.cmpi slt, %scan3A_37, %lt3A_54 : i32
      %convert_element_type3A_56 = arith.extui %lt3A_55 : i1 to i32
      %cond3A_57 = arith.constant 0 : i32
      %cond3A_58 = arith.cmpi ne, %convert_element_type3A_56, %cond3A_57 : i32
      scf.if %cond3A_58 {
        %add3A_60 = arith.constant 2 : i32
        %add3A_61 = arith.addi %add3A_50, %add3A_60 : i32
        %mul3A_62 = arith.constant 128 : i32
        %mul3A_63 = arith.muli %add3A_61, %mul3A_62 : i32
        %add3A_64 = arith.addi %mul3A_19, %mul3A_63 : i32
        "tpu.region"() ({
          %run_scoped3A = tpu.sem_alloc : memref<!tpu.dma_semaphore, #tpu.memory_space<semaphore_mem>>
          %dma_start3A_73 = tpu.memref_slice %arg3[%add3A_64] : memref<327680xi32, #tpu.memory_space<hbm>> -> memref<128xi32, #tpu.memory_space<hbm>>
          %dma_start3A_74 = tpu.memref_slice %arg3[%add3A_64] : memref<327680xi32, #tpu.memory_space<hbm>> -> memref<128xi32, #tpu.memory_space<hbm>>
          tpu.enqueue_dma source(%dma_start3A_74 : memref<128xi32, #tpu.memory_space<hbm>>) target(%arg7 : memref<128xi32, #tpu.memory_space<vmem>>) target_semaphore(%run_scoped3A : memref<!tpu.dma_semaphore, #tpu.memory_space<semaphore_mem>>)
          %dma_wait3A_75 = tpu.memref_slice %arg3[%add3A_64] : memref<327680xi32, #tpu.memory_space<hbm>> -> memref<128xi32, #tpu.memory_space<hbm>>
          %dma_wait3A_76 = tpu.memref_slice %arg3[%add3A_64] : memref<327680xi32, #tpu.memory_space<hbm>> -> memref<128xi32, #tpu.memory_space<hbm>>
          tpu.wait_dma2 semaphore(%run_scoped3A : memref<!tpu.dma_semaphore, #tpu.memory_space<semaphore_mem>>) src(%dma_wait3A_76 : memref<128xi32, #tpu.memory_space<hbm>>) dst(%arg7 : memref<128xi32, #tpu.memory_space<vmem>>)
          tpu.yield
        }) : () -> ()
        %add3A_65 = arith.constant 2 : i32
        %add3A_66 = arith.addi %add3A_50, %add3A_65 : i32
        %mul3A_67 = arith.constant 128 : i32
        %mul3A_68 = arith.muli %add3A_66, %mul3A_67 : i32
        %add3A_69 = arith.addi %mul3A_19, %mul3A_68 : i32
        "tpu.region"() ({
          %run_scoped3A = tpu.sem_alloc : memref<!tpu.dma_semaphore, #tpu.memory_space<semaphore_mem>>
          %dma_start3A_73 = tpu.memref_slice %arg4[%add3A_69] : memref<327680xi32, #tpu.memory_space<hbm>> -> memref<128xi32, #tpu.memory_space<hbm>>
          %dma_start3A_74 = tpu.memref_slice %arg4[%add3A_69] : memref<327680xi32, #tpu.memory_space<hbm>> -> memref<128xi32, #tpu.memory_space<hbm>>
          tpu.enqueue_dma source(%dma_start3A_74 : memref<128xi32, #tpu.memory_space<hbm>>) target(%arg9 : memref<128xi32, #tpu.memory_space<vmem>>) target_semaphore(%run_scoped3A : memref<!tpu.dma_semaphore, #tpu.memory_space<semaphore_mem>>)
          %dma_wait3A_75 = tpu.memref_slice %arg4[%add3A_69] : memref<327680xi32, #tpu.memory_space<hbm>> -> memref<128xi32, #tpu.memory_space<hbm>>
          %dma_wait3A_76 = tpu.memref_slice %arg4[%add3A_69] : memref<327680xi32, #tpu.memory_space<hbm>> -> memref<128xi32, #tpu.memory_space<hbm>>
          tpu.wait_dma2 semaphore(%run_scoped3A : memref<!tpu.dma_semaphore, #tpu.memory_space<semaphore_mem>>) src(%dma_wait3A_76 : memref<128xi32, #tpu.memory_space<hbm>>) dst(%arg9 : memref<128xi32, #tpu.memory_space<vmem>>)
          tpu.yield
        }) : () -> ()
        %dma_start3A_70 = arith.constant 0 : i32
        %dma_start3A_71 = arith.constant 0 : i32
        %dma_start3A_72 = tpu.memref_slice %arg2[%dma_start3A_70, %dma_start3A_71] : memref<10000x128xf32, #tpu.memory_space<hbm>> -> memref<10000x128xf32, #tpu.memory_space<hbm>>
        tpu.enqueue_indirect_dma source(%dma_start3A_72 : memref<10000x128xf32, #tpu.memory_space<hbm>>) target(%arg11 : memref<128x128xf32, #tpu.memory_space<vmem>>) offsets(%arg7 : memref<128xi32, #tpu.memory_space<vmem>>) semaphore(%arg14 : memref<!tpu.dma_semaphore, #tpu.memory_space<semaphore_mem>>)
      } else {
      }
      %scan3A_59 = arith.constant 0 : i32
      scf.yield %scan3A_59 : i32
    }
    %scan3A_35 = arith.constant 40 : i32
    %barrier3A_36 = arith.constant 0 : index
    tpu.barrier barrier_id(%barrier3A_36)
    "tpu.region"() ({
      %run_scoped3A = tpu.sem_alloc : memref<!tpu.dma_semaphore, #tpu.memory_space<semaphore_mem>>
      %dma_start3A_37 = arith.constant 0 : i32
      %dma_start3A_38 = tpu.memref_slice %arg5[%arg0, %mul3A_9, %dma_start3A_37] : memref<2x10112x128xf32, #tpu.memory_space<hbm>> -> memref<1x632x128xf32, #tpu.memory_space<hbm>>
      %dma_start3A_39 = tpu.memref_squeeze %dma_start3A_38 : memref<1x632x128xf32, #tpu.memory_space<hbm>> -> memref<632x128xf32, #tpu.memory_space<hbm>>
      %dma_start3A_40 = arith.constant 0 : i32
      %dma_start3A_41 = tpu.memref_slice %arg12[%mul3A_9, %dma_start3A_40] : memref<10112x128xf32, #tpu.memory_space<vmem_shared>> -> memref<632x128xf32, #tpu.memory_space<vmem_shared>>
      tpu.enqueue_dma source(%dma_start3A_41 : memref<632x128xf32, #tpu.memory_space<vmem_shared>>) target(%dma_start3A_39 : memref<632x128xf32, #tpu.memory_space<hbm>>) target_semaphore(%run_scoped3A : memref<!tpu.dma_semaphore, #tpu.memory_space<semaphore_mem>>)
      %dma_wait3A = arith.constant 0 : i32
      %dma_wait3A_42 = tpu.memref_slice %arg5[%arg0, %mul3A_9, %dma_wait3A] : memref<2x10112x128xf32, #tpu.memory_space<hbm>> -> memref<1x632x128xf32, #tpu.memory_space<hbm>>
      %dma_wait3A_43 = tpu.memref_squeeze %dma_wait3A_42 : memref<1x632x128xf32, #tpu.memory_space<hbm>> -> memref<632x128xf32, #tpu.memory_space<hbm>>
      %dma_wait3A_44 = arith.constant 0 : i32
      %dma_wait3A_45 = tpu.memref_slice %arg12[%mul3A_9, %dma_wait3A_44] : memref<10112x128xf32, #tpu.memory_space<vmem_shared>> -> memref<632x128xf32, #tpu.memory_space<vmem_shared>>
      tpu.wait_dma2 semaphore(%run_scoped3A : memref<!tpu.dma_semaphore, #tpu.memory_space<semaphore_mem>>) src(%dma_wait3A_45 : memref<632x128xf32, #tpu.memory_space<vmem_shared>>) dst(%dma_wait3A_43 : memref<632x128xf32, #tpu.memory_space<hbm>>)
      tpu.yield
    }) : () -> ()
    return
  }
}

module attributes {stable_mosaic.version = 14 : i64} {
  func.func @_tc_first_body(%arg0: i32, %arg1: memref<1000x128xf32, #tpu.memory_space<vmem>>, %arg2: memref<128x128xf32, #tpu.memory_space<vmem>>, %arg3: memref<1000x16xf32, #tpu.memory_space<vmem>>, %arg4: memref<1000x16xf32, #tpu.memory_space<vmem>>, %arg5: memref<1000x128xf32, #tpu.memory_space<vmem>>, %arg6: memref<1000x128xf32, #tpu.memory_space<vmem>>) attributes {dimension_semantics = [#tpu.dimension_semantics<arbitrary>], iteration_bounds = array<i64: 10>, scalar_prefetch = 0 : i64, scratch_operands = 0 : i64, tpu.core_type = #tpu.core_type<tc>, window_params = [{transform_indices = @transform_0, window_bounds = array<i64: 1000, 128>}, {pipeline_mode = #tpu.pipeline_mode<synchronous>, transform_indices = @transform_1, window_bounds = array<i64: 128, 128>}, {transform_indices = @transform_2, window_bounds = array<i64: 1000, 16>}, {transform_indices = @transform_3, window_bounds = array<i64: 1000, 16>}, {transform_indices = @transform_4, window_bounds = array<i64: 1000, 128>}, {transform_indices = @transform_5, window_bounds = array<i64: 1000, 128>}]} {
    %get3A = arith.constant 0 : index
    %get3A_0 = arith.constant 0 : index
    %get3A_1 = vector.load %arg3[%get3A, %get3A_0] : memref<1000x16xf32, #tpu.memory_space<vmem>>, vector<1000x1xf32>
    %get3A_2 = vector.shape_cast %get3A_1 : vector<1000x1xf32> to vector<1000xf32>
    %add3A = arith.constant 1.000000e+00 : f32
    %add3A_3 = vector.broadcast %add3A : f32 to vector<1000xf32>
    %add3A_4 = arith.addf %add3A_3, %get3A_2 : vector<1000xf32>
    %get3A_5 = arith.constant 0 : index
    %get3A_6 = arith.constant 0 : index
    %get3A_7 = vector.load %arg4[%get3A_5, %get3A_6] : memref<1000x16xf32, #tpu.memory_space<vmem>>, vector<1000x1xf32>
    %get3A_8 = vector.shape_cast %get3A_7 : vector<1000x1xf32> to vector<1000xf32>
    %add3A_9 = arith.addf %add3A_4, %get3A_8 : vector<1000xf32>
    %rsqrt3A = math.rsqrt %add3A_9 : vector<1000xf32>
    %broadcast_in_dim3A = vector.shape_cast %rsqrt3A : vector<1000xf32> to vector<1000x1xf32>
    %get3A_10 = arith.constant 0 : index
    %get3A_11 = arith.constant 0 : index
    %get3A_12 = vector.load %arg1[%get3A_10, %get3A_11] : memref<1000x128xf32, #tpu.memory_space<vmem>>, vector<1000x128xf32>
    %get3A_13 = arith.constant 0 : index
    %get3A_14 = arith.constant 0 : index
    %get3A_15 = vector.load %arg2[%get3A_13, %get3A_14] : memref<128x128xf32, #tpu.memory_space<vmem>>, vector<128x128xf32>
    %dot_general3A = arith.constant dense<0.000000e+00> : vector<1000x128xf32>
    %dot_general3A_16 = tpu.matmul %get3A_12, %get3A_15, %dot_general3A {dimension_numbers = #tpu.dot_dimension_numbers<[1], [0], [0], [1], [0, 0, 1, 1], [], []>, transpose_lhs_hint = false} : vector<1000x128xf32>, vector<128x128xf32>, vector<1000x128xf32> -> vector<1000x128xf32>
    %mul3A = vector.broadcast %broadcast_in_dim3A : vector<1000x1xf32> to vector<1000x128xf32>
    %mul3A_17 = arith.mulf %dot_general3A_16, %mul3A : vector<1000x128xf32>
    %swap3A = arith.constant 0 : index
    %swap3A_18 = arith.constant 0 : index
    %swap3A_19 = vector.load %arg5[%swap3A, %swap3A_18] : memref<1000x128xf32, #tpu.memory_space<vmem>>, vector<1000x128xf32>
    tpu.vector_store %arg5[%swap3A, %swap3A_18], %mul3A_17 {strides = array<i32>} : memref<1000x128xf32, #tpu.memory_space<vmem>>, vector<1000x128xf32>,
    %broadcast_in_dim3A_20 = vector.shape_cast %broadcast_in_dim3A : vector<1000x1xf32> to vector<1000x1xf32>
    %broadcast_in_dim3A_21 = vector.broadcast %broadcast_in_dim3A_20 : vector<1000x1xf32> to vector<1000x128xf32>
    %swap3A_22 = arith.constant 0 : index
    %swap3A_23 = arith.constant 0 : index
    %swap3A_24 = vector.load %arg6[%swap3A_22, %swap3A_23] : memref<1000x128xf32, #tpu.memory_space<vmem>>, vector<1000x128xf32>
    tpu.vector_store %arg6[%swap3A_22, %swap3A_23], %broadcast_in_dim3A_21 {strides = array<i32>} : memref<1000x128xf32, #tpu.memory_space<vmem>>, vector<1000x128xf32>,
    return
  }
  func.func @transform_0(%arg0: i32) -> (i32, i32) {
    %c0_i32 = arith.constant 0 : i32
    %c0_i32_0 = arith.constant 0 : i32
    return %arg0, %c0_i32 : i32, i32
  }
  func.func @transform_1(%arg0: i32) -> (i32, i32) {
    %c0_i32 = arith.constant 0 : i32
    %c0_i32_0 = arith.constant 0 : i32
    %c0_i32_1 = arith.constant 0 : i32
    return %c0_i32, %c0_i32_0 : i32, i32
  }
  func.func @transform_2(%arg0: i32) -> (i32, i32) {
    %c0_i32 = arith.constant 0 : i32
    %c0_i32_0 = arith.constant 0 : i32
    return %arg0, %c0_i32 : i32, i32
  }
  func.func @transform_3(%arg0: i32) -> (i32, i32) {
    %c0_i32 = arith.constant 0 : i32
    %c0_i32_0 = arith.constant 0 : i32
    return %arg0, %c0_i32 : i32, i32
  }
  func.func @transform_4(%arg0: i32) -> (i32, i32) {
    %c0_i32 = arith.constant 0 : i32
    %c0_i32_0 = arith.constant 0 : i32
    return %arg0, %c0_i32 : i32, i32
  }
  func.func @transform_5(%arg0: i32) -> (i32, i32) {
    %c0_i32 = arith.constant 0 : i32
    %c0_i32_0 = arith.constant 0 : i32
    return %arg0, %c0_i32 : i32, i32
  }
}

module attributes {stable_mosaic.version = 14 : i64} {
  func.func @_tc_mid_body(%arg0: i32, %arg1: memref<2x1000x128xf32, #tpu.memory_space<vmem>>, %arg2: memref<1000x128xf32, #tpu.memory_space<vmem>>, %arg3: memref<1000x128xf32, #tpu.memory_space<vmem>>, %arg4: memref<1x128xf32, #tpu.memory_space<vmem>>, %arg5: memref<128x128xf32, #tpu.memory_space<vmem>>, %arg6: memref<1000x128xf32, #tpu.memory_space<vmem>>) attributes {dimension_semantics = [#tpu.dimension_semantics<arbitrary>], iteration_bounds = array<i64: 10>, scalar_prefetch = 0 : i64, scratch_operands = 0 : i64, tpu.core_type = #tpu.core_type<tc>, window_params = [{transform_indices = @transform_0, window_bounds = array<i64: 2, 1000, 128>}, {transform_indices = @transform_1, window_bounds = array<i64: 1000, 128>}, {transform_indices = @transform_2, window_bounds = array<i64: 1000, 128>}, {pipeline_mode = #tpu.pipeline_mode<synchronous>, transform_indices = @transform_3, window_bounds = array<i64: 1, 128>}, {pipeline_mode = #tpu.pipeline_mode<synchronous>, transform_indices = @transform_4, window_bounds = array<i64: 128, 128>}, {transform_indices = @transform_5, window_bounds = array<i64: 1000, 128>}]} {
    %get3A = arith.constant 0 : index
    %get3A_0 = arith.constant 0 : index
    %get3A_1 = arith.constant 0 : index
    %get3A_2 = vector.load %arg1[%get3A, %get3A_0, %get3A_1] : memref<2x1000x128xf32, #tpu.memory_space<vmem>>, vector<1x1000x128xf32>
    %get3A_3 = vector.shape_cast %get3A_2 : vector<1x1000x128xf32> to vector<1000x128xf32>
    %get3A_4 = arith.constant 1 : index
    %get3A_5 = arith.constant 0 : index
    %get3A_6 = arith.constant 0 : index
    %get3A_7 = vector.load %arg1[%get3A_4, %get3A_5, %get3A_6] : memref<2x1000x128xf32, #tpu.memory_space<vmem>>, vector<1x1000x128xf32>
    %get3A_8 = vector.shape_cast %get3A_7 : vector<1x1000x128xf32> to vector<1000x128xf32>
    %add3A = arith.addf %get3A_3, %get3A_8 : vector<1000x128xf32>
    %get3A_9 = arith.constant 0 : index
    %get3A_10 = arith.constant 0 : index
    %get3A_11 = vector.load %arg2[%get3A_9, %get3A_10] : memref<1000x128xf32, #tpu.memory_space<vmem>>, vector<1000x128xf32>
    %add3A_12 = arith.addf %add3A, %get3A_11 : vector<1000x128xf32>
    %get3A_13 = arith.constant 0 : index
    %get3A_14 = arith.constant 0 : index
    %get3A_15 = vector.load %arg3[%get3A_13, %get3A_14] : memref<1000x128xf32, #tpu.memory_space<vmem>>, vector<1000x128xf32>
    %mul3A = arith.mulf %add3A_12, %get3A_15 : vector<1000x128xf32>
    %get3A_16 = arith.constant 0 : index
    %get3A_17 = arith.constant 0 : index
    %get3A_18 = vector.load %arg4[%get3A_16, %get3A_17] : memref<1x128xf32, #tpu.memory_space<vmem>>, vector<1x128xf32>
    %add3A_19 = vector.broadcast %get3A_18 : vector<1x128xf32> to vector<1000x128xf32>
    %add3A_20 = arith.addf %mul3A, %add3A_19 : vector<1000x128xf32>
    %max3A = arith.constant 0.000000e+00 : f32
    %max3A_21 = vector.broadcast %max3A : f32 to vector<1000x128xf32>
    %max3A_22 = arith.maximumf %add3A_20, %max3A_21 : vector<1000x128xf32>
    %get3A_23 = arith.constant 0 : index
    %get3A_24 = arith.constant 0 : index
    %get3A_25 = vector.load %arg5[%get3A_23, %get3A_24] : memref<128x128xf32, #tpu.memory_space<vmem>>, vector<128x128xf32>
    %dot_general3A = arith.constant dense<0.000000e+00> : vector<1000x128xf32>
    %dot_general3A_26 = tpu.matmul %max3A_22, %get3A_25, %dot_general3A {dimension_numbers = #tpu.dot_dimension_numbers<[1], [0], [0], [1], [0, 0, 1, 1], [], []>, transpose_lhs_hint = false} : vector<1000x128xf32>, vector<128x128xf32>, vector<1000x128xf32> -> vector<1000x128xf32>
    %get3A_27 = arith.constant 0 : index
    %get3A_28 = arith.constant 0 : index
    %get3A_29 = vector.load %arg3[%get3A_27, %get3A_28] : memref<1000x128xf32, #tpu.memory_space<vmem>>, vector<1000x128xf32>
    %mul3A_30 = arith.mulf %dot_general3A_26, %get3A_29 : vector<1000x128xf32>
    %swap3A = arith.constant 0 : index
    %swap3A_31 = arith.constant 0 : index
    %swap3A_32 = vector.load %arg6[%swap3A, %swap3A_31] : memref<1000x128xf32, #tpu.memory_space<vmem>>, vector<1000x128xf32>
    tpu.vector_store %arg6[%swap3A, %swap3A_31], %mul3A_30 {strides = array<i32>} : memref<1000x128xf32, #tpu.memory_space<vmem>>, vector<1000x128xf32>,
    return
  }
  func.func @transform_0(%arg0: i32) -> (i32, i32, i32) {
    %c0_i32 = arith.constant 0 : i32
    %c0_i32_0 = arith.constant 0 : i32
    %c0_i32_1 = arith.constant 0 : i32
    return %c0_i32, %arg0, %c0_i32_0 : i32, i32, i32
  }
  func.func @transform_1(%arg0: i32) -> (i32, i32) {
    %c0_i32 = arith.constant 0 : i32
    %c0_i32_0 = arith.constant 0 : i32
    return %arg0, %c0_i32 : i32, i32
  }
  func.func @transform_2(%arg0: i32) -> (i32, i32) {
    %c0_i32 = arith.constant 0 : i32
    %c0_i32_0 = arith.constant 0 : i32
    return %arg0, %c0_i32 : i32, i32
  }
  func.func @transform_3(%arg0: i32) -> (i32, i32) {
    %c0_i32 = arith.constant 0 : i32
    %c0_i32_0 = arith.constant 0 : i32
    %c0_i32_1 = arith.constant 0 : i32
    return %c0_i32, %c0_i32_0 : i32, i32
  }
  func.func @transform_4(%arg0: i32) -> (i32, i32) {
    %c0_i32 = arith.constant 0 : i32
    %c0_i32_0 = arith.constant 0 : i32
    %c0_i32_1 = arith.constant 0 : i32
    return %c0_i32, %c0_i32_0 : i32, i32
  }
  func.func @transform_5(%arg0: i32) -> (i32, i32) {
    %c0_i32 = arith.constant 0 : i32
    %c0_i32_0 = arith.constant 0 : i32
    return %arg0, %c0_i32 : i32, i32
  }
}

module attributes {stable_mosaic.version = 14 : i64} {
  func.func @_tc_final_body(%arg0: i32, %arg1: memref<2x1000x128xf32, #tpu.memory_space<vmem>>, %arg2: memref<1000x128xf32, #tpu.memory_space<vmem>>, %arg3: memref<1000x128xf32, #tpu.memory_space<vmem>>, %arg4: memref<1x128xf32, #tpu.memory_space<vmem>>, %arg5: memref<128x256xf32, #tpu.memory_space<vmem>>, %arg6: memref<1x256xf32, #tpu.memory_space<vmem>>, %arg7: memref<1000x256xf32, #tpu.memory_space<vmem>>) attributes {dimension_semantics = [#tpu.dimension_semantics<arbitrary>], iteration_bounds = array<i64: 10>, scalar_prefetch = 0 : i64, scratch_operands = 0 : i64, tpu.core_type = #tpu.core_type<tc>, window_params = [{transform_indices = @transform_0, window_bounds = array<i64: 2, 1000, 128>}, {transform_indices = @transform_1, window_bounds = array<i64: 1000, 128>}, {transform_indices = @transform_2, window_bounds = array<i64: 1000, 128>}, {pipeline_mode = #tpu.pipeline_mode<synchronous>, transform_indices = @transform_3, window_bounds = array<i64: 1, 128>}, {pipeline_mode = #tpu.pipeline_mode<synchronous>, transform_indices = @transform_4, window_bounds = array<i64: 128, 256>}, {pipeline_mode = #tpu.pipeline_mode<synchronous>, transform_indices = @transform_5, window_bounds = array<i64: 1, 256>}, {transform_indices = @transform_6, window_bounds = array<i64: 1000, 256>}]} {
    %get3A = arith.constant 0 : index
    %get3A_0 = arith.constant 0 : index
    %get3A_1 = arith.constant 0 : index
    %get3A_2 = vector.load %arg1[%get3A, %get3A_0, %get3A_1] : memref<2x1000x128xf32, #tpu.memory_space<vmem>>, vector<1x1000x128xf32>
    %get3A_3 = vector.shape_cast %get3A_2 : vector<1x1000x128xf32> to vector<1000x128xf32>
    %get3A_4 = arith.constant 1 : index
    %get3A_5 = arith.constant 0 : index
    %get3A_6 = arith.constant 0 : index
    %get3A_7 = vector.load %arg1[%get3A_4, %get3A_5, %get3A_6] : memref<2x1000x128xf32, #tpu.memory_space<vmem>>, vector<1x1000x128xf32>
    %get3A_8 = vector.shape_cast %get3A_7 : vector<1x1000x128xf32> to vector<1000x128xf32>
    %add3A = arith.addf %get3A_3, %get3A_8 : vector<1000x128xf32>
    %get3A_9 = arith.constant 0 : index
    %get3A_10 = arith.constant 0 : index
    %get3A_11 = vector.load %arg2[%get3A_9, %get3A_10] : memref<1000x128xf32, #tpu.memory_space<vmem>>, vector<1000x128xf32>
    %add3A_12 = arith.addf %add3A, %get3A_11 : vector<1000x128xf32>
    %get3A_13 = arith.constant 0 : index
    %get3A_14 = arith.constant 0 : index
    %get3A_15 = vector.load %arg3[%get3A_13, %get3A_14] : memref<1000x128xf32, #tpu.memory_space<vmem>>, vector<1000x128xf32>
    %mul3A = arith.mulf %add3A_12, %get3A_15 : vector<1000x128xf32>
    %get3A_16 = arith.constant 0 : index
    %get3A_17 = arith.constant 0 : index
    %get3A_18 = vector.load %arg4[%get3A_16, %get3A_17] : memref<1x128xf32, #tpu.memory_space<vmem>>, vector<1x128xf32>
    %add3A_19 = vector.broadcast %get3A_18 : vector<1x128xf32> to vector<1000x128xf32>
    %add3A_20 = arith.addf %mul3A, %add3A_19 : vector<1000x128xf32>
    %max3A = arith.constant 0.000000e+00 : f32
    %max3A_21 = vector.broadcast %max3A : f32 to vector<1000x128xf32>
    %max3A_22 = arith.maximumf %add3A_20, %max3A_21 : vector<1000x128xf32>
    %get3A_23 = arith.constant 0 : index
    %get3A_24 = arith.constant 0 : index
    %get3A_25 = vector.load %arg5[%get3A_23, %get3A_24] : memref<128x256xf32, #tpu.memory_space<vmem>>, vector<128x256xf32>
    %dot_general3A = arith.constant dense<0.000000e+00> : vector<1000x256xf32>
    %dot_general3A_26 = tpu.matmul %max3A_22, %get3A_25, %dot_general3A {dimension_numbers = #tpu.dot_dimension_numbers<[1], [0], [0], [1], [0, 0, 1, 1], [], []>, transpose_lhs_hint = false} : vector<1000x128xf32>, vector<128x256xf32>, vector<1000x256xf32> -> vector<1000x256xf32>
    %get3A_27 = arith.constant 0 : index
    %get3A_28 = arith.constant 0 : index
    %get3A_29 = vector.load %arg6[%get3A_27, %get3A_28] : memref<1x256xf32, #tpu.memory_space<vmem>>, vector<1x256xf32>
    %add3A_30 = vector.broadcast %get3A_29 : vector<1x256xf32> to vector<1000x256xf32>
    %add3A_31 = arith.addf %dot_general3A_26, %add3A_30 : vector<1000x256xf32>
    %swap3A = arith.constant 0 : index
    %swap3A_32 = arith.constant 0 : index
    %swap3A_33 = vector.load %arg7[%swap3A, %swap3A_32] : memref<1000x256xf32, #tpu.memory_space<vmem>>, vector<1000x256xf32>
    tpu.vector_store %arg7[%swap3A, %swap3A_32], %add3A_31 {strides = array<i32>} : memref<1000x256xf32, #tpu.memory_space<vmem>>, vector<1000x256xf32>,
    return
  }
  func.func @transform_0(%arg0: i32) -> (i32, i32, i32) {
    %c0_i32 = arith.constant 0 : i32
    %c0_i32_0 = arith.constant 0 : i32
    %c0_i32_1 = arith.constant 0 : i32
    return %c0_i32, %arg0, %c0_i32_0 : i32, i32, i32
  }
  func.func @transform_1(%arg0: i32) -> (i32, i32) {
    %c0_i32 = arith.constant 0 : i32
    %c0_i32_0 = arith.constant 0 : i32
    return %arg0, %c0_i32 : i32, i32
  }
  func.func @transform_2(%arg0: i32) -> (i32, i32) {
    %c0_i32 = arith.constant 0 : i32
    %c0_i32_0 = arith.constant 0 : i32
    return %arg0, %c0_i32 : i32, i32
  }
  func.func @transform_3(%arg0: i32) -> (i32, i32) {
    %c0_i32 = arith.constant 0 : i32
    %c0_i32_0 = arith.constant 0 : i32
    %c0_i32_1 = arith.constant 0 : i32
    return %c0_i32, %c0_i32_0 : i32, i32
  }
  func.func @transform_4(%arg0: i32) -> (i32, i32) {
    %c0_i32 = arith.constant 0 : i32
    %c0_i32_0 = arith.constant 0 : i32
    %c0_i32_1 = arith.constant 0 : i32
    return %c0_i32, %c0_i32_0 : i32, i32
  }
  func.func @transform_5(%arg0: i32) -> (i32, i32) {
    %c0_i32 = arith.constant 0 : i32
    %c0_i32_0 = arith.constant 0 : i32
    %c0_i32_1 = arith.constant 0 : i32
    return %c0_i32, %c0_i32_0 : i32, i32
  }
  func.func @transform_6(%arg0: i32) -> (i32, i32) {
    %c0_i32 = arith.constant 0 : i32
    %c0_i32_0 = arith.constant 0 : i32
    return %arg0, %c0_i32 : i32, i32
  }
}

</mosaic_0001>

<sc_bundles>
// kernel: kernel.10.cloned.1.call-start
scs
__scs_entry_jumppad:
0x0: {  	(pc) =	sbr.rel $0x88, $3  }
0x1: {  	(tag) =	ssettag $0x0;
	lr =	simm.s32 $0x1  }
0x2: {  	[smem:$0x3F97] =	sst lr;
	_ =	strace $0xD0000000  }
0x3: {  	_ = 	snop  }
0x4: {  	_ = 	snop  }
0x5: {  	_ = 	snop  }
0x6: {  	_ = 	snop  }
0x7: {  	_ = 	snop  }
__scs_overlays_trampoline_lowered:
0x8: {  	[smem:$0x3FA6] =	sst s0  }
0x9: {  	[smem:$0x3FA7] =	sst s1  }
0xa: {  	[smem:$0x3FA8] =	sst s2  }
0xb: {  	[smem:$0x3FA9] =	sst s3  }
0xc: {  	[smem:$0x3FAA] =	sst s4  }
0xd: {  	[smem:$0x3FAB] =	sst s5  }
0xe: {  	[smem:$0x3FAC] =	sst s6  }
0xf: {  	[smem:$0x3FAD] =	sst s7  }
0x10: {  	[smem:$0x3FAE] =	sst s8  }
0x11: {  	[smem:$0x3FAF] =	sst s9;
	s0 =	simm.s32 @!p0 $0x0  }
0x12: {  	s1 =	sld [smem:$0x3F95];
	s0 =	simm.s32 @p0 $0x1  }
0x13: {  	[smem:$0x3FB0] =	sst s0;
	s0 =	simm.s32 @!p1 $0x0  }
0x14: {  	s2 =	sld [smem:$0x3F94];
	s0 =	simm.s32 @p1 $0x1  }
0x15: {  	[smem:$0x3FB1] =	sst s0;
	s0 =	simm.s32 @!p2 $0x0  }
0x16: {  	s3 =	sld [smem:$0x3FDB];
	s0 =	simm.s32 @p2 $0x1  }
0x17: {  	s4 =	simm.s32 $0x1BF5;
	[smem:$0x3FB3] =	sst s0  }
0x18: {  	s0 =	sld [smem:$0x3F96];
	_ =	swait.ge [sflag:s4], $0x0  }
0x19: {  	s7 =	sld [smem:$0x3F97]  }
0x1a: {  	s8 =	sadd.s32 $0xFFFFE003, lr  }
0x1b: {  	s9 =	sadd.s32 $0xFFFFFEF7, lr;
	s5 =	simm.s32 $0xFFFFFFFF;
	p2 =	slt.u32 s8, $0xFFFFF086  }
0x1c: {  	p1 =	slt.u32 s9, $0xF7A;
	s5 =	simm.s32 @!p2 $0x0  }
0x1d: {  	s5 =	simm.s32 @p1 $0x1;
	p0 =	seq.s32 s7, s2  }
0x1e: {  	s7 =	smul.u32 @!p0 $0xF7A, s2;
	p2 =	seq.s32 @!p0 s5, $0x0  }
0x1f: {  	s9 =	smul.u32 $0xF7A, s1;
	s8 =	simm.s32 @!p0 $0x1BF5;
	p2 =	por !p2, p0  }
0x20: {  	[sflag:s8] =	ssyncset.s32 @!p0 $0xFFFFF086;
	s6 =	sadd.s32 @!p0 s3, s7;
	s7 =	simm.s32 @!p0 $0x108  }
0x21: {  	s3 =	sadd.s32 s3, s9;
	s6 =	sadd.s32 @!p0 $0x88, s6;
	s7 =	simm.s32 @p2 $0x1082  }
0x22: {  	[simem:s7], [sflag:s8] =	dma.local @!p0 [hbm:s6], $0xF7A  }
0x23: {  	s9 =	sor.u32 $0xD0000000, s2;
	s6 =	simm.s32 $0x108;
	_ =	swait.ge @!p0 [sflag:s8], $0x0  }
0x24: {  	s3 =	sadd.s32 $0x88, s3;
	s6 =	simm.s32 @!p1 $0x1082;
	[sflag:s4] =	ssyncset.s32 $0xFFFFF086  }
0x25: {  	[simem:s6], [sflag:s4] =	dma.local [hbm:s3], $0xF7A  }
0x26: {  	[smem:$0x3F97] =	sst s1;
	(tag) =	ssettag s2;
	_ =	strace s9  }
0x27: {  	s1 =	sld [smem:$0x3FA7]  }
0x28: {  	s2 =	sld [smem:$0x3FA8]  }
0x29: {  	s4 =	sld [smem:$0x3FAA]  }
0x2a: {  	p0 =	seq.s32 s5, $0x0;
	s5 =	sld [smem:$0x3FAB]  }
0x2b: {  	s6 =	sld [smem:$0x3FAC]  }
0x2c: {  	s7 =	sld [smem:$0x3FAD]  }
0x2d: {  	s3 =	simm.s32 $0x108;
	s8 =	sld [smem:$0x3FAE]  }
0x2e: {  	s3 =	simm.s32 @!p0 $0x1082;
	s9 =	sld [smem:$0x3FAF]  }
0x2f: {  	lr =	sadd.s32 s0, s3;
	s0 =	sld [smem:$0x3FA6]  }
0x30: {  	s3 =	sld [smem:$0x3FA9]  }
0x31: {  	[smem:$0x3FB2] =	sst s10  }
0x32: {  	s10 =	sld [smem:$0x3FB0];
	_ =	sdelay $0x3  }
0x33: {  	p0 =	seq.s32 s10, $0x1;
	s10 =	sld [smem:$0x3FB2];
	_ =	sdelay $0x3  }
0x34: {  	[smem:$0x3FB2] =	sst s10  }
0x35: {  	s10 =	sld [smem:$0x3FB1];
	_ =	sdelay $0x3  }
0x36: {  	p1 =	seq.s32 s10, $0x1;
	s10 =	sld [smem:$0x3FB2];
	_ =	sdelay $0x3  }
0x37: {  	[smem:$0x3FB2] =	sst s10  }
0x38: {  	s10 =	sld [smem:$0x3FB3]  }
0x39: {  	_ = 	snop;
	(pc) =	sbr.ind lr, $3  }
0x3a: {  	_ = 	snop  }
0x3b: {  	_ = 	snop  }
0x3c: {  	p2 =	seq.s32 s10, $0x1;
	s10 =	sld [smem:$0x3FB2]  }
0x3d: {  	_ =	shalt  }
0x3e: {  	_ =	shalt  }
0x3f: {  	_ =	shalt  }
0x40: {  	_ =	shalt  }
0x41: {  	_ =	shalt  }
0x42: {  	_ =	shalt  }
0x43: {  	_ =	shalt  }
0x44: {  	_ =	shalt  }
0x45: {  	_ =	shalt  }
0x46: {  	_ =	shalt  }
0x47: {  	_ =	shalt  }
0x48: {  	_ =	shalt  }
0x49: {  	_ =	shalt  }
0x4a: {  	_ =	shalt  }
0x4b: {  	_ =	shalt  }
0x4c: {  	_ =	shalt  }
0x4d: {  	_ =	shalt  }
0x4e: {  	_ =	shalt  }
0x4f: {  	_ =	shalt  }
0x50: {  	_ =	shalt  }
0x51: {  	_ =	shalt  }
0x52: {  	_ =	shalt  }
0x53: {  	_ =	shalt  }
0x54: {  	_ =	shalt  }
0x55: {  	_ =	shalt  }
0x56: {  	_ =	shalt  }
0x57: {  	_ =	shalt  }
0x58: {  	_ =	shalt  }
0x59: {  	_ =	shalt  }
0x5a: {  	_ =	shalt  }
0x5b: {  	_ =	shalt  }
0x5c: {  	_ =	shalt  }
0x5d: {  	_ =	shalt  }
0x5e: {  	_ =	shalt  }
0x5f: {  	_ =	shalt  }
0x60: {  	_ =	shalt  }
0x61: {  	_ =	shalt  }
0x62: {  	_ =	shalt  }
0x63: {  	_ =	shalt  }
0x64: {  	_ =	shalt  }
0x65: {  	_ =	shalt  }
0x66: {  	_ =	shalt  }
0x67: {  	_ =	shalt  }
0x68: {  	_ =	shalt  }
0x69: {  	_ =	shalt  }
0x6a: {  	_ =	shalt  }
0x6b: {  	_ =	shalt  }
0x6c: {  	_ =	shalt  }
0x6d: {  	_ =	shalt  }
0x6e: {  	_ =	shalt  }
0x6f: {  	_ =	shalt  }
0x70: {  	_ =	shalt  }
0x71: {  	_ =	shalt  }
0x72: {  	_ =	shalt  }
0x73: {  	_ =	shalt  }
0x74: {  	_ =	shalt  }
0x75: {  	_ =	shalt  }
0x76: {  	_ =	shalt  }
0x77: {  	_ =	shalt  }
0x78: {  	_ =	shalt  }
0x79: {  	_ =	shalt  }
0x7a: {  	_ =	shalt  }
0x7b: {  	_ =	shalt  }
0x7c: {  	_ =	shalt  }
0x7d: {  	_ =	shalt  }
0x7e: {  	_ =	shalt  }
0x7f: {  	_ =	shalt  }
0x80: {  	_ =	shalt  }
0x81: {  	_ =	shalt  }
0x82: {  	_ =	shalt  }
0x83: {  	_ =	shalt  }
0x84: {  	_ =	shalt  }
0x85: {  	_ =	shalt  }
0x86: {  	_ =	shalt  }
0x87: {  	_ =	shalt  }
.Lfunc_end0:
.L_simem_size_0:
called_computation_lowered:
.L_overlay_start_0:
0x88: {  	s2 =	sld [smem:$0x3FD9]  }
0x89: {  	s3 =	sld [smem:$0x3FFE];
	_ =	sdelay $0x1  }
0x8a: {  	s1 =	srdreg.scid  }
0x8b: {  	s0 =	sand.u32 $0x1, s1  }
0x8c: {  	s16 =	sshll.u32 s0, $0xA;
	s2 =	sadd.s32 s3, s2  }
0x8d: {  	s2 =	sadd.s32 s2, s16  }
0x8e: {  	[smem:$0x3FBE] =	sst s2  }
0x8f: {  	_ = 	snop  }
0x90: {  	(tm) =	ssettm $0x1  }
0x91: {  	s17 =	sld [smem:$0x3FFB];
	_ =	sdelay $0x3  }
0x92: {  	_ =	strace s17  }
0x93: {  	s2 =	sld [smem:$0x3FFC];
	_ =	sdelay $0x3  }
0x94: {  	_ =	strace s2  }
0x95: {  	s2 =	sld [smem:$0x3FFD];
	_ =	sdelay $0x3  }
0x96: {  	_ =	strace s2  }
0x97: {  	_ =	strace $0x8FFFFFFF  }
0x98: {  	s18 =	sld [smem:$0x3FDB];
	_ =	sdelay $0x1  }
0x99: {  	s19 =	simm.s32 $_scs_section_size  }
0x9a: {  	s4 =	simm.s32 $_size__tile_overlayer_lowered;
	s5 =	simm.s32 $_tile_overlayer_lowered  }
0x9b: {  	s22 =	simm.s32 $0x1BFF;
	s21 =	sshll.u32 s5, $0x1;
	s2 =	sadd.s32 s19, s18  }
0x9c: {  	s6 =	simm.s32 $0x0;
	s20 =	sshll.u32 s4, $0x1;
	s4 =	sadd.s32 s21, s2  }
0x9d: {  	[timem:s6], [sflag:s22] =	dma.local [hbm:s4], s20  }
0x9e: {  	_ =	swait.ge [sflag:s22], s20  }
0x9f: {  	s3 =	ssub.s32 $0x0, s20;
	[sflag:s22] =	ssyncset.done $0x0  }
0xa0: {  	[sflag:s22] =	ssyncadd.s32 s3;
	_ =	sdelay $0x1  }
0xa1: {  	s23 =	simm.s32 $0x1B8B  }
0xa2: {  	_ =	swait.ge [sflag:s23], $0x1  }
0xa3: {  	[sflag:s23] =	ssyncset.done $0x0  }
0xa4: {  	s25 =	simm.s32 $0x1B8E;
	s24 =	sld [smem:$0x3FFE];
	[sflag:s23] =	ssyncadd.s32 $0xFFFFFFFF  }
0xa5: {  	s26 =	simm.s32 $execute0_lowered;
	[smem:$0x3FD2] =	sst s25  }
0xa6: {  	s4 =	sshll.u32 s26, $0x1;
	_ =	strace $0x80000046;
	[dreg:$0x1] =	wrdreg $0xFFFFFFFF  }
0xa7: {  	s28 =	simm.s32 $_size_execute0_lowered;
	s2 =	sadd.s32 s2, s4;
	[dreg:$0x0] =	wrdreg $0x0  }
0xa8: {  	s4 =	sshll.u32 s28, $0x1;
	[dreg:$0x2] =	wrdreg s2  }
0xa9: {  	[dreg:$0x3] =	wrdreg s4  }
0xaa: {  	[dreg:$0x4] =	wrdreg $0xC0  }
0xab: {  	_ =	task [dreg:s6], $0x5FFFF  }
0xac: {  	[dreg:$0x1] =	wrdreg $0xFFFFFFFF  }
0xad: {  	[dreg:$0x0] =	wrdreg $0x60  }
0xae: {  	[dreg:$0x2] =	wrdreg s24  }
0xaf: {  	[dreg:$0x3] =	wrdreg $0x40800  }
0xb0: {  	[dreg:$0x4] =	wrdreg $0x9  }
0xb1: {  	_ =	task.clear_ibuf [dreg:s6], $0x5FFFF;
	_ =	strace $0x90000046  }
0xb2: {  	s29 =	simm.s32 $0x9;
	_ =	strace $0x80000048  }
0xb3: {  	_ =	swait.ge [sflag:s29], $0x1  }
0xb4: {  	[sflag:s29] =	ssyncadd.s32 $0xFFFFFFFF  }
0xb5: {  	_ =	strace $0x90000048  }
0xb6: {  	_ =	sfence  }
0xb7: {  	s30 =	sld [smem:$0x0];
	_ =	sdelay $0x2  }
0xb8: {  	s31 =	sshll.u32 s1, $0xD;
	s1 =	sshrl.u32 s1, $0x2  }
0xb9: {  	s3 =	sand.u32 $0x4000, s31;
	s1 =	sadd.s32 s1, s30  }
0xba: {  	s0 =	sor.u32 s3, s0;
	s1 =	sshll.u32 s1, $0x11  }
0xbb: {  	s0 =	sor.u32 s1, s0  }
0xbc: {  	s0 =	sadd.s32 $0x8F2B, s0  }
0xbd: {  	[sflag:s0] =	ssyncadd.remote.s32 $0x1  }
0xbe: {  	_ =	sfence.sel $0xFFFF  }
0xbf: {  	[dreg:$0x0] =	wrdreg $0xFFFFFFFF;
	(pc) =	sbr.abs _section_cstart, $3  }
0xc0: {  	[dreg:$0x1] =	wrdreg $0xFFFFFFFF  }
0xc1: {  	_ =	task.clear_ibuf [dreg:s6], $0x2FFFF;
	_ =	strace $0x9FFFFFFF  }
0xc2: {  	(tm) =	ssettm $0x7FFFFFFF  }
0xc3: {  	_ =	shalt  }
tec
execute0_lowered:
.L_overlay_start_1:
0x0: {  	(tag) =	ssettag $0x1  }
0x1: {  	s4 =	rddreg [dreg:$0x0]  }
0x2: {  	s0 =	srdreg.scid;
	s2 =	rddreg [dreg:$0x1]  }
0x3: {  	s1 =	rddreg [dreg:$0x2];
	s5 =	sand.u32 $0x1, s0  }
0x4: {  	s0 =	stileid.u32;
	s6 =	smul.u32 $0x13C000, s5  }
0x5: {  	s3 =	simm.s32 $0x0;
	s13 =	simm.s32 $0x1;
	s7 =	smul.u32 $0x13C00, s0  }
0x6: {  	s16 =	simm.s32 $0x0;
	[smem:$0x7FF] =	sst s3;
	s8 =	smul.u32 $0xA00, s0  }
0x7: {  	s28 =	smul.u32 $0x4F000, s0;
	_ =	strace $0x80000047;
	s29 =	ssub.s32 $0x2, s5  }
0x8: {  	s11 =	smul.u32 $0x500, s5;
	s14 =	sshll.u32 s0, $0x6;
	s31 =	sshrl.u32 s29, $0x1  }
0x9: {  	s14 =	sor.u32 $0x1C01, s14;
	s6 =	sadd.s32 s7, s6;
	s9 =	sadd.s32 s8, s4  }
0xa: {  	s30 =	sshrl.u32 s28, $0x2;
	s12 =	ssub.s32 s29, s31;
	s6 =	sshrl.u32 s6, $0x3  }
0xb: {  	s11 =	sadd.s32 s11, s9;
	s10 =	sadd.s32 s6, s4;
	s4 =	sadd.s32 s30, s2  }
0xc: {  	s11 =	sadd.s32 $0x3C00, s11;
	s5 =	sadd.s32 $0x4000, s4;
	s6 =	sadd.s32 $0x8000, s4  }
0xd: {  	s7 =	sadd.s32 $0xC000, s4;
	s8 =	sadd.s32 $0x10000, s4;
	s9 =	sadd.s32 $0xDC00, s10  }
0xe: {  	v0 =	vimm.f32 $0.0e+00;
	v1 =	vimm.f32 $1.000000000e+00;
	s10 =	smax.u32 s12, $0x1;
	s12 =	simm.s32 $0x80;
	s15 =	sshrl.u32 s4, $0x3  }
.LBB2_1:
0xf: {  	s17 =	simm.s32 $0x200;
	s18 =	simm.s32 $0x0  }
.LBB2_2:
0x10: {  	p0 =	sne.s32 s17, $0xFE00;
	[tilespmem:s18+$0x80] =	vst v0;
	s18 =	smov.u32 s17;
	s17 =	sadd.s32 $0x200, s17  }
.Ltmp0:
0x11: {  	(pc) =	sbr.rel @p0 .LBB2_2-.Ltmp0, $2  }
0x12: {  	_ =	sdelay $0x2  }
0x13: {  	s18 =	sshra.s32 s18, $0x2  }
0x14: {  	[tilespmem:s18+$0x80] =	vst v0  }
0x15: {  	[spmem:s4] =	stream.linear.scatter [tilespmem:s12], [sflag:$0x1], $0x4000, $0x38;
	[tilespmem:$0x6800] =	vst v63  }
0x16: {  	_ =	swait.ge [sflag:s13], $0x4000  }
0x17: {  	[sflag:s13] =	ssyncset.done $0x0  }
0x18: {  	[sflag:s13] =	ssyncadd.s32 $0xFFFFC000  }
0x19: {  	[spmem:s5] =	stream.linear.scatter [tilespmem:s12], [sflag:$0x1], $0x4000, $0x38;
	[tilespmem:$0x6800] =	vst v63  }
0x1a: {  	_ =	swait.ge [sflag:s13], $0x4000  }
0x1b: {  	[sflag:s13] =	ssyncset.done $0x0  }
0x1c: {  	[sflag:s13] =	ssyncadd.s32 $0xFFFFC000  }
0x1d: {  	[spmem:s6] =	stream.linear.scatter [tilespmem:s12], [sflag:$0x1], $0x4000, $0x38;
	[tilespmem:$0x6800] =	vst v63  }
0x1e: {  	_ =	swait.ge [sflag:s13], $0x4000  }
0x1f: {  	[sflag:s13] =	ssyncset.done $0x0  }
0x20: {  	[sflag:s13] =	ssyncadd.s32 $0xFFFFC000  }
0x21: {  	[spmem:s7] =	stream.linear.scatter [tilespmem:s12], [sflag:$0x1], $0x4000, $0x38;
	[tilespmem:$0x6800] =	vst v63  }
0x22: {  	_ =	swait.ge [sflag:s13], $0x4000  }
0x23: {  	[sflag:s13] =	ssyncset.done $0x0  }
0x24: {  	[sflag:s13] =	ssyncadd.s32 $0xFFFFC000  }
0x25: {  	[spmem:s8] =	stream.linear.scatter [tilespmem:s12], [sflag:$0x1], $0x3C00, $0x38;
	[tilespmem:$0x6800] =	vst v63  }
0x26: {  	_ =	swait.ge [sflag:s13], $0x3C00  }
0x27: {  	[sflag:s13] =	ssyncset.done $0x0  }
0x28: {  	s17 =	simm.s32 $0x200;
	s18 =	simm.s32 $0x0;
	[sflag:s13] =	ssyncadd.s32 $0xFFFFC400  }
.LBB2_4:
0x29: {  	p0 =	sne.s32 s17, $0xFE00;
	[tilespmem:s18+$0x80] =	vst v1;
	s18 =	smov.u32 s17;
	s17 =	sadd.s32 $0x200, s17  }
.Ltmp1:
0x2a: {  	(pc) =	sbr.rel @p0 .LBB2_4-.Ltmp1, $2  }
0x2b: {  	_ =	sdelay $0x2  }
0x2c: {  	s18 =	sshra.s32 s18, $0x2  }
0x2d: {  	[tilespmem:s18+$0x80] =	vst v1  }
0x2e: {  	s17 =	sadd.s32 $0x0, s11;
	[bflag:$0x0] =	sbarrier.arrive $0xFFFF  }
0x2f: {  	[tilespmem:s3], [sflag:$0x1] =	stream.linear.gather [hbm4b:s17+s3], $0x80, $0x38;
	[tilespmem:$0x6800] =	vst v63  }
0x30: {  	_ =	swait.ge [sflag:s13], $0x80  }
0x31: {  	[sflag:s13] =	ssyncset.done $0x0  }
0x32: {  	[sflag:s13] =	ssyncadd.s32 $0xFFFFFF80  }
0x33: {  	[spmem:s2] =	stream.indirect.scatter.add.f32 [tilespmem:s12], [sflag:$0x1], $0x10, s3, s12, $0xb8;
	[tilespmem:$0x6800] =	vst v63  }
0x34: {  	_ =	swait.ge [sflag:s13], $0x800  }
0x35: {  	s18 =	simm.s32 $0x20;
	s17 =	simm.s32 $0x10;
	[sflag:s13] =	ssyncset.done $0x0  }
.LBB2_6:
0x36: {  	s19 =	sadd.s32 s17, s11  }
0x37: {  	[sflag:s13] =	ssyncadd.s32 $0xFFFFF800;
	s17 =	smov.u32 s18;
	s20 =	sadd.s32 $0x10, s18  }
0x38: {  	[tilespmem:s3], [sflag:$0x1] =	stream.linear.gather [hbm4b:s19+s3], $0x80, $0x38;
	[tilespmem:$0x6800] =	vst v63  }
0x39: {  	p0 =	sne.s32 s18, $0x4F0;
	_ =	swait.ge [sflag:s13], $0x80  }
.Ltmp2:
0x3a: {  	[sflag:s13] =	ssyncset.done $0x0;
	(pc) =	sbr.rel @p0 .LBB2_6-.Ltmp2, $4  }
0x3b: {  	[sflag:s13] =	ssyncadd.s32 $0xFFFFFF80  }
0x3c: {  	[spmem:s2] =	stream.indirect.scatter.add.f32 [tilespmem:s12], [sflag:$0x1], $0x10, s3, s12, $0xb8;
	[tilespmem:$0x6800] =	vst v63  }
0x3d: {  	_ =	swait.ge [sflag:s13], $0x800  }
0x3e: {  	s18 =	smov.u32 s20;
	[sflag:s13] =	ssyncset.done $0x0  }
0x3f: {  	s17 =	sadd.s32 s17, s11;
	[sflag:s13] =	ssyncadd.s32 $0xFFFFF800  }
0x40: {  	[tilespmem:s3], [sflag:$0x1] =	stream.linear.gather [hbm4b:s17+s3], $0x80, $0x38;
	[tilespmem:$0x6800] =	vst v63  }
0x41: {  	_ =	swait.ge [sflag:s13], $0x80  }
0x42: {  	[sflag:s13] =	ssyncset.done $0x0  }
0x43: {  	[sflag:s13] =	ssyncadd.s32 $0xFFFFFF80  }
0x44: {  	[spmem:s2] =	stream.indirect.scatter.add.f32 [tilespmem:s12], [sflag:$0x1], $0x10, s3, s12, $0xb8;
	[tilespmem:$0x6800] =	vst v63  }
0x45: {  	_ =	swait.ge [sflag:s13], $0x800  }
0x46: {  	s16 =	sadd.s32 $0x1, s16;
	[sflag:s13] =	ssyncset.done $0x0  }
0x47: {  	p0 =	sne.s32 s16, s10;
	[sflag:s13] =	ssyncadd.s32 $0xFFFFF800  }
.Ltmp3:
0x48: {  	[bflag:$0x0] =	sbarrier.arrive $0xFFFF;
	(pc) =	sbr.rel @p0 .LBB2_1-.Ltmp3, $4  }
0x49: {  	[hbm:s9], [sflag:s14] =	dma.local [spmem:s15], $0x2780  }
0x4a: {  	_ =	swait.ge [sflag:s13], $0x2780  }
0x4b: {  	[sflag:s13] =	ssyncset.done $0x0  }
0x4c: {  	[sflag:s13] =	ssyncadd.s32 $0xFFFFD880  }
0x4d: {  	_ =	sfence.sel $0x180000  }
0x4e: {  	[bflag:$0x0] =	sbarrier.arrive $0xFFFF  }
0x4f: {  	p0 =	sne.s32 s0, $0x0;
	_ =	strace $0x90000047  }
0x50: {  	s0 =	sadd.s32 @!p0 $0x100000, s1;
	[bflag:$0x2] =	sbarrier.arrive $0xFFFF  }
0x51: {  	[sflag:s0] =	ssyncadd.tile.s32 @!p0 $0x1;
	_ =	shalt  }
.Lfunc_end2:
_tile_overlayer_lowered:
.L_overlay_start_2:
0x52: {  	(tag) =	ssettag $0x2  }
0x53: {  	s0 =	rddreg [dreg:$0x0];
	s2 =	stileid.u32  }
0x54: {  	s1 =	rddreg [dreg:$0x1];
	p0 =	sne.s32 s2, $0x0  }
0x55: {  	s3 =	rddreg [dreg:$0x2];
	[bflag:$0x3] =	sbarrier.arrive $0xFFFF;
	s2 =	simm.s32 @!p0 $0x1C01  }
0x56: {  	[timem:s3], [sflag:s2] =	dma.local @!p0 [hbm:s0], s1  }
0x57: {  	s0 =	simm.s32 @!p0 $0x1  }
0x58: {  	_ =	swait.ge @!p0 [sflag:s0], s1  }
0x59: {  	s1 =	ssub.s32 @!p0 $0x0, s1;
	[sflag:s0] =	ssyncset.done @!p0 $0x0  }
0x5a: {  	[sflag:s0] =	ssyncadd.s32 @!p0 s1  }
0x5b: {  	[bflag:$0x3] =	sbarrier.arrive $0xFFFF  }
0x5c: {  	_ =	shalt  }

// kernel: kernel.13.cloned.1.call-start
scs
__scs_entry_jumppad:
0x0: {  	(pc) =	sbr.rel $0x88, $3  }
0x1: {  	(tag) =	ssettag $0x0;
	lr =	simm.s32 $0x1  }
0x2: {  	[smem:$0x3F97] =	sst lr;
	_ =	strace $0xD0000000  }
0x3: {  	_ = 	snop  }
0x4: {  	_ = 	snop  }
0x5: {  	_ = 	snop  }
0x6: {  	_ = 	snop  }
0x7: {  	_ = 	snop  }
__scs_overlays_trampoline_lowered:
0x8: {  	[smem:$0x3FA6] =	sst s0  }
0x9: {  	[smem:$0x3FA7] =	sst s1  }
0xa: {  	[smem:$0x3FA8] =	sst s2  }
0xb: {  	[smem:$0x3FA9] =	sst s3  }
0xc: {  	[smem:$0x3FAA] =	sst s4  }
0xd: {  	[smem:$0x3FAB] =	sst s5  }
0xe: {  	[smem:$0x3FAC] =	sst s6  }
0xf: {  	[smem:$0x3FAD] =	sst s7  }
0x10: {  	[smem:$0x3FAE] =	sst s8  }
0x11: {  	[smem:$0x3FAF] =	sst s9;
	s0 =	simm.s32 @!p0 $0x0  }
0x12: {  	s1 =	sld [smem:$0x3F95];
	s0 =	simm.s32 @p0 $0x1  }
0x13: {  	[smem:$0x3FB0] =	sst s0;
	s0 =	simm.s32 @!p1 $0x0  }
0x14: {  	s2 =	sld [smem:$0x3F94];
	s0 =	simm.s32 @p1 $0x1  }
0x15: {  	[smem:$0x3FB1] =	sst s0;
	s0 =	simm.s32 @!p2 $0x0  }
0x16: {  	s3 =	sld [smem:$0x3FDB];
	s0 =	simm.s32 @p2 $0x1  }
0x17: {  	s4 =	simm.s32 $0x1BF5;
	[smem:$0x3FB3] =	sst s0  }
0x18: {  	s0 =	sld [smem:$0x3F96];
	_ =	swait.ge [sflag:s4], $0x0  }
0x19: {  	s7 =	sld [smem:$0x3F97]  }
0x1a: {  	s8 =	sadd.s32 $0xFFFFE003, lr  }
0x1b: {  	s9 =	sadd.s32 $0xFFFFFEF7, lr;
	s5 =	simm.s32 $0xFFFFFFFF;
	p2 =	slt.u32 s8, $0xFFFFF086  }
0x1c: {  	p1 =	slt.u32 s9, $0xF7A;
	s5 =	simm.s32 @!p2 $0x0  }
0x1d: {  	s5 =	simm.s32 @p1 $0x1;
	p0 =	seq.s32 s7, s2  }
0x1e: {  	s7 =	smul.u32 @!p0 $0xF7A, s2;
	p2 =	seq.s32 @!p0 s5, $0x0  }
0x1f: {  	s9 =	smul.u32 $0xF7A, s1;
	s8 =	simm.s32 @!p0 $0x1BF5;
	p2 =	por !p2, p0  }
0x20: {  	[sflag:s8] =	ssyncset.s32 @!p0 $0xFFFFF086;
	s6 =	sadd.s32 @!p0 s3, s7;
	s7 =	simm.s32 @!p0 $0x108  }
0x21: {  	s3 =	sadd.s32 s3, s9;
	s6 =	sadd.s32 @!p0 $0x88, s6;
	s7 =	simm.s32 @p2 $0x1082  }
0x22: {  	[simem:s7], [sflag:s8] =	dma.local @!p0 [hbm:s6], $0xF7A  }
0x23: {  	s9 =	sor.u32 $0xD0000000, s2;
	s6 =	simm.s32 $0x108;
	_ =	swait.ge @!p0 [sflag:s8], $0x0  }
0x24: {  	s3 =	sadd.s32 $0x88, s3;
	s6 =	simm.s32 @!p1 $0x1082;
	[sflag:s4] =	ssyncset.s32 $0xFFFFF086  }
0x25: {  	[simem:s6], [sflag:s4] =	dma.local [hbm:s3], $0xF7A  }
0x26: {  	[smem:$0x3F97] =	sst s1;
	(tag) =	ssettag s2;
	_ =	strace s9  }
0x27: {  	s1 =	sld [smem:$0x3FA7]  }
0x28: {  	s2 =	sld [smem:$0x3FA8]  }
0x29: {  	s4 =	sld [smem:$0x3FAA]  }
0x2a: {  	p0 =	seq.s32 s5, $0x0;
	s5 =	sld [smem:$0x3FAB]  }
0x2b: {  	s6 =	sld [smem:$0x3FAC]  }
0x2c: {  	s7 =	sld [smem:$0x3FAD]  }
0x2d: {  	s3 =	simm.s32 $0x108;
	s8 =	sld [smem:$0x3FAE]  }
0x2e: {  	s3 =	simm.s32 @!p0 $0x1082;
	s9 =	sld [smem:$0x3FAF]  }
0x2f: {  	lr =	sadd.s32 s0, s3;
	s0 =	sld [smem:$0x3FA6]  }
0x30: {  	s3 =	sld [smem:$0x3FA9]  }
0x31: {  	[smem:$0x3FB2] =	sst s10  }
0x32: {  	s10 =	sld [smem:$0x3FB0];
	_ =	sdelay $0x3  }
0x33: {  	p0 =	seq.s32 s10, $0x1;
	s10 =	sld [smem:$0x3FB2];
	_ =	sdelay $0x3  }
0x34: {  	[smem:$0x3FB2] =	sst s10  }
0x35: {  	s10 =	sld [smem:$0x3FB1];
	_ =	sdelay $0x3  }
0x36: {  	p1 =	seq.s32 s10, $0x1;
	s10 =	sld [smem:$0x3FB2];
	_ =	sdelay $0x3  }
0x37: {  	[smem:$0x3FB2] =	sst s10  }
0x38: {  	s10 =	sld [smem:$0x3FB3]  }
0x39: {  	_ = 	snop;
	(pc) =	sbr.ind lr, $3  }
0x3a: {  	_ = 	snop  }
0x3b: {  	_ = 	snop  }
0x3c: {  	p2 =	seq.s32 s10, $0x1;
	s10 =	sld [smem:$0x3FB2]  }
0x3d: {  	_ =	shalt  }
0x3e: {  	_ =	shalt  }
0x3f: {  	_ =	shalt  }
0x40: {  	_ =	shalt  }
0x41: {  	_ =	shalt  }
0x42: {  	_ =	shalt  }
0x43: {  	_ =	shalt  }
0x44: {  	_ =	shalt  }
0x45: {  	_ =	shalt  }
0x46: {  	_ =	shalt  }
0x47: {  	_ =	shalt  }
0x48: {  	_ =	shalt  }
0x49: {  	_ =	shalt  }
0x4a: {  	_ =	shalt  }
0x4b: {  	_ =	shalt  }
0x4c: {  	_ =	shalt  }
0x4d: {  	_ =	shalt  }
0x4e: {  	_ =	shalt  }
0x4f: {  	_ =	shalt  }
0x50: {  	_ =	shalt  }
0x51: {  	_ =	shalt  }
0x52: {  	_ =	shalt  }
0x53: {  	_ =	shalt  }
0x54: {  	_ =	shalt  }
0x55: {  	_ =	shalt  }
0x56: {  	_ =	shalt  }
0x57: {  	_ =	shalt  }
0x58: {  	_ =	shalt  }
0x59: {  	_ =	shalt  }
0x5a: {  	_ =	shalt  }
0x5b: {  	_ =	shalt  }
0x5c: {  	_ =	shalt  }
0x5d: {  	_ =	shalt  }
0x5e: {  	_ =	shalt  }
0x5f: {  	_ =	shalt  }
0x60: {  	_ =	shalt  }
0x61: {  	_ =	shalt  }
0x62: {  	_ =	shalt  }
0x63: {  	_ =	shalt  }
0x64: {  	_ =	shalt  }
0x65: {  	_ =	shalt  }
0x66: {  	_ =	shalt  }
0x67: {  	_ =	shalt  }
0x68: {  	_ =	shalt  }
0x69: {  	_ =	shalt  }
0x6a: {  	_ =	shalt  }
0x6b: {  	_ =	shalt  }
0x6c: {  	_ =	shalt  }
0x6d: {  	_ =	shalt  }
0x6e: {  	_ =	shalt  }
0x6f: {  	_ =	shalt  }
0x70: {  	_ =	shalt  }
0x71: {  	_ =	shalt  }
0x72: {  	_ =	shalt  }
0x73: {  	_ =	shalt  }
0x74: {  	_ =	shalt  }
0x75: {  	_ =	shalt  }
0x76: {  	_ =	shalt  }
0x77: {  	_ =	shalt  }
0x78: {  	_ =	shalt  }
0x79: {  	_ =	shalt  }
0x7a: {  	_ =	shalt  }
0x7b: {  	_ =	shalt  }
0x7c: {  	_ =	shalt  }
0x7d: {  	_ =	shalt  }
0x7e: {  	_ =	shalt  }
0x7f: {  	_ =	shalt  }
0x80: {  	_ =	shalt  }
0x81: {  	_ =	shalt  }
0x82: {  	_ =	shalt  }
0x83: {  	_ =	shalt  }
0x84: {  	_ =	shalt  }
0x85: {  	_ =	shalt  }
0x86: {  	_ =	shalt  }
0x87: {  	_ =	shalt  }
.Lfunc_end0:
.L_simem_size_0:
called_computation.1_lowered:
.L_overlay_start_0:
0x88: {  	s2 =	sld [smem:$0x3FD9]  }
0x89: {  	s3 =	sld [smem:$0x3FFE];
	_ =	sdelay $0x1  }
0x8a: {  	s1 =	srdreg.scid  }
0x8b: {  	s0 =	sand.u32 $0x1, s1  }
0x8c: {  	s16 =	sshll.u32 s0, $0xA;
	s2 =	sadd.s32 s3, s2  }
0x8d: {  	s2 =	sadd.s32 s2, s16  }
0x8e: {  	[smem:$0x3FBE] =	sst s2  }
0x8f: {  	_ = 	snop  }
0x90: {  	(tm) =	ssettm $0x1  }
0x91: {  	s17 =	sld [smem:$0x3FFB];
	_ =	sdelay $0x3  }
0x92: {  	_ =	strace s17  }
0x93: {  	s2 =	sld [smem:$0x3FFC];
	_ =	sdelay $0x3  }
0x94: {  	_ =	strace s2  }
0x95: {  	s2 =	sld [smem:$0x3FFD];
	_ =	sdelay $0x3  }
0x96: {  	_ =	strace s2  }
0x97: {  	_ =	strace $0x8FFFFFFF  }
0x98: {  	s18 =	sld [smem:$0x3FDB];
	_ =	sdelay $0x1  }
0x99: {  	s19 =	simm.s32 $_scs_section_size  }
0x9a: {  	s4 =	simm.s32 $_size__tile_overlayer_lowered;
	s5 =	simm.s32 $_tile_overlayer_lowered  }
0x9b: {  	s22 =	simm.s32 $0x1BFF;
	s21 =	sshll.u32 s5, $0x1;
	s2 =	sadd.s32 s19, s18  }
0x9c: {  	s6 =	simm.s32 $0x0;
	s20 =	sshll.u32 s4, $0x1;
	s4 =	sadd.s32 s21, s2  }
0x9d: {  	[timem:s6], [sflag:s22] =	dma.local [hbm:s4], s20  }
0x9e: {  	_ =	swait.ge [sflag:s22], s20  }
0x9f: {  	s3 =	ssub.s32 $0x0, s20;
	[sflag:s22] =	ssyncset.done $0x0  }
0xa0: {  	[sflag:s22] =	ssyncadd.s32 s3;
	_ =	sdelay $0x1  }
0xa1: {  	s23 =	simm.s32 $0x1B8B  }
0xa2: {  	_ =	swait.ge [sflag:s23], $0x1  }
0xa3: {  	[sflag:s23] =	ssyncset.done $0x0  }
0xa4: {  	s25 =	simm.s32 $0x1B8E;
	s24 =	sld [smem:$0x3FFE];
	[sflag:s23] =	ssyncadd.s32 $0xFFFFFFFF  }
0xa5: {  	s26 =	simm.s32 $execute0_lowered;
	[smem:$0x3FD2] =	sst s25  }
0xa6: {  	s4 =	sshll.u32 s26, $0x1;
	_ =	strace $0x80000049;
	[dreg:$0x1] =	wrdreg $0xFFFFFFFF  }
0xa7: {  	s28 =	simm.s32 $_size_execute0_lowered;
	s2 =	sadd.s32 s2, s4;
	[dreg:$0x0] =	wrdreg $0x0  }
0xa8: {  	s4 =	sshll.u32 s28, $0x1;
	[dreg:$0x2] =	wrdreg s2  }
0xa9: {  	[dreg:$0x3] =	wrdreg s4  }
0xaa: {  	[dreg:$0x4] =	wrdreg $0xC0  }
0xab: {  	_ =	task [dreg:s6], $0x5FFFF  }
0xac: {  	[dreg:$0x1] =	wrdreg $0xFFFFFFFF  }
0xad: {  	[dreg:$0x0] =	wrdreg $0x60  }
0xae: {  	[dreg:$0x2] =	wrdreg s24  }
0xaf: {  	[dreg:$0x3] =	wrdreg $0x82000  }
0xb0: {  	[dreg:$0x4] =	wrdreg $0x9  }
0xb1: {  	_ =	task.clear_ibuf [dreg:s6], $0x5FFFF;
	_ =	strace $0x90000049  }
0xb2: {  	s29 =	simm.s32 $0x9;
	_ =	strace $0x8000004B  }
0xb3: {  	_ =	swait.ge [sflag:s29], $0x1  }
0xb4: {  	[sflag:s29] =	ssyncadd.s32 $0xFFFFFFFF  }
0xb5: {  	_ =	strace $0x9000004B  }
0xb6: {  	_ =	sfence  }
0xb7: {  	s30 =	sld [smem:$0x0];
	_ =	sdelay $0x2  }
0xb8: {  	s31 =	sshll.u32 s1, $0xD;
	s1 =	sshrl.u32 s1, $0x2  }
0xb9: {  	s3 =	sand.u32 $0x4000, s31;
	s1 =	sadd.s32 s1, s30  }
0xba: {  	s0 =	sor.u32 s3, s0;
	s1 =	sshll.u32 s1, $0x11  }
0xbb: {  	s0 =	sor.u32 s1, s0  }
0xbc: {  	s0 =	sadd.s32 $0x8F2B, s0  }
0xbd: {  	[sflag:s0] =	ssyncadd.remote.s32 $0x1  }
0xbe: {  	_ =	sfence.sel $0xFFFF  }
0xbf: {  	[dreg:$0x0] =	wrdreg $0xFFFFFFFF;
	(pc) =	sbr.abs _section_cstart, $3  }
0xc0: {  	[dreg:$0x1] =	wrdreg $0xFFFFFFFF  }
0xc1: {  	_ =	task.clear_ibuf [dreg:s6], $0x2FFFF;
	_ =	strace $0x9FFFFFFF  }
0xc2: {  	(tm) =	ssettm $0x7FFFFFFF  }
0xc3: {  	_ =	shalt  }
tec
execute0_lowered:
.L_overlay_start_1:
0x0: {  	(tag) =	ssettag $0x1  }
0x1: {  	s0 =	rddreg [dreg:$0x0]  }
0x2: {  	s1 =	srdreg.scid;
	s2 =	rddreg [dreg:$0x1]  }
0x3: {  	s22 =	stileid.u32;
	s3 =	simm.s32 $0x0;
	s21 =	simm.s32 $0x3  }
0x4: {  	s28 =	simm.s32 $0x2;
	s29 =	simm.s32 $0x0;
	s8 =	sand.u32 $0x1, s1  }
0x5: {  	s6 =	smul.u32 $0x13C00, s22;
	[smem:$0x7FF] =	sst s3;
	s4 =	sadd.s32 $0xDC00, s0  }
0x6: {  	s19 =	sadd.s32 $0x5CC00, s0;
	s23 =	smul.u32 $0x4F000, s22;
	s18 =	sadd.s32 $0x3C00, s0  }
0x7: {  	s24 =	sshll.u32 s22, $0x1;
	s12 =	smul.u32 $0x5000, s22;
	s22 =	simm.s32 $0x100  }
0x8: {  	s5 =	smul.u32 $0x13C000, s8;
	_ =	strace $0x8000004A;
	s7 =	ssub.s32 $0x2, s8  }
0x9: {  	s9 =	sor.u32 s8, s24;
	s14 =	smul.u32 $0x2800, s8;
	s24 =	simm.s32 $0x180  }
0xa: {  	s25 =	sshrl.u32 s23, $0x2;
	s26 =	sshrl.u32 s7, $0x1;
	s9 =	smul.u32 $0x2800, s9  }
0xb: {  	s23 =	simm.s32 $0x80;
	s5 =	sadd.s32 s6, s5;
	s15 =	ssub.s32 s7, s26  }
0xc: {  	s16 =	sadd.s32 s14, s12;
	s26 =	simm.s32 $0x1;
	s5 =	sshrl.u32 s5, $0x3  }
0xd: {  	s13 =	sshrl.u32 s9, $0x3;
	s17 =	sor.u32 $0x180, s16;
	s31 =	sor.u32 $0x100, s16  }
0xe: {  	s15 =	smax.u32 s15, $0x1;
	s0 =	sadd.s32 s5, s0;
	s5 =	sadd.s32 s25, s2  }
0xf: {  	s10 =	sadd.s32 s19, s13;
	s11 =	sadd.s32 s18, s13;
	s13 =	sor.u32 $0x10, s13  }
0x10: {  	s30 =	sshrl.u32 s17, $0x3;
	s20 =	sshrl.u32 s31, $0x3;
	s25 =	simm.s32 $0x4200  }
0x11: {  	s6 =	sadd.s32 $0x4000, s5;
	s7 =	sadd.s32 $0x8000, s5;
	s8 =	sadd.s32 $0xC000, s5  }
0x12: {  	s9 =	sadd.s32 $0x10000, s5;
	s12 =	sadd.s32 s19, s13;
	s13 =	sadd.s32 s18, s13  }
0x13: {  	s14 =	sadd.s32 $0x66C00, s0;
	s16 =	sadd.s32 s30, s18;
	s17 =	sadd.s32 s30, s19  }
0x14: {  	v0 =	vimm.f32 $0.0e+00;
	s18 =	sadd.s32 s20, s18;
	s19 =	sadd.s32 s20, s19;
	s20 =	simm.s32 $0x200  }
.LBB2_1:
0x15: {  	s0 =	sand.u32 $0xFE00, s3  }
0x16: {  	s31 =	sand.u32 $0x70, s3;
	s0 =	sshrl.u32 s0, $0x2  }
0x17: {  	s30 =	simm.s32 $0x40;
	s0 =	sor.u32 s31, s0;
	s31 =	simm.s32 $0x0  }
.LBB2_2:
0x18: {  	p0 =	sne.s32 s30, $0xFFC0  }
0x19: {  	[tilespmem:s0+$0x200] =	vst v0;
	s31 =	sadd.s32 $0x10, s31;
	s0 =	smov.u32 s30;
	s30 =	sadd.s32 $0x40, s30  }
.Ltmp0:
0x1a: {  	(pc) =	sbr.rel @p0 .LBB2_2-.Ltmp0, $4  }
0x1b: {  	_ = 	snop  }
0x1c: {  	s0 =	sand.u32 $0xFE00, s0  }
0x1d: {  	s1 =	sand.u32 $0x70, s31;
	s0 =	sshrl.u32 s0, $0x2  }
0x1e: {  	s0 =	sor.u32 s1, s0  }
0x1f: {  	[tilespmem:s0+$0x200] =	vst v0  }
0x20: {  	[spmem:s5] =	stream.linear.scatter [tilespmem:s20], [sflag:$0x3], $0x4000, $0x38;
	[tilespmem:$0x1BE00] =	vst v63  }
0x21: {  	_ =	swait.ge [sflag:s21], $0x4000  }
0x22: {  	[sflag:s21] =	ssyncset.done $0x0  }
0x23: {  	[sflag:s21] =	ssyncadd.s32 $0xFFFFC000  }
0x24: {  	[spmem:s6] =	stream.linear.scatter [tilespmem:s20], [sflag:$0x3], $0x4000, $0x38;
	[tilespmem:$0x1BE00] =	vst v63  }
0x25: {  	_ =	swait.ge [sflag:s21], $0x4000  }
0x26: {  	[sflag:s21] =	ssyncset.done $0x0  }
0x27: {  	[sflag:s21] =	ssyncadd.s32 $0xFFFFC000  }
0x28: {  	[spmem:s7] =	stream.linear.scatter [tilespmem:s20], [sflag:$0x3], $0x4000, $0x38;
	[tilespmem:$0x1BE00] =	vst v63  }
0x29: {  	_ =	swait.ge [sflag:s21], $0x4000  }
0x2a: {  	[sflag:s21] =	ssyncset.done $0x0  }
0x2b: {  	[sflag:s21] =	ssyncadd.s32 $0xFFFFC000  }
0x2c: {  	[spmem:s8] =	stream.linear.scatter [tilespmem:s20], [sflag:$0x3], $0x4000, $0x38;
	[tilespmem:$0x1BE00] =	vst v63  }
0x2d: {  	_ =	swait.ge [sflag:s21], $0x4000  }
0x2e: {  	[sflag:s21] =	ssyncset.done $0x0  }
0x2f: {  	[sflag:s21] =	ssyncadd.s32 $0xFFFFC000  }
0x30: {  	[spmem:s9] =	stream.linear.scatter [tilespmem:s20], [sflag:$0x3], $0x3C00, $0x38;
	[tilespmem:$0x1BE00] =	vst v63  }
0x31: {  	_ =	swait.ge [sflag:s21], $0x3C00  }
0x32: {  	[sflag:s21] =	ssyncset.done $0x0  }
0x33: {  	[sflag:s21] =	ssyncadd.s32 $0xFFFFC400  }
0x34: {  	s31 =	simm.s32 $0x0;
	[bflag:$0x0] =	sbarrier.arrive $0xFFFF  }
0x35: {  	[tilespmem:s31], [sflag:$0x3] =	stream.linear.gather [hbm4b:s10+s31], $0x80, $0x38;
	[tilespmem:$0x1BE00] =	vst v63  }
0x36: {  	_ =	swait.ge [sflag:s21], $0x80  }
0x37: {  	[sflag:s21] =	ssyncset.done $0x0  }
0x38: {  	[sflag:s21] =	ssyncadd.s32 $0xFFFFFF80  }
0x39: {  	[tilespmem:s22], [sflag:$0x3] =	stream.linear.gather [hbm4b:s11+s31], $0x80, $0x38;
	[tilespmem:$0x1BE00] =	vst v63  }
0x3a: {  	_ =	swait.ge [sflag:s21], $0x80  }
0x3b: {  	[sflag:s21] =	ssyncset.done $0x0  }
0x3c: {  	[sflag:s21] =	ssyncadd.s32 $0xFFFFFF80  }
0x3d: {  	[tilespmem:s23], [sflag:$0x3] =	stream.linear.gather [hbm4b:s12+s31], $0x80, $0x38;
	[tilespmem:$0x1BE00] =	vst v63  }
0x3e: {  	_ =	swait.ge [sflag:s21], $0x80  }
0x3f: {  	[sflag:s21] =	ssyncset.done $0x0  }
0x40: {  	[sflag:s21] =	ssyncadd.s32 $0xFFFFFF80  }
0x41: {  	[tilespmem:s24], [sflag:$0x3] =	stream.linear.gather [hbm4b:s13+s31], $0x80, $0x38;
	[tilespmem:$0x1BE00] =	vst v63  }
0x42: {  	_ =	swait.ge [sflag:s21], $0x80  }
0x43: {  	[sflag:s21] =	ssyncset.done $0x0  }
0x44: {  	[sflag:s21] =	ssyncadd.s32 $0xFFFFFF80  }
0x45: {  	[tilespmem:s20], [sflag:$0x1] =	stream.indirect.gather [hbm4b:s4+s23], $0x80, s31, s23, $0xb8;
	[tilespmem:$0x1BE00] =	vst v63  }
0x46: {  	_ = 	snop  }
0x47: {  	[tilespmem:s25], [sflag:$0x2] =	stream.indirect.gather [hbm4b:s4+s23], $0x80, s23, s23, $0xb8;
	[tilespmem:$0x1BE00] =	vst v63  }
0x48: {  	_ =	swait.ge [sflag:s26], $0x4000  }
0x49: {  	[sflag:s26] =	ssyncset.done $0x0  }
0x4a: {  	[sflag:s26] =	ssyncadd.s32 $0xFFFFC000  }
0x4b: {  	[spmem:s2] =	stream.indirect.scatter.add.f32 [tilespmem:s20], [sflag:$0x3], $0x80, s22, s23, $0xb8;
	[tilespmem:$0x1BE00] =	vst v63  }
0x4c: {  	_ =	swait.ge [sflag:s21], $0x4000  }
0x4d: {  	[sflag:s21] =	ssyncset.done $0x0  }
0x4e: {  	s1 =	sadd.s32 $0x0, s19;
	[sflag:s21] =	ssyncadd.s32 $0xFFFFC000  }
0x4f: {  	[tilespmem:s3], [sflag:$0x3] =	stream.linear.gather [hbm4b:s1+s3], $0x80, $0x38;
	[tilespmem:$0x1BE00] =	vst v63  }
0x50: {  	_ =	swait.ge [sflag:s21], $0x80  }
0x51: {  	[sflag:s21] =	ssyncset.done $0x0  }
0x52: {  	s31 =	sadd.s32 $0x0, s18;
	[sflag:s21] =	ssyncadd.s32 $0xFFFFFF80  }
0x53: {  	[tilespmem:s22], [sflag:$0x3] =	stream.linear.gather [hbm4b:s31+s3], $0x80, $0x38;
	[tilespmem:$0x1BE00] =	vst v63  }
0x54: {  	_ =	swait.ge [sflag:s21], $0x80  }
0x55: {  	[sflag:s21] =	ssyncset.done $0x0  }
0x56: {  	[sflag:s21] =	ssyncadd.s32 $0xFFFFFF80  }
0x57: {  	[tilespmem:s20], [sflag:$0x1] =	stream.indirect.gather [hbm4b:s4+s23], $0x80, s3, s23, $0xb8;
	[tilespmem:$0x1BE00] =	vst v63  }
0x58: {  	_ =	swait.ge [sflag:s28], $0x4000  }
0x59: {  	[sflag:s28] =	ssyncset.done $0x0  }
0x5a: {  	[sflag:s28] =	ssyncadd.s32 $0xFFFFC000  }
0x5b: {  	[spmem:s2] =	stream.indirect.scatter.add.f32 [tilespmem:s25], [sflag:$0x3], $0x80, s24, s23, $0xb8;
	[tilespmem:$0x1BE00] =	vst v63  }
0x5c: {  	_ =	swait.ge [sflag:s21], $0x4000  }
0x5d: {  	[sflag:s21] =	ssyncset.done $0x0  }
0x5e: {  	s1 =	sadd.s32 $0x0, s17;
	[sflag:s21] =	ssyncadd.s32 $0xFFFFC000  }
0x5f: {  	[tilespmem:s23], [sflag:$0x3] =	stream.linear.gather [hbm4b:s1+s3], $0x80, $0x38;
	[tilespmem:$0x1BE00] =	vst v63  }
0x60: {  	_ =	swait.ge [sflag:s21], $0x80  }
0x61: {  	[sflag:s21] =	ssyncset.done $0x0  }
0x62: {  	s31 =	sadd.s32 $0x0, s16;
	[sflag:s21] =	ssyncadd.s32 $0xFFFFFF80  }
0x63: {  	[tilespmem:s24], [sflag:$0x3] =	stream.linear.gather [hbm4b:s31+s3], $0x80, $0x38;
	[tilespmem:$0x1BE00] =	vst v63  }
0x64: {  	_ =	swait.ge [sflag:s21], $0x80  }
0x65: {  	[sflag:s21] =	ssyncset.done $0x0  }
0x66: {  	s30 =	simm.s32 $0x20;
	[sflag:s21] =	ssyncadd.s32 $0xFFFFFF80  }
.LBB2_4:
0x67: {  	[tilespmem:s25], [sflag:$0x2] =	stream.indirect.gather [hbm4b:s4+s23], $0x80, s23, s23, $0xb8;
	[tilespmem:$0x1BE00] =	vst v63  }
0x68: {  	s0 =	smov.u32 s30  }
0x69: {  	p0 =	sne.s32 s30, $0x4C0;
	s30 =	sadd.s32 $0x20, s30;
	_ =	swait.ge [sflag:s26], $0x4000  }
0x6a: {  	[sflag:s26] =	ssyncset.done $0x0  }
0x6b: {  	[sflag:s26] =	ssyncadd.s32 $0xFFFFC000  }
0x6c: {  	[spmem:s2] =	stream.indirect.scatter.add.f32 [tilespmem:s20], [sflag:$0x3], $0x80, s22, s23, $0xb8;
	[tilespmem:$0x1BE00] =	vst v63  }
0x6d: {  	_ =	swait.ge [sflag:s21], $0x4000  }
0x6e: {  	[sflag:s21] =	ssyncset.done $0x0  }
0x6f: {  	s1 =	sadd.s32 s0, s19;
	[sflag:s21] =	ssyncadd.s32 $0xFFFFC000  }
0x70: {  	[tilespmem:s3], [sflag:$0x3] =	stream.linear.gather [hbm4b:s1+s3], $0x80, $0x38;
	[tilespmem:$0x1BE00] =	vst v63  }
0x71: {  	_ =	swait.ge [sflag:s21], $0x80  }
0x72: {  	[sflag:s21] =	ssyncset.done $0x0  }
0x73: {  	s1 =	sadd.s32 s0, s18;
	[sflag:s21] =	ssyncadd.s32 $0xFFFFFF80  }
0x74: {  	[tilespmem:s22], [sflag:$0x3] =	stream.linear.gather [hbm4b:s1+s3], $0x80, $0x38;
	[tilespmem:$0x1BE00] =	vst v63  }
0x75: {  	_ =	swait.ge [sflag:s21], $0x80  }
0x76: {  	[sflag:s21] =	ssyncset.done $0x0  }
0x77: {  	[sflag:s21] =	ssyncadd.s32 $0xFFFFFF80  }
0x78: {  	[tilespmem:s20], [sflag:$0x1] =	stream.indirect.gather [hbm4b:s4+s23], $0x80, s3, s23, $0xb8;
	[tilespmem:$0x1BE00] =	vst v63  }
0x79: {  	_ =	swait.ge [sflag:s28], $0x4000  }
0x7a: {  	[sflag:s28] =	ssyncset.done $0x0  }
0x7b: {  	[sflag:s28] =	ssyncadd.s32 $0xFFFFC000  }
0x7c: {  	[spmem:s2] =	stream.indirect.scatter.add.f32 [tilespmem:s25], [sflag:$0x3], $0x80, s24, s23, $0xb8;
	[tilespmem:$0x1BE00] =	vst v63  }
0x7d: {  	_ =	swait.ge [sflag:s21], $0x4000  }
0x7e: {  	[sflag:s21] =	ssyncset.done $0x0  }
0x7f: {  	s1 =	sadd.s32 s0, s17;
	[sflag:s21] =	ssyncadd.s32 $0xFFFFC000  }
0x80: {  	[tilespmem:s23], [sflag:$0x3] =	stream.linear.gather [hbm4b:s1+s3], $0x80, $0x38;
	[tilespmem:$0x1BE00] =	vst v63  }
0x81: {  	_ =	swait.ge [sflag:s21], $0x80  }
0x82: {  	[sflag:s21] =	ssyncset.done $0x0  }
.Ltmp1:
0x83: {  	s0 =	sadd.s32 s0, s16;
	[sflag:s21] =	ssyncadd.s32 $0xFFFFFF80;
	(pc) =	sbr.rel @p0 .LBB2_4-.Ltmp1, $4  }
0x84: {  	[tilespmem:s24], [sflag:$0x3] =	stream.linear.gather [hbm4b:s0+s3], $0x80, $0x38;
	[tilespmem:$0x1BE00] =	vst v63  }
0x85: {  	_ =	swait.ge [sflag:s21], $0x80  }
0x86: {  	[sflag:s21] =	ssyncset.done $0x0  }
0x87: {  	[sflag:s21] =	ssyncadd.s32 $0xFFFFFF80  }
0x88: {  	[tilespmem:s25], [sflag:$0x2] =	stream.indirect.gather [hbm4b:s4+s23], $0x80, s23, s23, $0xb8;
	[tilespmem:$0x1BE00] =	vst v63  }
0x89: {  	_ =	swait.ge [sflag:s26], $0x4000  }
0x8a: {  	[sflag:s26] =	ssyncset.done $0x0  }
0x8b: {  	[sflag:s26] =	ssyncadd.s32 $0xFFFFC000  }
0x8c: {  	[spmem:s2] =	stream.indirect.scatter.add.f32 [tilespmem:s20], [sflag:$0x3], $0x80, s22, s23, $0xb8;
	[tilespmem:$0x1BE00] =	vst v63  }
0x8d: {  	_ =	swait.ge [sflag:s21], $0x4000  }
0x8e: {  	[sflag:s21] =	ssyncset.done $0x0  }
0x8f: {  	[sflag:s21] =	ssyncadd.s32 $0xFFFFC000  }
0x90: {  	_ =	swait.ge [sflag:s28], $0x4000  }
0x91: {  	[sflag:s28] =	ssyncset.done $0x0  }
0x92: {  	[sflag:s28] =	ssyncadd.s32 $0xFFFFC000  }
0x93: {  	[spmem:s2] =	stream.indirect.scatter.add.f32 [tilespmem:s25], [sflag:$0x3], $0x80, s24, s23, $0xb8;
	[tilespmem:$0x1BE00] =	vst v63  }
0x94: {  	s0 =	stileid.u32;
	_ =	swait.ge [sflag:s21], $0x4000  }
0x95: {  	s1 =	sshrl.u32 s5, $0x3;
	s29 =	sadd.s32 $0x1, s29;
	[sflag:s21] =	ssyncset.done $0x0  }
0x96: {  	s0 =	sshll.u32 s0, $0x6;
	p0 =	sne.s32 s29, s15;
	[sflag:s21] =	ssyncadd.s32 $0xFFFFC000  }
.Ltmp2:
0x97: {  	s0 =	sor.u32 $0x1C03, s0;
	[bflag:$0x0] =	sbarrier.arrive $0xFFFF;
	(pc) =	sbr.rel @p0 .LBB2_1-.Ltmp2, $4  }
0x98: {  	[hbm:s14], [sflag:s0] =	dma.local [spmem:s1], $0x2780  }
0x99: {  	_ =	swait.ge [sflag:s21], $0x2780  }
0x9a: {  	[sflag:s21] =	ssyncset.done $0x0  }
0x9b: {  	[sflag:s21] =	ssyncadd.s32 $0xFFFFD880  }
0x9c: {  	_ =	sfence.sel $0x180000  }
0x9d: {  	[bflag:$0x0] =	sbarrier.arrive $0xFFFF  }
0x9e: {  	_ =	strace $0x9000004A  }
0x9f: {  	s0 =	stileid.u32;
	[bflag:$0x2] =	sbarrier.arrive $0xFFFF  }
0xa0: {  	p0 =	sne.s32 s0, $0x0;
	s0 =	rddreg [dreg:$0x2]  }
0xa1: {  	s0 =	sadd.s32 @!p0 $0x100000, s0  }
0xa2: {  	[sflag:s0] =	ssyncadd.tile.s32 @!p0 $0x1;
	_ =	shalt  }
.Lfunc_end2:
_tile_overlayer_lowered:
.L_overlay_start_2:
0xa3: {  	(tag) =	ssettag $0x2  }
0xa4: {  	s0 =	rddreg [dreg:$0x0];
	s2 =	stileid.u32  }
0xa5: {  	s1 =	rddreg [dreg:$0x1];
	p0 =	sne.s32 s2, $0x0  }
0xa6: {  	s3 =	rddreg [dreg:$0x2];
	[bflag:$0x3] =	sbarrier.arrive $0xFFFF;
	s2 =	simm.s32 @!p0 $0x1C03  }
0xa7: {  	[timem:s3], [sflag:s2] =	dma.local @!p0 [hbm:s0], s1  }
0xa8: {  	s0 =	simm.s32 @!p0 $0x3  }
0xa9: {  	_ =	swait.ge @!p0 [sflag:s0], s1  }
0xaa: {  	s1 =	ssub.s32 @!p0 $0x0, s1;
	[sflag:s0] =	ssyncset.done @!p0 $0x0  }
0xab: {  	[sflag:s0] =	ssyncadd.s32 @!p0 s1  }
0xac: {  	[bflag:$0x3] =	sbarrier.arrive $0xFFFF  }
0xad: {  	_ =	shalt  }

// kernel: kernel.16.cloned.1.call-start
scs
__scs_entry_jumppad:
0x0: {  	(pc) =	sbr.rel $0x88, $3  }
0x1: {  	(tag) =	ssettag $0x0;
	lr =	simm.s32 $0x1  }
0x2: {  	[smem:$0x3F97] =	sst lr;
	_ =	strace $0xD0000000  }
0x3: {  	_ = 	snop  }
0x4: {  	_ = 	snop  }
0x5: {  	_ = 	snop  }
0x6: {  	_ = 	snop  }
0x7: {  	_ = 	snop  }
__scs_overlays_trampoline_lowered:
0x8: {  	[smem:$0x3FA6] =	sst s0  }
0x9: {  	[smem:$0x3FA7] =	sst s1  }
0xa: {  	[smem:$0x3FA8] =	sst s2  }
0xb: {  	[smem:$0x3FA9] =	sst s3  }
0xc: {  	[smem:$0x3FAA] =	sst s4  }
0xd: {  	[smem:$0x3FAB] =	sst s5  }
0xe: {  	[smem:$0x3FAC] =	sst s6  }
0xf: {  	[smem:$0x3FAD] =	sst s7  }
0x10: {  	[smem:$0x3FAE] =	sst s8  }
0x11: {  	[smem:$0x3FAF] =	sst s9;
	s0 =	simm.s32 @!p0 $0x0  }
0x12: {  	s1 =	sld [smem:$0x3F95];
	s0 =	simm.s32 @p0 $0x1  }
0x13: {  	[smem:$0x3FB0] =	sst s0;
	s0 =	simm.s32 @!p1 $0x0  }
0x14: {  	s2 =	sld [smem:$0x3F94];
	s0 =	simm.s32 @p1 $0x1  }
0x15: {  	[smem:$0x3FB1] =	sst s0;
	s0 =	simm.s32 @!p2 $0x0  }
0x16: {  	s3 =	sld [smem:$0x3FDB];
	s0 =	simm.s32 @p2 $0x1  }
0x17: {  	s4 =	simm.s32 $0x1BF5;
	[smem:$0x3FB3] =	sst s0  }
0x18: {  	s0 =	sld [smem:$0x3F96];
	_ =	swait.ge [sflag:s4], $0x0  }
0x19: {  	s7 =	sld [smem:$0x3F97]  }
0x1a: {  	s8 =	sadd.s32 $0xFFFFE003, lr  }
0x1b: {  	s9 =	sadd.s32 $0xFFFFFEF7, lr;
	s5 =	simm.s32 $0xFFFFFFFF;
	p2 =	slt.u32 s8, $0xFFFFF086  }
0x1c: {  	p1 =	slt.u32 s9, $0xF7A;
	s5 =	simm.s32 @!p2 $0x0  }
0x1d: {  	s5 =	simm.s32 @p1 $0x1;
	p0 =	seq.s32 s7, s2  }
0x1e: {  	s7 =	smul.u32 @!p0 $0xF7A, s2;
	p2 =	seq.s32 @!p0 s5, $0x0  }
0x1f: {  	s9 =	smul.u32 $0xF7A, s1;
	s8 =	simm.s32 @!p0 $0x1BF5;
	p2 =	por !p2, p0  }
0x20: {  	[sflag:s8] =	ssyncset.s32 @!p0 $0xFFFFF086;
	s6 =	sadd.s32 @!p0 s3, s7;
	s7 =	simm.s32 @!p0 $0x108  }
0x21: {  	s3 =	sadd.s32 s3, s9;
	s6 =	sadd.s32 @!p0 $0x88, s6;
	s7 =	simm.s32 @p2 $0x1082  }
0x22: {  	[simem:s7], [sflag:s8] =	dma.local @!p0 [hbm:s6], $0xF7A  }
0x23: {  	s9 =	sor.u32 $0xD0000000, s2;
	s6 =	simm.s32 $0x108;
	_ =	swait.ge @!p0 [sflag:s8], $0x0  }
0x24: {  	s3 =	sadd.s32 $0x88, s3;
	s6 =	simm.s32 @!p1 $0x1082;
	[sflag:s4] =	ssyncset.s32 $0xFFFFF086  }
0x25: {  	[simem:s6], [sflag:s4] =	dma.local [hbm:s3], $0xF7A  }
0x26: {  	[smem:$0x3F97] =	sst s1;
	(tag) =	ssettag s2;
	_ =	strace s9  }
0x27: {  	s1 =	sld [smem:$0x3FA7]  }
0x28: {  	s2 =	sld [smem:$0x3FA8]  }
0x29: {  	s4 =	sld [smem:$0x3FAA]  }
0x2a: {  	p0 =	seq.s32 s5, $0x0;
	s5 =	sld [smem:$0x3FAB]  }
0x2b: {  	s6 =	sld [smem:$0x3FAC]  }
0x2c: {  	s7 =	sld [smem:$0x3FAD]  }
0x2d: {  	s3 =	simm.s32 $0x108;
	s8 =	sld [smem:$0x3FAE]  }
0x2e: {  	s3 =	simm.s32 @!p0 $0x1082;
	s9 =	sld [smem:$0x3FAF]  }
0x2f: {  	lr =	sadd.s32 s0, s3;
	s0 =	sld [smem:$0x3FA6]  }
0x30: {  	s3 =	sld [smem:$0x3FA9]  }
0x31: {  	[smem:$0x3FB2] =	sst s10  }
0x32: {  	s10 =	sld [smem:$0x3FB0];
	_ =	sdelay $0x3  }
0x33: {  	p0 =	seq.s32 s10, $0x1;
	s10 =	sld [smem:$0x3FB2];
	_ =	sdelay $0x3  }
0x34: {  	[smem:$0x3FB2] =	sst s10  }
0x35: {  	s10 =	sld [smem:$0x3FB1];
	_ =	sdelay $0x3  }
0x36: {  	p1 =	seq.s32 s10, $0x1;
	s10 =	sld [smem:$0x3FB2];
	_ =	sdelay $0x3  }
0x37: {  	[smem:$0x3FB2] =	sst s10  }
0x38: {  	s10 =	sld [smem:$0x3FB3]  }
0x39: {  	_ = 	snop;
	(pc) =	sbr.ind lr, $3  }
0x3a: {  	_ = 	snop  }
0x3b: {  	_ = 	snop  }
0x3c: {  	p2 =	seq.s32 s10, $0x1;
	s10 =	sld [smem:$0x3FB2]  }
0x3d: {  	_ =	shalt  }
0x3e: {  	_ =	shalt  }
0x3f: {  	_ =	shalt  }
0x40: {  	_ =	shalt  }
0x41: {  	_ =	shalt  }
0x42: {  	_ =	shalt  }
0x43: {  	_ =	shalt  }
0x44: {  	_ =	shalt  }
0x45: {  	_ =	shalt  }
0x46: {  	_ =	shalt  }
0x47: {  	_ =	shalt  }
0x48: {  	_ =	shalt  }
0x49: {  	_ =	shalt  }
0x4a: {  	_ =	shalt  }
0x4b: {  	_ =	shalt  }
0x4c: {  	_ =	shalt  }
0x4d: {  	_ =	shalt  }
0x4e: {  	_ =	shalt  }
0x4f: {  	_ =	shalt  }
0x50: {  	_ =	shalt  }
0x51: {  	_ =	shalt  }
0x52: {  	_ =	shalt  }
0x53: {  	_ =	shalt  }
0x54: {  	_ =	shalt  }
0x55: {  	_ =	shalt  }
0x56: {  	_ =	shalt  }
0x57: {  	_ =	shalt  }
0x58: {  	_ =	shalt  }
0x59: {  	_ =	shalt  }
0x5a: {  	_ =	shalt  }
0x5b: {  	_ =	shalt  }
0x5c: {  	_ =	shalt  }
0x5d: {  	_ =	shalt  }
0x5e: {  	_ =	shalt  }
0x5f: {  	_ =	shalt  }
0x60: {  	_ =	shalt  }
0x61: {  	_ =	shalt  }
0x62: {  	_ =	shalt  }
0x63: {  	_ =	shalt  }
0x64: {  	_ =	shalt  }
0x65: {  	_ =	shalt  }
0x66: {  	_ =	shalt  }
0x67: {  	_ =	shalt  }
0x68: {  	_ =	shalt  }
0x69: {  	_ =	shalt  }
0x6a: {  	_ =	shalt  }
0x6b: {  	_ =	shalt  }
0x6c: {  	_ =	shalt  }
0x6d: {  	_ =	shalt  }
0x6e: {  	_ =	shalt  }
0x6f: {  	_ =	shalt  }
0x70: {  	_ =	shalt  }
0x71: {  	_ =	shalt  }
0x72: {  	_ =	shalt  }
0x73: {  	_ =	shalt  }
0x74: {  	_ =	shalt  }
0x75: {  	_ =	shalt  }
0x76: {  	_ =	shalt  }
0x77: {  	_ =	shalt  }
0x78: {  	_ =	shalt  }
0x79: {  	_ =	shalt  }
0x7a: {  	_ =	shalt  }
0x7b: {  	_ =	shalt  }
0x7c: {  	_ =	shalt  }
0x7d: {  	_ =	shalt  }
0x7e: {  	_ =	shalt  }
0x7f: {  	_ =	shalt  }
0x80: {  	_ =	shalt  }
0x81: {  	_ =	shalt  }
0x82: {  	_ =	shalt  }
0x83: {  	_ =	shalt  }
0x84: {  	_ =	shalt  }
0x85: {  	_ =	shalt  }
0x86: {  	_ =	shalt  }
0x87: {  	_ =	shalt  }
.Lfunc_end0:
.L_simem_size_0:
called_computation.2_lowered:
.L_overlay_start_0:
0x88: {  	s2 =	sld [smem:$0x3FD9]  }
0x89: {  	s3 =	sld [smem:$0x3FFE];
	_ =	sdelay $0x1  }
0x8a: {  	s1 =	srdreg.scid  }
0x8b: {  	s0 =	sand.u32 $0x1, s1  }
0x8c: {  	s16 =	sshll.u32 s0, $0xA;
	s2 =	sadd.s32 s3, s2  }
0x8d: {  	s2 =	sadd.s32 s2, s16  }
0x8e: {  	[smem:$0x3FBE] =	sst s2  }
0x8f: {  	_ = 	snop  }
0x90: {  	(tm) =	ssettm $0x1  }
0x91: {  	s17 =	sld [smem:$0x3FFB];
	_ =	sdelay $0x3  }
0x92: {  	_ =	strace s17  }
0x93: {  	s2 =	sld [smem:$0x3FFC];
	_ =	sdelay $0x3  }
0x94: {  	_ =	strace s2  }
0x95: {  	s2 =	sld [smem:$0x3FFD];
	_ =	sdelay $0x3  }
0x96: {  	_ =	strace s2  }
0x97: {  	_ =	strace $0x8FFFFFFF  }
0x98: {  	s18 =	sld [smem:$0x3FDB];
	_ =	sdelay $0x1  }
0x99: {  	s19 =	simm.s32 $_scs_section_size  }
0x9a: {  	s4 =	simm.s32 $_size__tile_overlayer_lowered;
	s5 =	simm.s32 $_tile_overlayer_lowered  }
0x9b: {  	s22 =	simm.s32 $0x1BFF;
	s21 =	sshll.u32 s5, $0x1;
	s2 =	sadd.s32 s19, s18  }
0x9c: {  	s6 =	simm.s32 $0x0;
	s20 =	sshll.u32 s4, $0x1;
	s4 =	sadd.s32 s21, s2  }
0x9d: {  	[timem:s6], [sflag:s22] =	dma.local [hbm:s4], s20  }
0x9e: {  	_ =	swait.ge [sflag:s22], s20  }
0x9f: {  	s3 =	ssub.s32 $0x0, s20;
	[sflag:s22] =	ssyncset.done $0x0  }
0xa0: {  	[sflag:s22] =	ssyncadd.s32 s3;
	_ =	sdelay $0x1  }
0xa1: {  	s23 =	simm.s32 $0x1B8B  }
0xa2: {  	_ =	swait.ge [sflag:s23], $0x1  }
0xa3: {  	[sflag:s23] =	ssyncset.done $0x0  }
0xa4: {  	s25 =	simm.s32 $0x1B8E;
	s24 =	sld [smem:$0x3FFE];
	[sflag:s23] =	ssyncadd.s32 $0xFFFFFFFF  }
0xa5: {  	s26 =	simm.s32 $execute0_lowered;
	[smem:$0x3FD2] =	sst s25  }
0xa6: {  	s4 =	sshll.u32 s26, $0x1;
	_ =	strace $0x8000004C;
	[dreg:$0x1] =	wrdreg $0xFFFFFFFF  }
0xa7: {  	s28 =	simm.s32 $_size_execute0_lowered;
	s2 =	sadd.s32 s2, s4;
	[dreg:$0x0] =	wrdreg $0x0  }
0xa8: {  	s4 =	sshll.u32 s28, $0x1;
	[dreg:$0x2] =	wrdreg s2  }
0xa9: {  	[dreg:$0x3] =	wrdreg s4  }
0xaa: {  	[dreg:$0x4] =	wrdreg $0xC0  }
0xab: {  	_ =	task [dreg:s6], $0x5FFFF  }
0xac: {  	[dreg:$0x1] =	wrdreg $0xFFFFFFFF  }
0xad: {  	[dreg:$0x0] =	wrdreg $0x60  }
0xae: {  	[dreg:$0x2] =	wrdreg s24  }
0xaf: {  	[dreg:$0x3] =	wrdreg $0x82000  }
0xb0: {  	[dreg:$0x4] =	wrdreg $0x9  }
0xb1: {  	_ =	task.clear_ibuf [dreg:s6], $0x5FFFF;
	_ =	strace $0x9000004C  }
0xb2: {  	s29 =	simm.s32 $0x9;
	_ =	strace $0x8000004E  }
0xb3: {  	_ =	swait.ge [sflag:s29], $0x1  }
0xb4: {  	[sflag:s29] =	ssyncadd.s32 $0xFFFFFFFF  }
0xb5: {  	_ =	strace $0x9000004E  }
0xb6: {  	_ =	sfence  }
0xb7: {  	s30 =	sld [smem:$0x0];
	_ =	sdelay $0x2  }
0xb8: {  	s31 =	sshll.u32 s1, $0xD;
	s1 =	sshrl.u32 s1, $0x2  }
0xb9: {  	s3 =	sand.u32 $0x4000, s31;
	s1 =	sadd.s32 s1, s30  }
0xba: {  	s0 =	sor.u32 s3, s0;
	s1 =	sshll.u32 s1, $0x11  }
0xbb: {  	s0 =	sor.u32 s1, s0  }
0xbc: {  	s0 =	sadd.s32 $0x8F2B, s0  }
0xbd: {  	[sflag:s0] =	ssyncadd.remote.s32 $0x1  }
0xbe: {  	_ =	sfence.sel $0xFFFF  }
0xbf: {  	[dreg:$0x0] =	wrdreg $0xFFFFFFFF;
	(pc) =	sbr.abs _section_cstart, $3  }
0xc0: {  	[dreg:$0x1] =	wrdreg $0xFFFFFFFF  }
0xc1: {  	_ =	task.clear_ibuf [dreg:s6], $0x2FFFF;
	_ =	strace $0x9FFFFFFF  }
0xc2: {  	(tm) =	ssettm $0x7FFFFFFF  }
0xc3: {  	_ =	shalt  }
tec
execute0_lowered:
.L_overlay_start_1:
0x0: {  	(tag) =	ssettag $0x1  }
0x1: {  	s0 =	rddreg [dreg:$0x0]  }
0x2: {  	s1 =	srdreg.scid;
	s2 =	rddreg [dreg:$0x1]  }
0x3: {  	s22 =	stileid.u32;
	s3 =	simm.s32 $0x0;
	s21 =	simm.s32 $0x3  }
0x4: {  	s28 =	simm.s32 $0x2;
	s29 =	simm.s32 $0x0;
	s8 =	sand.u32 $0x1, s1  }
0x5: {  	s6 =	smul.u32 $0x13C00, s22;
	[smem:$0x7FF] =	sst s3;
	s4 =	sadd.s32 $0xDC00, s0  }
0x6: {  	s19 =	sadd.s32 $0x5CC00, s0;
	s23 =	smul.u32 $0x4F000, s22;
	s18 =	sadd.s32 $0x3C00, s0  }
0x7: {  	s24 =	sshll.u32 s22, $0x1;
	s12 =	smul.u32 $0x5000, s22;
	s22 =	simm.s32 $0x100  }
0x8: {  	s5 =	smul.u32 $0x13C000, s8;
	_ =	strace $0x8000004D;
	s7 =	ssub.s32 $0x2, s8  }
0x9: {  	s9 =	sor.u32 s8, s24;
	s14 =	smul.u32 $0x2800, s8;
	s24 =	simm.s32 $0x180  }
0xa: {  	s25 =	sshrl.u32 s23, $0x2;
	s26 =	sshrl.u32 s7, $0x1;
	s9 =	smul.u32 $0x2800, s9  }
0xb: {  	s23 =	simm.s32 $0x80;
	s5 =	sadd.s32 s6, s5;
	s15 =	ssub.s32 s7, s26  }
0xc: {  	s16 =	sadd.s32 s14, s12;
	s26 =	simm.s32 $0x1;
	s5 =	sshrl.u32 s5, $0x3  }
0xd: {  	s13 =	sshrl.u32 s9, $0x3;
	s17 =	sor.u32 $0x180, s16;
	s31 =	sor.u32 $0x100, s16  }
0xe: {  	s15 =	smax.u32 s15, $0x1;
	s0 =	sadd.s32 s5, s0;
	s5 =	sadd.s32 s25, s2  }
0xf: {  	s10 =	sadd.s32 s19, s13;
	s11 =	sadd.s32 s18, s13;
	s13 =	sor.u32 $0x10, s13  }
0x10: {  	s30 =	sshrl.u32 s17, $0x3;
	s20 =	sshrl.u32 s31, $0x3;
	s25 =	simm.s32 $0x4200  }
0x11: {  	s6 =	sadd.s32 $0x4000, s5;
	s7 =	sadd.s32 $0x8000, s5;
	s8 =	sadd.s32 $0xC000, s5  }
0x12: {  	s9 =	sadd.s32 $0x10000, s5;
	s12 =	sadd.s32 s19, s13;
	s13 =	sadd.s32 s18, s13  }
0x13: {  	s14 =	sadd.s32 $0x66C00, s0;
	s16 =	sadd.s32 s30, s18;
	s17 =	sadd.s32 s30, s19  }
0x14: {  	v0 =	vimm.f32 $0.0e+00;
	s18 =	sadd.s32 s20, s18;
	s19 =	sadd.s32 s20, s19;
	s20 =	simm.s32 $0x200  }
.LBB2_1:
0x15: {  	s0 =	sand.u32 $0xFE00, s3  }
0x16: {  	s31 =	sand.u32 $0x70, s3;
	s0 =	sshrl.u32 s0, $0x2  }
0x17: {  	s30 =	simm.s32 $0x40;
	s0 =	sor.u32 s31, s0;
	s31 =	simm.s32 $0x0  }
.LBB2_2:
0x18: {  	p0 =	sne.s32 s30, $0xFFC0  }
0x19: {  	[tilespmem:s0+$0x200] =	vst v0;
	s31 =	sadd.s32 $0x10, s31;
	s0 =	smov.u32 s30;
	s30 =	sadd.s32 $0x40, s30  }
.Ltmp0:
0x1a: {  	(pc) =	sbr.rel @p0 .LBB2_2-.Ltmp0, $4  }
0x1b: {  	_ = 	snop  }
0x1c: {  	s0 =	sand.u32 $0xFE00, s0  }
0x1d: {  	s1 =	sand.u32 $0x70, s31;
	s0 =	sshrl.u32 s0, $0x2  }
0x1e: {  	s0 =	sor.u32 s1, s0  }
0x1f: {  	[tilespmem:s0+$0x200] =	vst v0  }
0x20: {  	[spmem:s5] =	stream.linear.scatter [tilespmem:s20], [sflag:$0x3], $0x4000, $0x38;
	[tilespmem:$0x1BE00] =	vst v63  }
0x21: {  	_ =	swait.ge [sflag:s21], $0x4000  }
0x22: {  	[sflag:s21] =	ssyncset.done $0x0  }
0x23: {  	[sflag:s21] =	ssyncadd.s32 $0xFFFFC000  }
0x24: {  	[spmem:s6] =	stream.linear.scatter [tilespmem:s20], [sflag:$0x3], $0x4000, $0x38;
	[tilespmem:$0x1BE00] =	vst v63  }
0x25: {  	_ =	swait.ge [sflag:s21], $0x4000  }
0x26: {  	[sflag:s21] =	ssyncset.done $0x0  }
0x27: {  	[sflag:s21] =	ssyncadd.s32 $0xFFFFC000  }
0x28: {  	[spmem:s7] =	stream.linear.scatter [tilespmem:s20], [sflag:$0x3], $0x4000, $0x38;
	[tilespmem:$0x1BE00] =	vst v63  }
0x29: {  	_ =	swait.ge [sflag:s21], $0x4000  }
0x2a: {  	[sflag:s21] =	ssyncset.done $0x0  }
0x2b: {  	[sflag:s21] =	ssyncadd.s32 $0xFFFFC000  }
0x2c: {  	[spmem:s8] =	stream.linear.scatter [tilespmem:s20], [sflag:$0x3], $0x4000, $0x38;
	[tilespmem:$0x1BE00] =	vst v63  }
0x2d: {  	_ =	swait.ge [sflag:s21], $0x4000  }
0x2e: {  	[sflag:s21] =	ssyncset.done $0x0  }
0x2f: {  	[sflag:s21] =	ssyncadd.s32 $0xFFFFC000  }
0x30: {  	[spmem:s9] =	stream.linear.scatter [tilespmem:s20], [sflag:$0x3], $0x3C00, $0x38;
	[tilespmem:$0x1BE00] =	vst v63  }
0x31: {  	_ =	swait.ge [sflag:s21], $0x3C00  }
0x32: {  	[sflag:s21] =	ssyncset.done $0x0  }
0x33: {  	[sflag:s21] =	ssyncadd.s32 $0xFFFFC400  }
0x34: {  	s31 =	simm.s32 $0x0;
	[bflag:$0x0] =	sbarrier.arrive $0xFFFF  }
0x35: {  	[tilespmem:s31], [sflag:$0x3] =	stream.linear.gather [hbm4b:s10+s31], $0x80, $0x38;
	[tilespmem:$0x1BE00] =	vst v63  }
0x36: {  	_ =	swait.ge [sflag:s21], $0x80  }
0x37: {  	[sflag:s21] =	ssyncset.done $0x0  }
0x38: {  	[sflag:s21] =	ssyncadd.s32 $0xFFFFFF80  }
0x39: {  	[tilespmem:s22], [sflag:$0x3] =	stream.linear.gather [hbm4b:s11+s31], $0x80, $0x38;
	[tilespmem:$0x1BE00] =	vst v63  }
0x3a: {  	_ =	swait.ge [sflag:s21], $0x80  }
0x3b: {  	[sflag:s21] =	ssyncset.done $0x0  }
0x3c: {  	[sflag:s21] =	ssyncadd.s32 $0xFFFFFF80  }
0x3d: {  	[tilespmem:s23], [sflag:$0x3] =	stream.linear.gather [hbm4b:s12+s31], $0x80, $0x38;
	[tilespmem:$0x1BE00] =	vst v63  }
0x3e: {  	_ =	swait.ge [sflag:s21], $0x80  }
0x3f: {  	[sflag:s21] =	ssyncset.done $0x0  }
0x40: {  	[sflag:s21] =	ssyncadd.s32 $0xFFFFFF80  }
0x41: {  	[tilespmem:s24], [sflag:$0x3] =	stream.linear.gather [hbm4b:s13+s31], $0x80, $0x38;
	[tilespmem:$0x1BE00] =	vst v63  }
0x42: {  	_ =	swait.ge [sflag:s21], $0x80  }
0x43: {  	[sflag:s21] =	ssyncset.done $0x0  }
0x44: {  	[sflag:s21] =	ssyncadd.s32 $0xFFFFFF80  }
0x45: {  	[tilespmem:s20], [sflag:$0x1] =	stream.indirect.gather [hbm4b:s4+s23], $0x80, s31, s23, $0xb8;
	[tilespmem:$0x1BE00] =	vst v63  }
0x46: {  	_ = 	snop  }
0x47: {  	[tilespmem:s25], [sflag:$0x2] =	stream.indirect.gather [hbm4b:s4+s23], $0x80, s23, s23, $0xb8;
	[tilespmem:$0x1BE00] =	vst v63  }
0x48: {  	_ =	swait.ge [sflag:s26], $0x4000  }
0x49: {  	[sflag:s26] =	ssyncset.done $0x0  }
0x4a: {  	[sflag:s26] =	ssyncadd.s32 $0xFFFFC000  }
0x4b: {  	[spmem:s2] =	stream.indirect.scatter.add.f32 [tilespmem:s20], [sflag:$0x3], $0x80, s22, s23, $0xb8;
	[tilespmem:$0x1BE00] =	vst v63  }
0x4c: {  	_ =	swait.ge [sflag:s21], $0x4000  }
0x4d: {  	[sflag:s21] =	ssyncset.done $0x0  }
0x4e: {  	s1 =	sadd.s32 $0x0, s19;
	[sflag:s21] =	ssyncadd.s32 $0xFFFFC000  }
0x4f: {  	[tilespmem:s3], [sflag:$0x3] =	stream.linear.gather [hbm4b:s1+s3], $0x80, $0x38;
	[tilespmem:$0x1BE00] =	vst v63  }
0x50: {  	_ =	swait.ge [sflag:s21], $0x80  }
0x51: {  	[sflag:s21] =	ssyncset.done $0x0  }
0x52: {  	s31 =	sadd.s32 $0x0, s18;
	[sflag:s21] =	ssyncadd.s32 $0xFFFFFF80  }
0x53: {  	[tilespmem:s22], [sflag:$0x3] =	stream.linear.gather [hbm4b:s31+s3], $0x80, $0x38;
	[tilespmem:$0x1BE00] =	vst v63  }
0x54: {  	_ =	swait.ge [sflag:s21], $0x80  }
0x55: {  	[sflag:s21] =	ssyncset.done $0x0  }
0x56: {  	[sflag:s21] =	ssyncadd.s32 $0xFFFFFF80  }
0x57: {  	[tilespmem:s20], [sflag:$0x1] =	stream.indirect.gather [hbm4b:s4+s23], $0x80, s3, s23, $0xb8;
	[tilespmem:$0x1BE00] =	vst v63  }
0x58: {  	_ =	swait.ge [sflag:s28], $0x4000  }
0x59: {  	[sflag:s28] =	ssyncset.done $0x0  }
0x5a: {  	[sflag:s28] =	ssyncadd.s32 $0xFFFFC000  }
0x5b: {  	[spmem:s2] =	stream.indirect.scatter.add.f32 [tilespmem:s25], [sflag:$0x3], $0x80, s24, s23, $0xb8;
	[tilespmem:$0x1BE00] =	vst v63  }
0x5c: {  	_ =	swait.ge [sflag:s21], $0x4000  }
0x5d: {  	[sflag:s21] =	ssyncset.done $0x0  }
0x5e: {  	s1 =	sadd.s32 $0x0, s17;
	[sflag:s21] =	ssyncadd.s32 $0xFFFFC000  }
0x5f: {  	[tilespmem:s23], [sflag:$0x3] =	stream.linear.gather [hbm4b:s1+s3], $0x80, $0x38;
	[tilespmem:$0x1BE00] =	vst v63  }
0x60: {  	_ =	swait.ge [sflag:s21], $0x80  }
0x61: {  	[sflag:s21] =	ssyncset.done $0x0  }
0x62: {  	s31 =	sadd.s32 $0x0, s16;
	[sflag:s21] =	ssyncadd.s32 $0xFFFFFF80  }
0x63: {  	[tilespmem:s24], [sflag:$0x3] =	stream.linear.gather [hbm4b:s31+s3], $0x80, $0x38;
	[tilespmem:$0x1BE00] =	vst v63  }
0x64: {  	_ =	swait.ge [sflag:s21], $0x80  }
0x65: {  	[sflag:s21] =	ssyncset.done $0x0  }
0x66: {  	s30 =	simm.s32 $0x20;
	[sflag:s21] =	ssyncadd.s32 $0xFFFFFF80  }
.LBB2_4:
0x67: {  	[tilespmem:s25], [sflag:$0x2] =	stream.indirect.gather [hbm4b:s4+s23], $0x80, s23, s23, $0xb8;
	[tilespmem:$0x1BE00] =	vst v63  }
0x68: {  	s0 =	smov.u32 s30  }
0x69: {  	p0 =	sne.s32 s30, $0x4C0;
	s30 =	sadd.s32 $0x20, s30;
	_ =	swait.ge [sflag:s26], $0x4000  }
0x6a: {  	[sflag:s26] =	ssyncset.done $0x0  }
0x6b: {  	[sflag:s26] =	ssyncadd.s32 $0xFFFFC000  }
0x6c: {  	[spmem:s2] =	stream.indirect.scatter.add.f32 [tilespmem:s20], [sflag:$0x3], $0x80, s22, s23, $0xb8;
	[tilespmem:$0x1BE00] =	vst v63  }
0x6d: {  	_ =	swait.ge [sflag:s21], $0x4000  }
0x6e: {  	[sflag:s21] =	ssyncset.done $0x0  }
0x6f: {  	s1 =	sadd.s32 s0, s19;
	[sflag:s21] =	ssyncadd.s32 $0xFFFFC000  }
0x70: {  	[tilespmem:s3], [sflag:$0x3] =	stream.linear.gather [hbm4b:s1+s3], $0x80, $0x38;
	[tilespmem:$0x1BE00] =	vst v63  }
0x71: {  	_ =	swait.ge [sflag:s21], $0x80  }
0x72: {  	[sflag:s21] =	ssyncset.done $0x0  }
0x73: {  	s1 =	sadd.s32 s0, s18;
	[sflag:s21] =	ssyncadd.s32 $0xFFFFFF80  }
0x74: {  	[tilespmem:s22], [sflag:$0x3] =	stream.linear.gather [hbm4b:s1+s3], $0x80, $0x38;
	[tilespmem:$0x1BE00] =	vst v63  }
0x75: {  	_ =	swait.ge [sflag:s21], $0x80  }
0x76: {  	[sflag:s21] =	ssyncset.done $0x0  }
0x77: {  	[sflag:s21] =	ssyncadd.s32 $0xFFFFFF80  }
0x78: {  	[tilespmem:s20], [sflag:$0x1] =	stream.indirect.gather [hbm4b:s4+s23], $0x80, s3, s23, $0xb8;
	[tilespmem:$0x1BE00] =	vst v63  }
0x79: {  	_ =	swait.ge [sflag:s28], $0x4000  }
0x7a: {  	[sflag:s28] =	ssyncset.done $0x0  }
0x7b: {  	[sflag:s28] =	ssyncadd.s32 $0xFFFFC000  }
0x7c: {  	[spmem:s2] =	stream.indirect.scatter.add.f32 [tilespmem:s25], [sflag:$0x3], $0x80, s24, s23, $0xb8;
	[tilespmem:$0x1BE00] =	vst v63  }
0x7d: {  	_ =	swait.ge [sflag:s21], $0x4000  }
0x7e: {  	[sflag:s21] =	ssyncset.done $0x0  }
0x7f: {  	s1 =	sadd.s32 s0, s17;
	[sflag:s21] =	ssyncadd.s32 $0xFFFFC000  }
0x80: {  	[tilespmem:s23], [sflag:$0x3] =	stream.linear.gather [hbm4b:s1+s3], $0x80, $0x38;
	[tilespmem:$0x1BE00] =	vst v63  }
0x81: {  	_ =	swait.ge [sflag:s21], $0x80  }
0x82: {  	[sflag:s21] =	ssyncset.done $0x0  }
.Ltmp1:
0x83: {  	s0 =	sadd.s32 s0, s16;
	[sflag:s21] =	ssyncadd.s32 $0xFFFFFF80;
	(pc) =	sbr.rel @p0 .LBB2_4-.Ltmp1, $4  }
0x84: {  	[tilespmem:s24], [sflag:$0x3] =	stream.linear.gather [hbm4b:s0+s3], $0x80, $0x38;
	[tilespmem:$0x1BE00] =	vst v63  }
0x85: {  	_ =	swait.ge [sflag:s21], $0x80  }
0x86: {  	[sflag:s21] =	ssyncset.done $0x0  }
0x87: {  	[sflag:s21] =	ssyncadd.s32 $0xFFFFFF80  }
0x88: {  	[tilespmem:s25], [sflag:$0x2] =	stream.indirect.gather [hbm4b:s4+s23], $0x80, s23, s23, $0xb8;
	[tilespmem:$0x1BE00] =	vst v63  }
0x89: {  	_ =	swait.ge [sflag:s26], $0x4000  }
0x8a: {  	[sflag:s26] =	ssyncset.done $0x0  }
0x8b: {  	[sflag:s26] =	ssyncadd.s32 $0xFFFFC000  }
0x8c: {  	[spmem:s2] =	stream.indirect.scatter.add.f32 [tilespmem:s20], [sflag:$0x3], $0x80, s22, s23, $0xb8;
	[tilespmem:$0x1BE00] =	vst v63  }
0x8d: {  	_ =	swait.ge [sflag:s21], $0x4000  }
0x8e: {  	[sflag:s21] =	ssyncset.done $0x0  }
0x8f: {  	[sflag:s21] =	ssyncadd.s32 $0xFFFFC000  }
0x90: {  	_ =	swait.ge [sflag:s28], $0x4000  }
0x91: {  	[sflag:s28] =	ssyncset.done $0x0  }
0x92: {  	[sflag:s28] =	ssyncadd.s32 $0xFFFFC000  }
0x93: {  	[spmem:s2] =	stream.indirect.scatter.add.f32 [tilespmem:s25], [sflag:$0x3], $0x80, s24, s23, $0xb8;
	[tilespmem:$0x1BE00] =	vst v63  }
0x94: {  	s0 =	stileid.u32;
	_ =	swait.ge [sflag:s21], $0x4000  }
0x95: {  	s1 =	sshrl.u32 s5, $0x3;
	s29 =	sadd.s32 $0x1, s29;
	[sflag:s21] =	ssyncset.done $0x0  }
0x96: {  	s0 =	sshll.u32 s0, $0x6;
	p0 =	sne.s32 s29, s15;
	[sflag:s21] =	ssyncadd.s32 $0xFFFFC000  }
.Ltmp2:
0x97: {  	s0 =	sor.u32 $0x1C03, s0;
	[bflag:$0x0] =	sbarrier.arrive $0xFFFF;
	(pc) =	sbr.rel @p0 .LBB2_1-.Ltmp2, $4  }
0x98: {  	[hbm:s14], [sflag:s0] =	dma.local [spmem:s1], $0x2780  }
0x99: {  	_ =	swait.ge [sflag:s21], $0x2780  }
0x9a: {  	[sflag:s21] =	ssyncset.done $0x0  }
0x9b: {  	[sflag:s21] =	ssyncadd.s32 $0xFFFFD880  }
0x9c: {  	_ =	sfence.sel $0x180000  }
0x9d: {  	[bflag:$0x0] =	sbarrier.arrive $0xFFFF  }
0x9e: {  	_ =	strace $0x9000004D  }
0x9f: {  	s0 =	stileid.u32;
	[bflag:$0x2] =	sbarrier.arrive $0xFFFF  }
0xa0: {  	p0 =	sne.s32 s0, $0x0;
	s0 =	rddreg [dreg:$0x2]  }
0xa1: {  	s0 =	sadd.s32 @!p0 $0x100000, s0  }
0xa2: {  	[sflag:s0] =	ssyncadd.tile.s32 @!p0 $0x1;
	_ =	shalt  }
.Lfunc_end2:
_tile_overlayer_lowered:
.L_overlay_start_2:
0xa3: {  	(tag) =	ssettag $0x2  }
0xa4: {  	s0 =	rddreg [dreg:$0x0];
	s2 =	stileid.u32  }
0xa5: {  	s1 =	rddreg [dreg:$0x1];
	p0 =	sne.s32 s2, $0x0  }
0xa6: {  	s3 =	rddreg [dreg:$0x2];
	[bflag:$0x3] =	sbarrier.arrive $0xFFFF;
	s2 =	simm.s32 @!p0 $0x1C03  }
0xa7: {  	[timem:s3], [sflag:s2] =	dma.local @!p0 [hbm:s0], s1  }
0xa8: {  	s0 =	simm.s32 @!p0 $0x3  }
0xa9: {  	_ =	swait.ge @!p0 [sflag:s0], s1  }
0xaa: {  	s1 =	ssub.s32 @!p0 $0x0, s1;
	[sflag:s0] =	ssyncset.done @!p0 $0x0  }
0xab: {  	[sflag:s0] =	ssyncadd.s32 @!p0 s1  }
0xac: {  	[bflag:$0x3] =	sbarrier.arrive $0xFFFF  }
0xad: {  	_ =	shalt  }

// kernel: kernel.19.cloned.1.call-start
scs
__scs_entry_jumppad:
0x0: {  	(pc) =	sbr.rel $0x88, $3  }
0x1: {  	(tag) =	ssettag $0x0;
	lr =	simm.s32 $0x1  }
0x2: {  	[smem:$0x3F97] =	sst lr;
	_ =	strace $0xD0000000  }
0x3: {  	_ = 	snop  }
0x4: {  	_ = 	snop  }
0x5: {  	_ = 	snop  }
0x6: {  	_ = 	snop  }
0x7: {  	_ = 	snop  }
__scs_overlays_trampoline_lowered:
0x8: {  	[smem:$0x3FA6] =	sst s0  }
0x9: {  	[smem:$0x3FA7] =	sst s1  }
0xa: {  	[smem:$0x3FA8] =	sst s2  }
0xb: {  	[smem:$0x3FA9] =	sst s3  }
0xc: {  	[smem:$0x3FAA] =	sst s4  }
0xd: {  	[smem:$0x3FAB] =	sst s5  }
0xe: {  	[smem:$0x3FAC] =	sst s6  }
0xf: {  	[smem:$0x3FAD] =	sst s7  }
0x10: {  	[smem:$0x3FAE] =	sst s8  }
0x11: {  	[smem:$0x3FAF] =	sst s9;
	s0 =	simm.s32 @!p0 $0x0  }
0x12: {  	s1 =	sld [smem:$0x3F95];
	s0 =	simm.s32 @p0 $0x1  }
0x13: {  	[smem:$0x3FB0] =	sst s0;
	s0 =	simm.s32 @!p1 $0x0  }
0x14: {  	s2 =	sld [smem:$0x3F94];
	s0 =	simm.s32 @p1 $0x1  }
0x15: {  	[smem:$0x3FB1] =	sst s0;
	s0 =	simm.s32 @!p2 $0x0  }
0x16: {  	s3 =	sld [smem:$0x3FDB];
	s0 =	simm.s32 @p2 $0x1  }
0x17: {  	s4 =	simm.s32 $0x1BF5;
	[smem:$0x3FB3] =	sst s0  }
0x18: {  	s0 =	sld [smem:$0x3F96];
	_ =	swait.ge [sflag:s4], $0x0  }
0x19: {  	s7 =	sld [smem:$0x3F97]  }
0x1a: {  	s8 =	sadd.s32 $0xFFFFE003, lr  }
0x1b: {  	s9 =	sadd.s32 $0xFFFFFEF7, lr;
	s5 =	simm.s32 $0xFFFFFFFF;
	p2 =	slt.u32 s8, $0xFFFFF086  }
0x1c: {  	p1 =	slt.u32 s9, $0xF7A;
	s5 =	simm.s32 @!p2 $0x0  }
0x1d: {  	s5 =	simm.s32 @p1 $0x1;
	p0 =	seq.s32 s7, s2  }
0x1e: {  	s7 =	smul.u32 @!p0 $0xF7A, s2;
	p2 =	seq.s32 @!p0 s5, $0x0  }
0x1f: {  	s9 =	smul.u32 $0xF7A, s1;
	s8 =	simm.s32 @!p0 $0x1BF5;
	p2 =	por !p2, p0  }
0x20: {  	[sflag:s8] =	ssyncset.s32 @!p0 $0xFFFFF086;
	s6 =	sadd.s32 @!p0 s3, s7;
	s7 =	simm.s32 @!p0 $0x108  }
0x21: {  	s3 =	sadd.s32 s3, s9;
	s6 =	sadd.s32 @!p0 $0x88, s6;
	s7 =	simm.s32 @p2 $0x1082  }
0x22: {  	[simem:s7], [sflag:s8] =	dma.local @!p0 [hbm:s6], $0xF7A  }
0x23: {  	s9 =	sor.u32 $0xD0000000, s2;
	s6 =	simm.s32 $0x108;
	_ =	swait.ge @!p0 [sflag:s8], $0x0  }
0x24: {  	s3 =	sadd.s32 $0x88, s3;
	s6 =	simm.s32 @!p1 $0x1082;
	[sflag:s4] =	ssyncset.s32 $0xFFFFF086  }
0x25: {  	[simem:s6], [sflag:s4] =	dma.local [hbm:s3], $0xF7A  }
0x26: {  	[smem:$0x3F97] =	sst s1;
	(tag) =	ssettag s2;
	_ =	strace s9  }
0x27: {  	s1 =	sld [smem:$0x3FA7]  }
0x28: {  	s2 =	sld [smem:$0x3FA8]  }
0x29: {  	s4 =	sld [smem:$0x3FAA]  }
0x2a: {  	p0 =	seq.s32 s5, $0x0;
	s5 =	sld [smem:$0x3FAB]  }
0x2b: {  	s6 =	sld [smem:$0x3FAC]  }
0x2c: {  	s7 =	sld [smem:$0x3FAD]  }
0x2d: {  	s3 =	simm.s32 $0x108;
	s8 =	sld [smem:$0x3FAE]  }
0x2e: {  	s3 =	simm.s32 @!p0 $0x1082;
	s9 =	sld [smem:$0x3FAF]  }
0x2f: {  	lr =	sadd.s32 s0, s3;
	s0 =	sld [smem:$0x3FA6]  }
0x30: {  	s3 =	sld [smem:$0x3FA9]  }
0x31: {  	[smem:$0x3FB2] =	sst s10  }
0x32: {  	s10 =	sld [smem:$0x3FB0];
	_ =	sdelay $0x3  }
0x33: {  	p0 =	seq.s32 s10, $0x1;
	s10 =	sld [smem:$0x3FB2];
	_ =	sdelay $0x3  }
0x34: {  	[smem:$0x3FB2] =	sst s10  }
0x35: {  	s10 =	sld [smem:$0x3FB1];
	_ =	sdelay $0x3  }
0x36: {  	p1 =	seq.s32 s10, $0x1;
	s10 =	sld [smem:$0x3FB2];
	_ =	sdelay $0x3  }
0x37: {  	[smem:$0x3FB2] =	sst s10  }
0x38: {  	s10 =	sld [smem:$0x3FB3]  }
0x39: {  	_ = 	snop;
	(pc) =	sbr.ind lr, $3  }
0x3a: {  	_ = 	snop  }
0x3b: {  	_ = 	snop  }
0x3c: {  	p2 =	seq.s32 s10, $0x1;
	s10 =	sld [smem:$0x3FB2]  }
0x3d: {  	_ =	shalt  }
0x3e: {  	_ =	shalt  }
0x3f: {  	_ =	shalt  }
0x40: {  	_ =	shalt  }
0x41: {  	_ =	shalt  }
0x42: {  	_ =	shalt  }
0x43: {  	_ =	shalt  }
0x44: {  	_ =	shalt  }
0x45: {  	_ =	shalt  }
0x46: {  	_ =	shalt  }
0x47: {  	_ =	shalt  }
0x48: {  	_ =	shalt  }
0x49: {  	_ =	shalt  }
0x4a: {  	_ =	shalt  }
0x4b: {  	_ =	shalt  }
0x4c: {  	_ =	shalt  }
0x4d: {  	_ =	shalt  }
0x4e: {  	_ =	shalt  }
0x4f: {  	_ =	shalt  }
0x50: {  	_ =	shalt  }
0x51: {  	_ =	shalt  }
0x52: {  	_ =	shalt  }
0x53: {  	_ =	shalt  }
0x54: {  	_ =	shalt  }
0x55: {  	_ =	shalt  }
0x56: {  	_ =	shalt  }
0x57: {  	_ =	shalt  }
0x58: {  	_ =	shalt  }
0x59: {  	_ =	shalt  }
0x5a: {  	_ =	shalt  }
0x5b: {  	_ =	shalt  }
0x5c: {  	_ =	shalt  }
0x5d: {  	_ =	shalt  }
0x5e: {  	_ =	shalt  }
0x5f: {  	_ =	shalt  }
0x60: {  	_ =	shalt  }
0x61: {  	_ =	shalt  }
0x62: {  	_ =	shalt  }
0x63: {  	_ =	shalt  }
0x64: {  	_ =	shalt  }
0x65: {  	_ =	shalt  }
0x66: {  	_ =	shalt  }
0x67: {  	_ =	shalt  }
0x68: {  	_ =	shalt  }
0x69: {  	_ =	shalt  }
0x6a: {  	_ =	shalt  }
0x6b: {  	_ =	shalt  }
0x6c: {  	_ =	shalt  }
0x6d: {  	_ =	shalt  }
0x6e: {  	_ =	shalt  }
0x6f: {  	_ =	shalt  }
0x70: {  	_ =	shalt  }
0x71: {  	_ =	shalt  }
0x72: {  	_ =	shalt  }
0x73: {  	_ =	shalt  }
0x74: {  	_ =	shalt  }
0x75: {  	_ =	shalt  }
0x76: {  	_ =	shalt  }
0x77: {  	_ =	shalt  }
0x78: {  	_ =	shalt  }
0x79: {  	_ =	shalt  }
0x7a: {  	_ =	shalt  }
0x7b: {  	_ =	shalt  }
0x7c: {  	_ =	shalt  }
0x7d: {  	_ =	shalt  }
0x7e: {  	_ =	shalt  }
0x7f: {  	_ =	shalt  }
0x80: {  	_ =	shalt  }
0x81: {  	_ =	shalt  }
0x82: {  	_ =	shalt  }
0x83: {  	_ =	shalt  }
0x84: {  	_ =	shalt  }
0x85: {  	_ =	shalt  }
0x86: {  	_ =	shalt  }
0x87: {  	_ =	shalt  }
.Lfunc_end0:
.L_simem_size_0:
called_computation.3_lowered:
.L_overlay_start_0:
0x88: {  	s2 =	sld [smem:$0x3FD9]  }
0x89: {  	s3 =	sld [smem:$0x3FFE];
	_ =	sdelay $0x1  }
0x8a: {  	s1 =	srdreg.scid  }
0x8b: {  	s0 =	sand.u32 $0x1, s1  }
0x8c: {  	s17 =	sshll.u32 s0, $0xA;
	s2 =	sadd.s32 s3, s2  }
0x8d: {  	s2 =	sadd.s32 s2, s17  }
0x8e: {  	[smem:$0x3FBE] =	sst s2  }
0x8f: {  	_ = 	snop  }
0x90: {  	s2 =	sld [smem:$0x3FD0];
	(tm) =	ssettm $0x1  }
0x91: {  	s18 =	sld [smem:$0x3FFB];
	_ =	sdelay $0x3  }
0x92: {  	_ =	strace s18  }
0x93: {  	s3 =	sld [smem:$0x3FFC];
	_ =	sdelay $0x3  }
0x94: {  	_ =	strace s3  }
0x95: {  	s3 =	sld [smem:$0x3FFD];
	_ =	sdelay $0x3  }
0x96: {  	_ =	strace s3  }
0x97: {  	_ =	strace $0x8FFFFFFF  }
0x98: {  	s19 =	sld [smem:$0x3FDB];
	_ =	sdelay $0x1  }
0x99: {  	s4 =	simm.s32 $_scs_section_size  }
0x9a: {  	s5 =	simm.s32 $_size__tile_overlayer_lowered;
	s6 =	simm.s32 $_tile_overlayer_lowered  }
0x9b: {  	s22 =	simm.s32 $0x1BFF;
	s21 =	sshll.u32 s6, $0x1;
	s3 =	sadd.s32 s4, s19  }
0x9c: {  	s7 =	simm.s32 $0x0;
	s20 =	sshll.u32 s5, $0x1;
	s5 =	sadd.s32 s21, s3  }
0x9d: {  	[timem:s7], [sflag:s22] =	dma.local [hbm:s5], s20  }
0x9e: {  	_ =	swait.ge [sflag:s22], s20  }
0x9f: {  	s4 =	ssub.s32 $0x0, s20;
	[sflag:s22] =	ssyncset.done $0x0  }
0xa0: {  	[sflag:s22] =	ssyncadd.s32 s4;
	_ =	sdelay $0x1  }
0xa1: {  	s23 =	simm.s32 $0x1B8B  }
0xa2: {  	_ =	swait.ge [sflag:s23], $0x1  }
0xa3: {  	[sflag:s23] =	ssyncset.done $0x0  }
0xa4: {  	s25 =	simm.s32 $0x1B8E;
	s24 =	sld [smem:$0x3FFE];
	[sflag:s23] =	ssyncadd.s32 $0xFFFFFFFF  }
0xa5: {  	s26 =	simm.s32 $execute0_lowered;
	[smem:$0x3FD2] =	sst s25  }
0xa6: {  	s5 =	sshll.u32 s26, $0x1;
	_ =	strace $0x8000004F;
	[dreg:$0x1] =	wrdreg $0xFFFFFFFF  }
0xa7: {  	s28 =	simm.s32 $_size_execute0_lowered;
	s3 =	sadd.s32 s3, s5;
	[dreg:$0x0] =	wrdreg $0x0  }
0xa8: {  	s5 =	sshll.u32 s28, $0x1;
	[dreg:$0x2] =	wrdreg s3  }
0xa9: {  	[dreg:$0x3] =	wrdreg s5  }
0xaa: {  	[dreg:$0x4] =	wrdreg $0xC0  }
0xab: {  	_ =	task [dreg:s7], $0x5FFFF  }
0xac: {  	[dreg:$0x1] =	wrdreg $0xFFFFFFFF  }
0xad: {  	[dreg:$0x0] =	wrdreg $0x60  }
0xae: {  	[dreg:$0x2] =	wrdreg s2  }
0xaf: {  	[dreg:$0x3] =	wrdreg s24  }
0xb0: {  	[dreg:$0x4] =	wrdreg $0x82000  }
0xb1: {  	[dreg:$0x5] =	wrdreg $0x9  }
0xb2: {  	_ =	task.clear_ibuf [dreg:s7], $0x6FFFF;
	_ =	strace $0x9000004F  }
0xb3: {  	s29 =	simm.s32 $0x9;
	_ =	strace $0x80000051  }
0xb4: {  	_ =	swait.ge [sflag:s29], $0x1  }
0xb5: {  	[sflag:s29] =	ssyncadd.s32 $0xFFFFFFFF  }
0xb6: {  	_ =	strace $0x90000051  }
0xb7: {  	_ =	sfence  }
0xb8: {  	s30 =	sld [smem:$0x0];
	_ =	sdelay $0x2  }
0xb9: {  	s31 =	sshll.u32 s1, $0xD;
	s1 =	sshrl.u32 s1, $0x2  }
0xba: {  	s3 =	sand.u32 $0x4000, s31;
	s1 =	sadd.s32 s1, s30  }
0xbb: {  	s0 =	sor.u32 s3, s0;
	s1 =	sshll.u32 s1, $0x11  }
0xbc: {  	s0 =	sor.u32 s1, s0  }
0xbd: {  	s0 =	sadd.s32 $0x8F2B, s0  }
0xbe: {  	[sflag:s0] =	ssyncadd.remote.s32 $0x1  }
0xbf: {  	_ =	sfence.sel $0xFFFF  }
0xc0: {  	[dreg:$0x0] =	wrdreg $0xFFFFFFFF;
	(pc) =	sbr.abs _section_cstart, $3  }
0xc1: {  	[dreg:$0x1] =	wrdreg $0xFFFFFFFF  }
0xc2: {  	_ =	task.clear_ibuf [dreg:s7], $0x2FFFF;
	_ =	strace $0x9FFFFFFF  }
0xc3: {  	(tm) =	ssettm $0x7FFFFFFF  }
tec
execute0_lowered:
.L_overlay_start_1:
0x0: {  	(tag) =	ssettag $0x1  }
0x1: {  	s0 =	rddreg [dreg:$0x0]  }
0x2: {  	s1 =	rddreg [dreg:$0x1];
	s2 =	srdreg.scid  }
0x3: {  	s3 =	rddreg [dreg:$0x2];
	s22 =	stileid.u32;
	s4 =	simm.s32 $0x0  }
0x4: {  	s21 =	simm.s32 $0x3;
	s28 =	simm.s32 $0x2;
	s29 =	simm.s32 $0x0  }
0x5: {  	s8 =	sand.u32 $0x1, s2;
	s6 =	smul.u32 $0x13C00, s22;
	[smem:$0x7FF] =	sst s4  }
0x6: {  	s19 =	sadd.s32 $0x5CC00, s1;
	s23 =	smul.u32 $0x4F000, s22;
	s18 =	sadd.s32 $0x3C00, s1  }
0x7: {  	s24 =	sshll.u32 s22, $0x1;
	s12 =	smul.u32 $0x5000, s22;
	s22 =	simm.s32 $0x100  }
0x8: {  	s5 =	smul.u32 $0x13C000, s8;
	_ =	strace $0x80000050;
	s7 =	ssub.s32 $0x2, s8  }
0x9: {  	s9 =	sor.u32 s8, s24;
	s14 =	smul.u32 $0x2800, s8;
	s24 =	simm.s32 $0x180  }
0xa: {  	s25 =	sshrl.u32 s23, $0x2;
	s26 =	sshrl.u32 s7, $0x1;
	s9 =	smul.u32 $0x2800, s9  }
0xb: {  	s23 =	simm.s32 $0x80;
	s5 =	sadd.s32 s6, s5;
	s15 =	ssub.s32 s7, s26  }
0xc: {  	s16 =	sadd.s32 s14, s12;
	s26 =	simm.s32 $0x1;
	s5 =	sshrl.u32 s5, $0x3  }
0xd: {  	s13 =	sshrl.u32 s9, $0x3;
	s17 =	sor.u32 $0x180, s16;
	s31 =	sor.u32 $0x100, s16  }
0xe: {  	s15 =	smax.u32 s15, $0x1;
	s1 =	sadd.s32 s5, s1;
	s5 =	sadd.s32 s25, s3  }
0xf: {  	s10 =	sadd.s32 s19, s13;
	s11 =	sadd.s32 s18, s13;
	s13 =	sor.u32 $0x10, s13  }
0x10: {  	s30 =	sshrl.u32 s17, $0x3;
	s20 =	sshrl.u32 s31, $0x3;
	s25 =	simm.s32 $0x4200  }
0x11: {  	s6 =	sadd.s32 $0x4000, s5;
	s7 =	sadd.s32 $0x8000, s5;
	s8 =	sadd.s32 $0xC000, s5  }
0x12: {  	s9 =	sadd.s32 $0x10000, s5;
	s12 =	sadd.s32 s19, s13;
	s13 =	sadd.s32 s18, s13  }
0x13: {  	s14 =	sadd.s32 $0xDC00, s1;
	s16 =	sadd.s32 s30, s18;
	s17 =	sadd.s32 s30, s19  }
0x14: {  	v0 =	vimm.f32 $0.0e+00;
	s18 =	sadd.s32 s20, s18;
	s19 =	sadd.s32 s20, s19;
	s20 =	simm.s32 $0x200  }
.LBB2_1:
0x15: {  	s1 =	sand.u32 $0xFE00, s4  }
0x16: {  	s31 =	sand.u32 $0x70, s4;
	s1 =	sshrl.u32 s1, $0x2  }
0x17: {  	s30 =	simm.s32 $0x40;
	s1 =	sor.u32 s31, s1;
	s31 =	simm.s32 $0x0  }
.LBB2_2:
0x18: {  	p0 =	sne.s32 s30, $0xFFC0  }
0x19: {  	[tilespmem:s1+$0x200] =	vst v0;
	s31 =	sadd.s32 $0x10, s31;
	s1 =	smov.u32 s30;
	s30 =	sadd.s32 $0x40, s30  }
.Ltmp0:
0x1a: {  	(pc) =	sbr.rel @p0 .LBB2_2-.Ltmp0, $4  }
0x1b: {  	_ = 	snop  }
0x1c: {  	s1 =	sand.u32 $0xFE00, s1  }
0x1d: {  	s2 =	sand.u32 $0x70, s31;
	s1 =	sshrl.u32 s1, $0x2  }
0x1e: {  	s1 =	sor.u32 s2, s1  }
0x1f: {  	[tilespmem:s1+$0x200] =	vst v0  }
0x20: {  	[spmem:s5] =	stream.linear.scatter [tilespmem:s20], [sflag:$0x3], $0x4000, $0x38;
	[tilespmem:$0x1BE00] =	vst v63  }
0x21: {  	_ =	swait.ge [sflag:s21], $0x4000  }
0x22: {  	[sflag:s21] =	ssyncset.done $0x0  }
0x23: {  	[sflag:s21] =	ssyncadd.s32 $0xFFFFC000  }
0x24: {  	[spmem:s6] =	stream.linear.scatter [tilespmem:s20], [sflag:$0x3], $0x4000, $0x38;
	[tilespmem:$0x1BE00] =	vst v63  }
0x25: {  	_ =	swait.ge [sflag:s21], $0x4000  }
0x26: {  	[sflag:s21] =	ssyncset.done $0x0  }
0x27: {  	[sflag:s21] =	ssyncadd.s32 $0xFFFFC000  }
0x28: {  	[spmem:s7] =	stream.linear.scatter [tilespmem:s20], [sflag:$0x3], $0x4000, $0x38;
	[tilespmem:$0x1BE00] =	vst v63  }
0x29: {  	_ =	swait.ge [sflag:s21], $0x4000  }
0x2a: {  	[sflag:s21] =	ssyncset.done $0x0  }
0x2b: {  	[sflag:s21] =	ssyncadd.s32 $0xFFFFC000  }
0x2c: {  	[spmem:s8] =	stream.linear.scatter [tilespmem:s20], [sflag:$0x3], $0x4000, $0x38;
	[tilespmem:$0x1BE00] =	vst v63  }
0x2d: {  	_ =	swait.ge [sflag:s21], $0x4000  }
0x2e: {  	[sflag:s21] =	ssyncset.done $0x0  }
0x2f: {  	[sflag:s21] =	ssyncadd.s32 $0xFFFFC000  }
0x30: {  	[spmem:s9] =	stream.linear.scatter [tilespmem:s20], [sflag:$0x3], $0x3C00, $0x38;
	[tilespmem:$0x1BE00] =	vst v63  }
0x31: {  	_ =	swait.ge [sflag:s21], $0x3C00  }
0x32: {  	[sflag:s21] =	ssyncset.done $0x0  }
0x33: {  	[sflag:s21] =	ssyncadd.s32 $0xFFFFC400  }
0x34: {  	s31 =	simm.s32 $0x0;
	[bflag:$0x0] =	sbarrier.arrive $0xFFFF  }
0x35: {  	[tilespmem:s31], [sflag:$0x3] =	stream.linear.gather [hbm4b:s10+s31], $0x80, $0x38;
	[tilespmem:$0x1BE00] =	vst v63  }
0x36: {  	_ =	swait.ge [sflag:s21], $0x80  }
0x37: {  	[sflag:s21] =	ssyncset.done $0x0  }
0x38: {  	[sflag:s21] =	ssyncadd.s32 $0xFFFFFF80  }
0x39: {  	[tilespmem:s22], [sflag:$0x3] =	stream.linear.gather [hbm4b:s11+s31], $0x80, $0x38;
	[tilespmem:$0x1BE00] =	vst v63  }
0x3a: {  	_ =	swait.ge [sflag:s21], $0x80  }
0x3b: {  	[sflag:s21] =	ssyncset.done $0x0  }
0x3c: {  	[sflag:s21] =	ssyncadd.s32 $0xFFFFFF80  }
0x3d: {  	[tilespmem:s23], [sflag:$0x3] =	stream.linear.gather [hbm4b:s12+s31], $0x80, $0x38;
	[tilespmem:$0x1BE00] =	vst v63  }
0x3e: {  	_ =	swait.ge [sflag:s21], $0x80  }
0x3f: {  	[sflag:s21] =	ssyncset.done $0x0  }
0x40: {  	[sflag:s21] =	ssyncadd.s32 $0xFFFFFF80  }
0x41: {  	[tilespmem:s24], [sflag:$0x3] =	stream.linear.gather [hbm4b:s13+s31], $0x80, $0x38;
	[tilespmem:$0x1BE00] =	vst v63  }
0x42: {  	_ =	swait.ge [sflag:s21], $0x80  }
0x43: {  	[sflag:s21] =	ssyncset.done $0x0  }
0x44: {  	[sflag:s21] =	ssyncadd.s32 $0xFFFFFF80  }
0x45: {  	[tilespmem:s20], [sflag:$0x1] =	stream.indirect.gather [hbm4b:s0+s23], $0x80, s31, s23, $0xb8;
	[tilespmem:$0x1BE00] =	vst v63  }
0x46: {  	_ = 	snop  }
0x47: {  	[tilespmem:s25], [sflag:$0x2] =	stream.indirect.gather [hbm4b:s0+s23], $0x80, s23, s23, $0xb8;
	[tilespmem:$0x1BE00] =	vst v63  }
0x48: {  	_ =	swait.ge [sflag:s26], $0x4000  }
0x49: {  	[sflag:s26] =	ssyncset.done $0x0  }
0x4a: {  	[sflag:s26] =	ssyncadd.s32 $0xFFFFC000  }
0x4b: {  	[spmem:s3] =	stream.indirect.scatter.add.f32 [tilespmem:s20], [sflag:$0x3], $0x80, s22, s23, $0xb8;
	[tilespmem:$0x1BE00] =	vst v63  }
0x4c: {  	_ =	swait.ge [sflag:s21], $0x4000  }
0x4d: {  	[sflag:s21] =	ssyncset.done $0x0  }
0x4e: {  	s2 =	sadd.s32 $0x0, s19;
	[sflag:s21] =	ssyncadd.s32 $0xFFFFC000  }
0x4f: {  	[tilespmem:s4], [sflag:$0x3] =	stream.linear.gather [hbm4b:s2+s4], $0x80, $0x38;
	[tilespmem:$0x1BE00] =	vst v63  }
0x50: {  	_ =	swait.ge [sflag:s21], $0x80  }
0x51: {  	[sflag:s21] =	ssyncset.done $0x0  }
0x52: {  	s31 =	sadd.s32 $0x0, s18;
	[sflag:s21] =	ssyncadd.s32 $0xFFFFFF80  }
0x53: {  	[tilespmem:s22], [sflag:$0x3] =	stream.linear.gather [hbm4b:s31+s4], $0x80, $0x38;
	[tilespmem:$0x1BE00] =	vst v63  }
0x54: {  	_ =	swait.ge [sflag:s21], $0x80  }
0x55: {  	[sflag:s21] =	ssyncset.done $0x0  }
0x56: {  	[sflag:s21] =	ssyncadd.s32 $0xFFFFFF80  }
0x57: {  	[tilespmem:s20], [sflag:$0x1] =	stream.indirect.gather [hbm4b:s0+s23], $0x80, s4, s23, $0xb8;
	[tilespmem:$0x1BE00] =	vst v63  }
0x58: {  	_ =	swait.ge [sflag:s28], $0x4000  }
0x59: {  	[sflag:s28] =	ssyncset.done $0x0  }
0x5a: {  	[sflag:s28] =	ssyncadd.s32 $0xFFFFC000  }
0x5b: {  	[spmem:s3] =	stream.indirect.scatter.add.f32 [tilespmem:s25], [sflag:$0x3], $0x80, s24, s23, $0xb8;
	[tilespmem:$0x1BE00] =	vst v63  }
0x5c: {  	_ =	swait.ge [sflag:s21], $0x4000  }
0x5d: {  	[sflag:s21] =	ssyncset.done $0x0  }
0x5e: {  	s2 =	sadd.s32 $0x0, s17;
	[sflag:s21] =	ssyncadd.s32 $0xFFFFC000  }
0x5f: {  	[tilespmem:s23], [sflag:$0x3] =	stream.linear.gather [hbm4b:s2+s4], $0x80, $0x38;
	[tilespmem:$0x1BE00] =	vst v63  }
0x60: {  	_ =	swait.ge [sflag:s21], $0x80  }
0x61: {  	[sflag:s21] =	ssyncset.done $0x0  }
0x62: {  	s31 =	sadd.s32 $0x0, s16;
	[sflag:s21] =	ssyncadd.s32 $0xFFFFFF80  }
0x63: {  	[tilespmem:s24], [sflag:$0x3] =	stream.linear.gather [hbm4b:s31+s4], $0x80, $0x38;
	[tilespmem:$0x1BE00] =	vst v63  }
0x64: {  	_ =	swait.ge [sflag:s21], $0x80  }
0x65: {  	[sflag:s21] =	ssyncset.done $0x0  }
0x66: {  	s30 =	simm.s32 $0x20;
	[sflag:s21] =	ssyncadd.s32 $0xFFFFFF80  }
.LBB2_4:
0x67: {  	[tilespmem:s25], [sflag:$0x2] =	stream.indirect.gather [hbm4b:s0+s23], $0x80, s23, s23, $0xb8;
	[tilespmem:$0x1BE00] =	vst v63  }
0x68: {  	s1 =	smov.u32 s30  }
0x69: {  	p0 =	sne.s32 s30, $0x4C0;
	s30 =	sadd.s32 $0x20, s30;
	_ =	swait.ge [sflag:s26], $0x4000  }
0x6a: {  	[sflag:s26] =	ssyncset.done $0x0  }
0x6b: {  	[sflag:s26] =	ssyncadd.s32 $0xFFFFC000  }
0x6c: {  	[spmem:s3] =	stream.indirect.scatter.add.f32 [tilespmem:s20], [sflag:$0x3], $0x80, s22, s23, $0xb8;
	[tilespmem:$0x1BE00] =	vst v63  }
0x6d: {  	_ =	swait.ge [sflag:s21], $0x4000  }
0x6e: {  	[sflag:s21] =	ssyncset.done $0x0  }
0x6f: {  	s2 =	sadd.s32 s1, s19;
	[sflag:s21] =	ssyncadd.s32 $0xFFFFC000  }
0x70: {  	[tilespmem:s4], [sflag:$0x3] =	stream.linear.gather [hbm4b:s2+s4], $0x80, $0x38;
	[tilespmem:$0x1BE00] =	vst v63  }
0x71: {  	_ =	swait.ge [sflag:s21], $0x80  }
0x72: {  	[sflag:s21] =	ssyncset.done $0x0  }
0x73: {  	s2 =	sadd.s32 s1, s18;
	[sflag:s21] =	ssyncadd.s32 $0xFFFFFF80  }
0x74: {  	[tilespmem:s22], [sflag:$0x3] =	stream.linear.gather [hbm4b:s2+s4], $0x80, $0x38;
	[tilespmem:$0x1BE00] =	vst v63  }
0x75: {  	_ =	swait.ge [sflag:s21], $0x80  }
0x76: {  	[sflag:s21] =	ssyncset.done $0x0  }
0x77: {  	[sflag:s21] =	ssyncadd.s32 $0xFFFFFF80  }
0x78: {  	[tilespmem:s20], [sflag:$0x1] =	stream.indirect.gather [hbm4b:s0+s23], $0x80, s4, s23, $0xb8;
	[tilespmem:$0x1BE00] =	vst v63  }
0x79: {  	_ =	swait.ge [sflag:s28], $0x4000  }
0x7a: {  	[sflag:s28] =	ssyncset.done $0x0  }
0x7b: {  	[sflag:s28] =	ssyncadd.s32 $0xFFFFC000  }
0x7c: {  	[spmem:s3] =	stream.indirect.scatter.add.f32 [tilespmem:s25], [sflag:$0x3], $0x80, s24, s23, $0xb8;
	[tilespmem:$0x1BE00] =	vst v63  }
0x7d: {  	_ =	swait.ge [sflag:s21], $0x4000  }
0x7e: {  	[sflag:s21] =	ssyncset.done $0x0  }
0x7f: {  	s2 =	sadd.s32 s1, s17;
	[sflag:s21] =	ssyncadd.s32 $0xFFFFC000  }
0x80: {  	[tilespmem:s23], [sflag:$0x3] =	stream.linear.gather [hbm4b:s2+s4], $0x80, $0x38;
	[tilespmem:$0x1BE00] =	vst v63  }
0x81: {  	_ =	swait.ge [sflag:s21], $0x80  }
0x82: {  	[sflag:s21] =	ssyncset.done $0x0  }
.Ltmp1:
0x83: {  	s1 =	sadd.s32 s1, s16;
	[sflag:s21] =	ssyncadd.s32 $0xFFFFFF80;
	(pc) =	sbr.rel @p0 .LBB2_4-.Ltmp1, $4  }
0x84: {  	[tilespmem:s24], [sflag:$0x3] =	stream.linear.gather [hbm4b:s1+s4], $0x80, $0x38;
	[tilespmem:$0x1BE00] =	vst v63  }
0x85: {  	_ =	swait.ge [sflag:s21], $0x80  }
0x86: {  	[sflag:s21] =	ssyncset.done $0x0  }
0x87: {  	[sflag:s21] =	ssyncadd.s32 $0xFFFFFF80  }
0x88: {  	[tilespmem:s25], [sflag:$0x2] =	stream.indirect.gather [hbm4b:s0+s23], $0x80, s23, s23, $0xb8;
	[tilespmem:$0x1BE00] =	vst v63  }
0x89: {  	_ =	swait.ge [sflag:s26], $0x4000  }
0x8a: {  	[sflag:s26] =	ssyncset.done $0x0  }
0x8b: {  	[sflag:s26] =	ssyncadd.s32 $0xFFFFC000  }
0x8c: {  	[spmem:s3] =	stream.indirect.scatter.add.f32 [tilespmem:s20], [sflag:$0x3], $0x80, s22, s23, $0xb8;
	[tilespmem:$0x1BE00] =	vst v63  }
0x8d: {  	_ =	swait.ge [sflag:s21], $0x4000  }
0x8e: {  	[sflag:s21] =	ssyncset.done $0x0  }
0x8f: {  	[sflag:s21] =	ssyncadd.s32 $0xFFFFC000  }
0x90: {  	_ =	swait.ge [sflag:s28], $0x4000  }
0x91: {  	[sflag:s28] =	ssyncset.done $0x0  }
0x92: {  	[sflag:s28] =	ssyncadd.s32 $0xFFFFC000  }
0x93: {  	[spmem:s3] =	stream.indirect.scatter.add.f32 [tilespmem:s25], [sflag:$0x3], $0x80, s24, s23, $0xb8;
	[tilespmem:$0x1BE00] =	vst v63  }
0x94: {  	s1 =	stileid.u32;
	_ =	swait.ge [sflag:s21], $0x4000  }
0x95: {  	s2 =	sshrl.u32 s5, $0x3;
	s29 =	sadd.s32 $0x1, s29;
	[sflag:s21] =	ssyncset.done $0x0  }
0x96: {  	s1 =	sshll.u32 s1, $0x6;
	p0 =	sne.s32 s29, s15;
	[sflag:s21] =	ssyncadd.s32 $0xFFFFC000  }
.Ltmp2:
0x97: {  	s1 =	sor.u32 $0x1C03, s1;
	[bflag:$0x0] =	sbarrier.arrive $0xFFFF;
	(pc) =	sbr.rel @p0 .LBB2_1-.Ltmp2, $4  }
0x98: {  	[hbm:s14], [sflag:s1] =	dma.local [spmem:s2], $0x2780  }
0x99: {  	_ =	swait.ge [sflag:s21], $0x2780  }
0x9a: {  	[sflag:s21] =	ssyncset.done $0x0  }
0x9b: {  	[sflag:s21] =	ssyncadd.s32 $0xFFFFD880  }
0x9c: {  	_ =	sfence.sel $0x180000  }
0x9d: {  	[bflag:$0x0] =	sbarrier.arrive $0xFFFF  }
0x9e: {  	_ =	strace $0x90000050  }
0x9f: {  	s0 =	stileid.u32;
	[bflag:$0x2] =	sbarrier.arrive $0xFFFF  }
0xa0: {  	p0 =	sne.s32 s0, $0x0;
	s0 =	rddreg [dreg:$0x3]  }
0xa1: {  	s0 =	sadd.s32 @!p0 $0x100000, s0  }
0xa2: {  	[sflag:s0] =	ssyncadd.tile.s32 @!p0 $0x1;
	_ =	shalt  }
.Lfunc_end2:
_tile_overlayer_lowered:
.L_overlay_start_2:
0xa3: {  	(tag) =	ssettag $0x2  }
0xa4: {  	s0 =	rddreg [dreg:$0x0];
	s2 =	stileid.u32  }
0xa5: {  	s1 =	rddreg [dreg:$0x1];
	p0 =	sne.s32 s2, $0x0  }
0xa6: {  	s3 =	rddreg [dreg:$0x2];
	[bflag:$0x3] =	sbarrier.arrive $0xFFFF;
	s2 =	simm.s32 @!p0 $0x1C03  }
0xa7: {  	[timem:s3], [sflag:s2] =	dma.local @!p0 [hbm:s0], s1  }
0xa8: {  	s0 =	simm.s32 @!p0 $0x3  }
0xa9: {  	_ =	swait.ge @!p0 [sflag:s0], s1  }
0xaa: {  	s1 =	ssub.s32 @!p0 $0x0, s1;
	[sflag:s0] =	ssyncset.done @!p0 $0x0  }
0xab: {  	[sflag:s0] =	ssyncadd.s32 @!p0 s1  }
0xac: {  	[bflag:$0x3] =	sbarrier.arrive $0xFFFF  }
0xad: {  	_ =	shalt  }

</sc_bundles>
